<compile_context>
chip_gen: v7x
topology: tpu7x:2x2x1
jax: 0.10.2.dev20260603
libtpu: 0.0.44.dev20260713+nightly
codegen_flags: <defaults>
</compile_context>

<pallas_src>
import jax
import jax.numpy as jnp
from jax import lax
from jax.experimental import pallas as pl
from jax.experimental.pallas import tpu as pltpu
from jax.experimental.pallas import tpu_sc as plsc

BATCH = 16384
LATENT = 32
NC = 2
NS = 16
NW = NC * NS
BPW = BATCH // NW
L = 16
EB = 4
NBLK = BPW // EB
NBLKP = NBLK + 4
DEPTH = 3
NSUP = 43
OPAD = 32


def _gd(x, idx):
    return lax.gather(
        x, idx.reshape(L, 1),
        lax.GatherDimensionNumbers(
            offset_dims=(), collapsed_slice_dims=(0,), start_index_map=(0,)),
        (1,), mode=lax.GatherScatterMode.PROMISE_IN_BOUNDS)


def _body(inv_hbm, stk_hbm, w_inv_hbm, w_stk_hbm, out_hbm,
          idx_i, idx_s, idxp_i, idxp_s, buf_i, buf_s, out_v,
          s0i, s0s, s1i, s1s, s2i, s2s):
    wid = lax.axis_index("s") * NC + lax.axis_index("c")
    base = wid * BPW
    lanes = lax.iota(jnp.int32, L)
    e4 = jnp.bitwise_and(lanes, 3)
    q4 = jnp.right_shift(lanes, 2)
    row_pat = e4 * LATENT + q4

    pltpu.sync_copy(inv_hbm.at[pl.ds(base, BPW)], idx_i)
    pltpu.sync_copy(stk_hbm.at[pl.ds(base, BPW)], idx_s)

    zero = jnp.zeros((L,), jnp.int32)
    for t in range(4):
        idxp_i[pl.ds((NBLK + t) * L, L)] = zero
        idxp_s[pl.ds((NBLK + t) * L, L)] = zero

    def stage_body(v, carry):
        xi = idx_i[pl.ds(pl.multiple_of(v * L, L), L)]
        xs = idx_s[pl.ds(pl.multiple_of(v * L, L), L)]
        for k in range(4):
            perm = e4 + 4 * k
            sl = pl.ds(pl.multiple_of((v * 4 + k) * L, L), L)
            idxp_i[sl] = _gd(xi, perm)
            idxp_s[sl] = _gd(xs, perm)
        return carry

    lax.fori_loop(0, BPW // L, stage_body, 0)

    sems = [(s0i, s0s), (s1i, s1s), (s2i, s2s)]

    def fire(b, slot):
        vi = idxp_i[pl.ds(pl.multiple_of(b * L, L), L)]
        vs = idxp_s[pl.ds(pl.multiple_of(b * L, L), L)]
        smi, sms = sems[slot]
        for j in range(EB):
            cbi = jnp.right_shift(vi[j], 7)
            cbs = jnp.right_shift(vs[j], 7)
            dsl = pl.ds((slot * EB + j) * LATENT, LATENT)
            pltpu.async_copy(
                w_inv_hbm.at[:, pl.ds(pl.multiple_of(cbi * 128, 128), 128)],
                buf_i.at[dsl, :], smi)
            pltpu.async_copy(
                w_stk_hbm.at[:, pl.ds(pl.multiple_of(cbs * 128, 128), 128)],
                buf_s.at[dsl, :], sms)

    def drain(slot):
        smi, sms = sems[slot]
        for j in range(EB):
            pltpu.make_async_copy(
                w_inv_hbm.at[:, pl.ds(0, 128)],
                buf_i.at[pl.ds(0, LATENT), :], smi).wait()
            pltpu.make_async_copy(
                w_stk_hbm.at[:, pl.ds(0, 128)],
                buf_s.at[pl.ds(0, LATENT), :], sms).wait()

    def extract_fma(b, slot, carry):
        vi = idxp_i[pl.ds(pl.multiple_of(b * L, L), L)]
        vs = idxp_s[pl.ds(pl.multiple_of(b * L, L), L)]
        col_i = jnp.bitwise_and(_gd(vi, e4), 127)
        col_s = jnp.bitwise_and(_gd(vs, e4), 127)
        rows0 = row_pat + slot * (EB * LATENT)
        acc = jnp.zeros((L,), jnp.float32)
        for step in range(8):
            rows = rows0 + step * EB
            a = plsc.load_gather(buf_i, [rows, col_i])
            b2 = plsc.load_gather(buf_s, [rows, col_s])
            acc = acc + a * b2
        t1 = acc + _gd(acc, jnp.bitwise_and(lanes + 8, 15))
        t2 = t1 + _gd(t1, jnp.bitwise_and(lanes + 4, 15))
        ph = jnp.bitwise_and(b, 3)
        sh = _gd(t2, jnp.bitwise_and(lanes - ph * 4, 15))
        sel = q4 == ph
        carry = jnp.where(sel, sh, carry)
        obase = pl.multiple_of(jnp.right_shift(b, 2) * L, L)
        out_v[pl.ds(obase, L)] = carry
        return carry

    fire(0, 0)
    fire(1, 1)
    fire(2, 2)

    def super_body(m, carry):
        for k in range(DEPTH):
            b = m * DEPTH + k
            drain(k)
            carry = extract_fma(b, k, carry)
            fire(b + DEPTH, k)
        return carry

    lax.fori_loop(0, NSUP, super_body, jnp.zeros((L,), jnp.float32))
    for k in range(DEPTH):
        drain(k)

    pltpu.sync_copy(out_v.at[pl.ds(0, BPW)], out_hbm.at[pl.ds(base, BPW)])


@jax.jit
def kernel(investor, stock, W_investor, W_stock):
    w_inv = W_investor.T
    w_stk = W_stock.T
    mesh = plsc.VectorSubcoreMesh(core_axis_name="c", subcore_axis_name="s")
    return pl.kernel(
        _body,
        out_type=jax.ShapeDtypeStruct((BATCH,), jnp.float32),
        mesh=mesh,
        compiler_params=pltpu.CompilerParams(needs_layout_passes=False),
        scratch_types=[
            pltpu.VMEM((BPW,), jnp.int32),
            pltpu.VMEM((BPW,), jnp.int32),
            pltpu.VMEM((NBLKP * L,), jnp.int32),
            pltpu.VMEM((NBLKP * L,), jnp.int32),
            pltpu.VMEM((DEPTH * EB * LATENT, 128), jnp.float32),
            pltpu.VMEM((DEPTH * EB * LATENT, 128), jnp.float32),
            pltpu.VMEM((BPW + OPAD,), jnp.float32),
            pltpu.SemaphoreType.DMA,
            pltpu.SemaphoreType.DMA,
            pltpu.SemaphoreType.DMA,
            pltpu.SemaphoreType.DMA,
            pltpu.SemaphoreType.DMA,
            pltpu.SemaphoreType.DMA,
        ],
    )(investor, stock, w_inv, w_stk)

# --- scband reference (transcript-rebuilt; emitter-appended) ---
"""Pipeline reference for scband-mf-bpr-56934086475996 (READ-ONLY COPY).

The authoritative reference and input builder live on the scoring server;
editing this copy changes nothing except your own understanding.
"""

import jax, jax.numpy as jnp
import numpy as np

INVESTOR_NUM = 1000000
STOCK_NUM = 1000000
LATENT = 32
BATCH = 16384


def setup_inputs(seed: int = 0) -> dict:
    key = jax.random.key(seed)
    k1, k2, k3, k4 = jax.random.split(key, 4)
    investor = jax.random.randint(k1, (BATCH,), 0, INVESTOR_NUM, dtype=jnp.int64) if jax.config.jax_enable_x64 else jax.random.randint(k1, (BATCH,), 0, INVESTOR_NUM, dtype=jnp.int32)
    stock = jax.random.randint(k2, (BATCH,), 0, STOCK_NUM, dtype=jnp.int64) if jax.config.jax_enable_x64 else jax.random.randint(k2, (BATCH,), 0, STOCK_NUM, dtype=jnp.int32)
    W_investor = jax.random.normal(k3, (INVESTOR_NUM, LATENT), dtype=jnp.float32) * 0.01
    W_stock = jax.random.normal(k4, (STOCK_NUM, LATENT), dtype=jnp.float32) * 0.01
    return {"investor": investor, "stock": stock, "W_investor": W_investor, "W_stock": W_stock}


def reference(investor, stock, W_investor, W_stock):
    inv_emb = jnp.take(W_investor, investor, axis=0)
    stk_emb = jnp.take(W_stock, stock, axis=0)
    prediction = (inv_emb * stk_emb).sum(axis=-1)
    return prediction

if __name__ == "__main__":
    import jax
    _d = setup_inputs()
    print(jax.jit(kernel)(*tuple(_d.values())))

</pallas_src>

<mosaic_0001>
#map = affine_map<(d0, d1) -> (0)>
#map1 = affine_map<(d0, d1) -> (0, 0)>
module attributes {stable_mosaic.version = 14 : i64} {
  func.func @_body(%arg0: i32, %arg1: i32, %arg2: memref<16384xi32, #tpu.memory_space<hbm>>, %arg3: memref<16384xi32, #tpu.memory_space<hbm>>, %arg4: memref<32x1000000xf32, #tpu.memory_space<hbm>>, %arg5: memref<32x1000000xf32, #tpu.memory_space<hbm>>, %arg6: memref<16384xf32, #tpu.memory_space<hbm>>, %arg7: memref<512xi32, #tpu.memory_space<vmem>>, %arg8: memref<512xi32, #tpu.memory_space<vmem>>, %arg9: memref<2112xi32, #tpu.memory_space<vmem>>, %arg10: memref<2112xi32, #tpu.memory_space<vmem>>, %arg11: memref<384x128xf32, #tpu.memory_space<vmem>>, %arg12: memref<384x128xf32, #tpu.memory_space<vmem>>, %arg13: memref<544xf32, #tpu.memory_space<vmem>>, %arg14: memref<!tpu.dma_semaphore, #tpu.memory_space<semaphore_mem>>, %arg15: memref<!tpu.dma_semaphore, #tpu.memory_space<semaphore_mem>>, %arg16: memref<!tpu.dma_semaphore, #tpu.memory_space<semaphore_mem>>, %arg17: memref<!tpu.dma_semaphore, #tpu.memory_space<semaphore_mem>>, %arg18: memref<!tpu.dma_semaphore, #tpu.memory_space<semaphore_mem>>, %arg19: memref<!tpu.dma_semaphore, #tpu.memory_space<semaphore_mem>>) attributes {dimension_semantics = [#tpu.dimension_semantics<core_parallel>, #tpu.dimension_semantics<subcore_parallel>], iteration_bounds = array<i64: 2, 16>, scalar_prefetch = 0 : i64, scratch_operands = 13 : i64, tpu.core_type = #tpu.core_type<sc_vector_subcore>, window_params = [{transform_indices = #map}, {transform_indices = #map}, {transform_indices = #map1}, {transform_indices = #map1}, {transform_indices = #map}]} {
    %mul3A = arith.constant 2 : i32
    %mul3A_0 = arith.muli %arg1, %mul3A : i32
    %add3A = arith.addi %mul3A_0, %arg0 : i32
    %mul3A_1 = arith.constant 512 : i32
    %mul3A_2 = arith.muli %add3A, %mul3A_1 : i32
    %iota3A = tpu.iota {dimensions = array<i32: 0>} : vector<16xi32>
    %and3A = arith.constant 3 : i32
    %and3A_3 = vector.broadcast %and3A : i32 to vector<16xi32>
    %and3A_4 = arith.andi %iota3A, %and3A_3 : vector<16xi32>
    %shift_right_arithmetic3A = arith.constant 2 : i32
    %shift_right_arithmetic3A_5 = vector.broadcast %shift_right_arithmetic3A : i32 to vector<16xi32>
    %shift_right_arithmetic3A_6 = arith.shrsi %iota3A, %shift_right_arithmetic3A_5 : vector<16xi32>
    %mul3A_7 = arith.constant 32 : i32
    %mul3A_8 = vector.broadcast %mul3A_7 : i32 to vector<16xi32>
    %mul3A_9 = arith.muli %and3A_4, %mul3A_8 : vector<16xi32>
    %add3A_10 = arith.addi %mul3A_9, %shift_right_arithmetic3A_6 : vector<16xi32>
    "tpu.region"() ({
      %run_scoped3A = tpu.sem_alloc : memref<!tpu.dma_semaphore, #tpu.memory_space<semaphore_mem>>
      %dma_start3A_754 = tpu.memref_slice %arg2[%mul3A_2] : memref<16384xi32, #tpu.memory_space<hbm>> -> memref<512xi32, #tpu.memory_space<hbm>>
      %dma_start3A_755 = tpu.memref_slice %arg2[%mul3A_2] : memref<16384xi32, #tpu.memory_space<hbm>> -> memref<512xi32, #tpu.memory_space<hbm>>
      tpu.enqueue_dma source(%dma_start3A_755 : memref<512xi32, #tpu.memory_space<hbm>>) target(%arg7 : memref<512xi32, #tpu.memory_space<vmem>>) target_semaphore(%run_scoped3A : memref<!tpu.dma_semaphore, #tpu.memory_space<semaphore_mem>>)
      %dma_wait3A_756 = tpu.memref_slice %arg2[%mul3A_2] : memref<16384xi32, #tpu.memory_space<hbm>> -> memref<512xi32, #tpu.memory_space<hbm>>
      %dma_wait3A_757 = tpu.memref_slice %arg2[%mul3A_2] : memref<16384xi32, #tpu.memory_space<hbm>> -> memref<512xi32, #tpu.memory_space<hbm>>
      tpu.wait_dma2 semaphore(%run_scoped3A : memref<!tpu.dma_semaphore, #tpu.memory_space<semaphore_mem>>) src(%dma_wait3A_757 : memref<512xi32, #tpu.memory_space<hbm>>) dst(%arg7 : memref<512xi32, #tpu.memory_space<vmem>>)
      tpu.yield
    }) : () -> ()
    "tpu.region"() ({
      %run_scoped3A = tpu.sem_alloc : memref<!tpu.dma_semaphore, #tpu.memory_space<semaphore_mem>>
      %dma_start3A_754 = tpu.memref_slice %arg3[%mul3A_2] : memref<16384xi32, #tpu.memory_space<hbm>> -> memref<512xi32, #tpu.memory_space<hbm>>
      %dma_start3A_755 = tpu.memref_slice %arg3[%mul3A_2] : memref<16384xi32, #tpu.memory_space<hbm>> -> memref<512xi32, #tpu.memory_space<hbm>>
      tpu.enqueue_dma source(%dma_start3A_755 : memref<512xi32, #tpu.memory_space<hbm>>) target(%arg8 : memref<512xi32, #tpu.memory_space<vmem>>) target_semaphore(%run_scoped3A : memref<!tpu.dma_semaphore, #tpu.memory_space<semaphore_mem>>)
      %dma_wait3A_756 = tpu.memref_slice %arg3[%mul3A_2] : memref<16384xi32, #tpu.memory_space<hbm>> -> memref<512xi32, #tpu.memory_space<hbm>>
      %dma_wait3A_757 = tpu.memref_slice %arg3[%mul3A_2] : memref<16384xi32, #tpu.memory_space<hbm>> -> memref<512xi32, #tpu.memory_space<hbm>>
      tpu.wait_dma2 semaphore(%run_scoped3A : memref<!tpu.dma_semaphore, #tpu.memory_space<semaphore_mem>>) src(%dma_wait3A_757 : memref<512xi32, #tpu.memory_space<hbm>>) dst(%arg8 : memref<512xi32, #tpu.memory_space<vmem>>)
      tpu.yield
    }) : () -> ()
    %broadcast_in_dim3A = arith.constant 0 : i32
    %broadcast_in_dim3A_11 = vector.broadcast %broadcast_in_dim3A : i32 to vector<16xi32>
    %swap3A = arith.constant 2048 : index
    %swap3A_12 = tpu.vector_load %arg9[%swap3A] {strides = array<i32>} : memref<2112xi32, #tpu.memory_space<vmem>>, vector<16xi32>,
    tpu.vector_store %arg9[%swap3A], %broadcast_in_dim3A_11 {strides = array<i32>} : memref<2112xi32, #tpu.memory_space<vmem>>, vector<16xi32>,
    %swap3A_13 = arith.constant 2048 : index
    %swap3A_14 = tpu.vector_load %arg10[%swap3A_13] {strides = array<i32>} : memref<2112xi32, #tpu.memory_space<vmem>>, vector<16xi32>,
    tpu.vector_store %arg10[%swap3A_13], %broadcast_in_dim3A_11 {strides = array<i32>} : memref<2112xi32, #tpu.memory_space<vmem>>, vector<16xi32>,
    %swap3A_15 = arith.constant 2064 : index
    %swap3A_16 = tpu.vector_load %arg9[%swap3A_15] {strides = array<i32>} : memref<2112xi32, #tpu.memory_space<vmem>>, vector<16xi32>,
    tpu.vector_store %arg9[%swap3A_15], %broadcast_in_dim3A_11 {strides = array<i32>} : memref<2112xi32, #tpu.memory_space<vmem>>, vector<16xi32>,
    %swap3A_17 = arith.constant 2064 : index
    %swap3A_18 = tpu.vector_load %arg10[%swap3A_17] {strides = array<i32>} : memref<2112xi32, #tpu.memory_space<vmem>>, vector<16xi32>,
    tpu.vector_store %arg10[%swap3A_17], %broadcast_in_dim3A_11 {strides = array<i32>} : memref<2112xi32, #tpu.memory_space<vmem>>, vector<16xi32>,
    %swap3A_19 = arith.constant 2080 : index
    %swap3A_20 = tpu.vector_load %arg9[%swap3A_19] {strides = array<i32>} : memref<2112xi32, #tpu.memory_space<vmem>>, vector<16xi32>,
    tpu.vector_store %arg9[%swap3A_19], %broadcast_in_dim3A_11 {strides = array<i32>} : memref<2112xi32, #tpu.memory_space<vmem>>, vector<16xi32>,
    %swap3A_21 = arith.constant 2080 : index
    %swap3A_22 = tpu.vector_load %arg10[%swap3A_21] {strides = array<i32>} : memref<2112xi32, #tpu.memory_space<vmem>>, vector<16xi32>,
    tpu.vector_store %arg10[%swap3A_21], %broadcast_in_dim3A_11 {strides = array<i32>} : memref<2112xi32, #tpu.memory_space<vmem>>, vector<16xi32>,
    %swap3A_23 = arith.constant 2096 : index
    %swap3A_24 = tpu.vector_load %arg9[%swap3A_23] {strides = array<i32>} : memref<2112xi32, #tpu.memory_space<vmem>>, vector<16xi32>,
    tpu.vector_store %arg9[%swap3A_23], %broadcast_in_dim3A_11 {strides = array<i32>} : memref<2112xi32, #tpu.memory_space<vmem>>, vector<16xi32>,
    %swap3A_25 = arith.constant 2096 : index
    %swap3A_26 = tpu.vector_load %arg10[%swap3A_25] {strides = array<i32>} : memref<2112xi32, #tpu.memory_space<vmem>>, vector<16xi32>,
    tpu.vector_store %arg10[%swap3A_25], %broadcast_in_dim3A_11 {strides = array<i32>} : memref<2112xi32, #tpu.memory_space<vmem>>, vector<16xi32>,
    %scan3A = arith.constant 0 : i32
    %scan3A_27 = arith.constant 0 : i32
    %scan3A_28 = arith.constant 32 : i32
    %scan3A_29 = arith.addi %scan3A_27, %scan3A_28 : i32
    %scan3A_30 = arith.constant 1 : i32
    scf.for %scan3A_754 = %scan3A_27 to %scan3A_29 step %scan3A_30  : i32 {
      %mul3A_755 = arith.constant 16 : i32
      %mul3A_756 = arith.muli %scan3A_754, %mul3A_755 : i32
      %multiple_of3A_757 = tpu.assume_multiple %mul3A_756, 16 : i32
      %get3A_758 = arith.index_cast %multiple_of3A_757 : i32 to index
      %get3A_759 = tpu.vector_load %arg7[%get3A_758] {strides = array<i32>} : memref<512xi32, #tpu.memory_space<vmem>>, vector<16xi32>,
      %mul3A_760 = arith.constant 16 : i32
      %mul3A_761 = arith.muli %scan3A_754, %mul3A_760 : i32
      %multiple_of3A_762 = tpu.assume_multiple %mul3A_761, 16 : i32
      %get3A_763 = arith.index_cast %multiple_of3A_762 : i32 to index
      %get3A_764 = tpu.vector_load %arg8[%get3A_763] {strides = array<i32>} : memref<512xi32, #tpu.memory_space<vmem>>, vector<16xi32>,
      %add3A_765 = arith.constant 0 : i32
      %add3A_766 = vector.broadcast %add3A_765 : i32 to vector<16xi32>
      %add3A_767 = arith.addi %and3A_4, %add3A_766 : vector<16xi32>
      %mul3A_768 = arith.constant 4 : i32
      %mul3A_769 = arith.muli %scan3A_754, %mul3A_768 : i32
      %add3A_770 = arith.constant 0 : i32
      %add3A_771 = arith.addi %mul3A_769, %add3A_770 : i32
      %mul3A_772 = arith.constant 16 : i32
      %mul3A_773 = arith.muli %add3A_771, %mul3A_772 : i32
      %multiple_of3A_774 = tpu.assume_multiple %mul3A_773, 16 : i32
      %reshape3A = vector.shape_cast %add3A_767 : vector<16xi32> to vector<16x1xi32>
      %gather3A = vector.shape_cast %reshape3A : vector<16x1xi32> to vector<16xi32>
      %gather3A_775 = tpu.dynamic_gather %get3A_759[%gather3A] in [0] : vector<16xi32>, vector<16xi32> -> vector<16xi32>
      %swap3A_776 = arith.index_cast %multiple_of3A_774 : i32 to index
      %swap3A_777 = tpu.vector_load %arg9[%swap3A_776] {strides = array<i32>} : memref<2112xi32, #tpu.memory_space<vmem>>, vector<16xi32>,
      tpu.vector_store %arg9[%swap3A_776], %gather3A_775 {strides = array<i32>} : memref<2112xi32, #tpu.memory_space<vmem>>, vector<16xi32>,
      %reshape3A_778 = vector.shape_cast %add3A_767 : vector<16xi32> to vector<16x1xi32>
      %gather3A_779 = vector.shape_cast %reshape3A_778 : vector<16x1xi32> to vector<16xi32>
      %gather3A_780 = tpu.dynamic_gather %get3A_764[%gather3A_779] in [0] : vector<16xi32>, vector<16xi32> -> vector<16xi32>
      %swap3A_781 = arith.index_cast %multiple_of3A_774 : i32 to index
      %swap3A_782 = tpu.vector_load %arg10[%swap3A_781] {strides = array<i32>} : memref<2112xi32, #tpu.memory_space<vmem>>, vector<16xi32>,
      tpu.vector_store %arg10[%swap3A_781], %gather3A_780 {strides = array<i32>} : memref<2112xi32, #tpu.memory_space<vmem>>, vector<16xi32>,
      %add3A_783 = arith.constant 4 : i32
      %add3A_784 = vector.broadcast %add3A_783 : i32 to vector<16xi32>
      %add3A_785 = arith.addi %and3A_4, %add3A_784 : vector<16xi32>
      %mul3A_786 = arith.constant 4 : i32
      %mul3A_787 = arith.muli %scan3A_754, %mul3A_786 : i32
      %add3A_788 = arith.constant 1 : i32
      %add3A_789 = arith.addi %mul3A_787, %add3A_788 : i32
      %mul3A_790 = arith.constant 16 : i32
      %mul3A_791 = arith.muli %add3A_789, %mul3A_790 : i32
      %multiple_of3A_792 = tpu.assume_multiple %mul3A_791, 16 : i32
      %reshape3A_793 = vector.shape_cast %add3A_785 : vector<16xi32> to vector<16x1xi32>
      %gather3A_794 = vector.shape_cast %reshape3A_793 : vector<16x1xi32> to vector<16xi32>
      %gather3A_795 = tpu.dynamic_gather %get3A_759[%gather3A_794] in [0] : vector<16xi32>, vector<16xi32> -> vector<16xi32>
      %swap3A_796 = arith.index_cast %multiple_of3A_792 : i32 to index
      %swap3A_797 = tpu.vector_load %arg9[%swap3A_796] {strides = array<i32>} : memref<2112xi32, #tpu.memory_space<vmem>>, vector<16xi32>,
      tpu.vector_store %arg9[%swap3A_796], %gather3A_795 {strides = array<i32>} : memref<2112xi32, #tpu.memory_space<vmem>>, vector<16xi32>,
      %reshape3A_798 = vector.shape_cast %add3A_785 : vector<16xi32> to vector<16x1xi32>
      %gather3A_799 = vector.shape_cast %reshape3A_798 : vector<16x1xi32> to vector<16xi32>
      %gather3A_800 = tpu.dynamic_gather %get3A_764[%gather3A_799] in [0] : vector<16xi32>, vector<16xi32> -> vector<16xi32>
      %swap3A_801 = arith.index_cast %multiple_of3A_792 : i32 to index
      %swap3A_802 = tpu.vector_load %arg10[%swap3A_801] {strides = array<i32>} : memref<2112xi32, #tpu.memory_space<vmem>>, vector<16xi32>,
      tpu.vector_store %arg10[%swap3A_801], %gather3A_800 {strides = array<i32>} : memref<2112xi32, #tpu.memory_space<vmem>>, vector<16xi32>,
      %add3A_803 = arith.constant 8 : i32
      %add3A_804 = vector.broadcast %add3A_803 : i32 to vector<16xi32>
      %add3A_805 = arith.addi %and3A_4, %add3A_804 : vector<16xi32>
      %mul3A_806 = arith.constant 4 : i32
      %mul3A_807 = arith.muli %scan3A_754, %mul3A_806 : i32
      %add3A_808 = arith.constant 2 : i32
      %add3A_809 = arith.addi %mul3A_807, %add3A_808 : i32
      %mul3A_810 = arith.constant 16 : i32
      %mul3A_811 = arith.muli %add3A_809, %mul3A_810 : i32
      %multiple_of3A_812 = tpu.assume_multiple %mul3A_811, 16 : i32
      %reshape3A_813 = vector.shape_cast %add3A_805 : vector<16xi32> to vector<16x1xi32>
      %gather3A_814 = vector.shape_cast %reshape3A_813 : vector<16x1xi32> to vector<16xi32>
      %gather3A_815 = tpu.dynamic_gather %get3A_759[%gather3A_814] in [0] : vector<16xi32>, vector<16xi32> -> vector<16xi32>
      %swap3A_816 = arith.index_cast %multiple_of3A_812 : i32 to index
      %swap3A_817 = tpu.vector_load %arg9[%swap3A_816] {strides = array<i32>} : memref<2112xi32, #tpu.memory_space<vmem>>, vector<16xi32>,
      tpu.vector_store %arg9[%swap3A_816], %gather3A_815 {strides = array<i32>} : memref<2112xi32, #tpu.memory_space<vmem>>, vector<16xi32>,
      %reshape3A_818 = vector.shape_cast %add3A_805 : vector<16xi32> to vector<16x1xi32>
      %gather3A_819 = vector.shape_cast %reshape3A_818 : vector<16x1xi32> to vector<16xi32>
      %gather3A_820 = tpu.dynamic_gather %get3A_764[%gather3A_819] in [0] : vector<16xi32>, vector<16xi32> -> vector<16xi32>
      %swap3A_821 = arith.index_cast %multiple_of3A_812 : i32 to index
      %swap3A_822 = tpu.vector_load %arg10[%swap3A_821] {strides = array<i32>} : memref<2112xi32, #tpu.memory_space<vmem>>, vector<16xi32>,
      tpu.vector_store %arg10[%swap3A_821], %gather3A_820 {strides = array<i32>} : memref<2112xi32, #tpu.memory_space<vmem>>, vector<16xi32>,
      %add3A_823 = arith.constant 12 : i32
      %add3A_824 = vector.broadcast %add3A_823 : i32 to vector<16xi32>
      %add3A_825 = arith.addi %and3A_4, %add3A_824 : vector<16xi32>
      %mul3A_826 = arith.constant 4 : i32
      %mul3A_827 = arith.muli %scan3A_754, %mul3A_826 : i32
      %add3A_828 = arith.constant 3 : i32
      %add3A_829 = arith.addi %mul3A_827, %add3A_828 : i32
      %mul3A_830 = arith.constant 16 : i32
      %mul3A_831 = arith.muli %add3A_829, %mul3A_830 : i32
      %multiple_of3A_832 = tpu.assume_multiple %mul3A_831, 16 : i32
      %reshape3A_833 = vector.shape_cast %add3A_825 : vector<16xi32> to vector<16x1xi32>
      %gather3A_834 = vector.shape_cast %reshape3A_833 : vector<16x1xi32> to vector<16xi32>
      %gather3A_835 = tpu.dynamic_gather %get3A_759[%gather3A_834] in [0] : vector<16xi32>, vector<16xi32> -> vector<16xi32>
      %swap3A_836 = arith.index_cast %multiple_of3A_832 : i32 to index
      %swap3A_837 = tpu.vector_load %arg9[%swap3A_836] {strides = array<i32>} : memref<2112xi32, #tpu.memory_space<vmem>>, vector<16xi32>,
      tpu.vector_store %arg9[%swap3A_836], %gather3A_835 {strides = array<i32>} : memref<2112xi32, #tpu.memory_space<vmem>>, vector<16xi32>,
      %reshape3A_838 = vector.shape_cast %add3A_825 : vector<16xi32> to vector<16x1xi32>
      %gather3A_839 = vector.shape_cast %reshape3A_838 : vector<16x1xi32> to vector<16xi32>
      %gather3A_840 = tpu.dynamic_gather %get3A_764[%gather3A_839] in [0] : vector<16xi32>, vector<16xi32> -> vector<16xi32>
      %swap3A_841 = arith.index_cast %multiple_of3A_832 : i32 to index
      %swap3A_842 = tpu.vector_load %arg10[%swap3A_841] {strides = array<i32>} : memref<2112xi32, #tpu.memory_space<vmem>>, vector<16xi32>,
      tpu.vector_store %arg10[%swap3A_841], %gather3A_840 {strides = array<i32>} : memref<2112xi32, #tpu.memory_space<vmem>>, vector<16xi32>,
    }
    %scan3A_31 = arith.constant 32 : i32
    %multiple_of3A = arith.constant 0 : i32
    %multiple_of3A_32 = tpu.assume_multiple %multiple_of3A, 16 : i32
    %get3A = arith.index_cast %multiple_of3A_32 : i32 to index
    %get3A_33 = tpu.vector_load %arg9[%get3A] {strides = array<i32>} : memref<2112xi32, #tpu.memory_space<vmem>>, vector<16xi32>,
    %multiple_of3A_34 = arith.constant 0 : i32
    %multiple_of3A_35 = tpu.assume_multiple %multiple_of3A_34, 16 : i32
    %get3A_36 = arith.index_cast %multiple_of3A_35 : i32 to index
    %get3A_37 = tpu.vector_load %arg10[%get3A_36] {strides = array<i32>} : memref<2112xi32, #tpu.memory_space<vmem>>, vector<16xi32>,
    %slice3A = vector.extract_strided_slice %get3A_33 {offsets = [0], sizes = [1], strides = [1]} : vector<16xi32> to vector<1xi32>
    %squeeze3A = vector.extract %slice3A[0] : i32 from vector<1xi32>
    %shift_right_arithmetic3A_38 = arith.constant 7 : i32
    %shift_right_arithmetic3A_39 = arith.shrsi %squeeze3A, %shift_right_arithmetic3A_38 : i32
    %slice3A_40 = vector.extract_strided_slice %get3A_37 {offsets = [0], sizes = [1], strides = [1]} : vector<16xi32> to vector<1xi32>
    %squeeze3A_41 = vector.extract %slice3A_40[0] : i32 from vector<1xi32>
    %shift_right_arithmetic3A_42 = arith.constant 7 : i32
    %shift_right_arithmetic3A_43 = arith.shrsi %squeeze3A_41, %shift_right_arithmetic3A_42 : i32
    %mul3A_44 = arith.constant 128 : i32
    %mul3A_45 = arith.muli %shift_right_arithmetic3A_39, %mul3A_44 : i32
    %multiple_of3A_46 = tpu.assume_multiple %mul3A_45, 128 : i32
    %dma_start3A = arith.constant 0 : i32
    %dma_start3A_47 = arith.constant 0 : i32
    %dma_start3A_48 = tpu.memref_slice %arg11[%dma_start3A, %dma_start3A_47] : memref<384x128xf32, #tpu.memory_space<vmem>> -> memref<32x128xf32, #tpu.memory_space<vmem>>
    %dma_start3A_49 = arith.constant 0 : i32
    %dma_start3A_50 = tpu.memref_slice %arg4[%dma_start3A_49, %multiple_of3A_46] : memref<32x1000000xf32, #tpu.memory_space<hbm>> -> memref<32x128xf32, #tpu.memory_space<hbm>>
    %dma_start3A_51 = arith.constant 0 : i32
    %dma_start3A_52 = arith.constant 0 : i32
    %dma_start3A_53 = tpu.memref_slice %arg11[%dma_start3A_51, %dma_start3A_52] : memref<384x128xf32, #tpu.memory_space<vmem>> -> memref<32x128xf32, #tpu.memory_space<vmem>>
    %dma_start3A_54 = arith.constant 0 : i32
    %dma_start3A_55 = tpu.memref_slice %arg4[%dma_start3A_54, %multiple_of3A_46] : memref<32x1000000xf32, #tpu.memory_space<hbm>> -> memref<32x128xf32, #tpu.memory_space<hbm>>
    tpu.enqueue_dma source(%dma_start3A_55 : memref<32x128xf32, #tpu.memory_space<hbm>>) target(%dma_start3A_53 : memref<32x128xf32, #tpu.memory_space<vmem>>) target_semaphore(%arg14 : memref<!tpu.dma_semaphore, #tpu.memory_space<semaphore_mem>>)
    %mul3A_56 = arith.constant 128 : i32
    %mul3A_57 = arith.muli %shift_right_arithmetic3A_43, %mul3A_56 : i32
    %multiple_of3A_58 = tpu.assume_multiple %mul3A_57, 128 : i32
    %dma_start3A_59 = arith.constant 0 : i32
    %dma_start3A_60 = arith.constant 0 : i32
    %dma_start3A_61 = tpu.memref_slice %arg12[%dma_start3A_59, %dma_start3A_60] : memref<384x128xf32, #tpu.memory_space<vmem>> -> memref<32x128xf32, #tpu.memory_space<vmem>>
    %dma_start3A_62 = arith.constant 0 : i32
    %dma_start3A_63 = tpu.memref_slice %arg5[%dma_start3A_62, %multiple_of3A_58] : memref<32x1000000xf32, #tpu.memory_space<hbm>> -> memref<32x128xf32, #tpu.memory_space<hbm>>
    %dma_start3A_64 = arith.constant 0 : i32
    %dma_start3A_65 = arith.constant 0 : i32
    %dma_start3A_66 = tpu.memref_slice %arg12[%dma_start3A_64, %dma_start3A_65] : memref<384x128xf32, #tpu.memory_space<vmem>> -> memref<32x128xf32, #tpu.memory_space<vmem>>
    %dma_start3A_67 = arith.constant 0 : i32
    %dma_start3A_68 = tpu.memref_slice %arg5[%dma_start3A_67, %multiple_of3A_58] : memref<32x1000000xf32, #tpu.memory_space<hbm>> -> memref<32x128xf32, #tpu.memory_space<hbm>>
    tpu.enqueue_dma source(%dma_start3A_68 : memref<32x128xf32, #tpu.memory_space<hbm>>) target(%dma_start3A_66 : memref<32x128xf32, #tpu.memory_space<vmem>>) target_semaphore(%arg15 : memref<!tpu.dma_semaphore, #tpu.memory_space<semaphore_mem>>)
    %slice3A_69 = vector.extract_strided_slice %get3A_33 {offsets = [1], sizes = [1], strides = [1]} : vector<16xi32> to vector<1xi32>
    %squeeze3A_70 = vector.extract %slice3A_69[0] : i32 from vector<1xi32>
    %shift_right_arithmetic3A_71 = arith.constant 7 : i32
    %shift_right_arithmetic3A_72 = arith.shrsi %squeeze3A_70, %shift_right_arithmetic3A_71 : i32
    %slice3A_73 = vector.extract_strided_slice %get3A_37 {offsets = [1], sizes = [1], strides = [1]} : vector<16xi32> to vector<1xi32>
    %squeeze3A_74 = vector.extract %slice3A_73[0] : i32 from vector<1xi32>
    %shift_right_arithmetic3A_75 = arith.constant 7 : i32
    %shift_right_arithmetic3A_76 = arith.shrsi %squeeze3A_74, %shift_right_arithmetic3A_75 : i32
    %mul3A_77 = arith.constant 128 : i32
    %mul3A_78 = arith.muli %shift_right_arithmetic3A_72, %mul3A_77 : i32
    %multiple_of3A_79 = tpu.assume_multiple %mul3A_78, 128 : i32
    %dma_start3A_80 = arith.constant 32 : i32
    %dma_start3A_81 = arith.constant 0 : i32
    %dma_start3A_82 = tpu.memref_slice %arg11[%dma_start3A_80, %dma_start3A_81] : memref<384x128xf32, #tpu.memory_space<vmem>> -> memref<32x128xf32, #tpu.memory_space<vmem>>
    %dma_start3A_83 = arith.constant 0 : i32
    %dma_start3A_84 = tpu.memref_slice %arg4[%dma_start3A_83, %multiple_of3A_79] : memref<32x1000000xf32, #tpu.memory_space<hbm>> -> memref<32x128xf32, #tpu.memory_space<hbm>>
    %dma_start3A_85 = arith.constant 32 : i32
    %dma_start3A_86 = arith.constant 0 : i32
    %dma_start3A_87 = tpu.memref_slice %arg11[%dma_start3A_85, %dma_start3A_86] : memref<384x128xf32, #tpu.memory_space<vmem>> -> memref<32x128xf32, #tpu.memory_space<vmem>>
    %dma_start3A_88 = arith.constant 0 : i32
    %dma_start3A_89 = tpu.memref_slice %arg4[%dma_start3A_88, %multiple_of3A_79] : memref<32x1000000xf32, #tpu.memory_space<hbm>> -> memref<32x128xf32, #tpu.memory_space<hbm>>
    tpu.enqueue_dma source(%dma_start3A_89 : memref<32x128xf32, #tpu.memory_space<hbm>>) target(%dma_start3A_87 : memref<32x128xf32, #tpu.memory_space<vmem>>) target_semaphore(%arg14 : memref<!tpu.dma_semaphore, #tpu.memory_space<semaphore_mem>>)
    %mul3A_90 = arith.constant 128 : i32
    %mul3A_91 = arith.muli %shift_right_arithmetic3A_76, %mul3A_90 : i32
    %multiple_of3A_92 = tpu.assume_multiple %mul3A_91, 128 : i32
    %dma_start3A_93 = arith.constant 32 : i32
    %dma_start3A_94 = arith.constant 0 : i32
    %dma_start3A_95 = tpu.memref_slice %arg12[%dma_start3A_93, %dma_start3A_94] : memref<384x128xf32, #tpu.memory_space<vmem>> -> memref<32x128xf32, #tpu.memory_space<vmem>>
    %dma_start3A_96 = arith.constant 0 : i32
    %dma_start3A_97 = tpu.memref_slice %arg5[%dma_start3A_96, %multiple_of3A_92] : memref<32x1000000xf32, #tpu.memory_space<hbm>> -> memref<32x128xf32, #tpu.memory_space<hbm>>
    %dma_start3A_98 = arith.constant 32 : i32
    %dma_start3A_99 = arith.constant 0 : i32
    %dma_start3A_100 = tpu.memref_slice %arg12[%dma_start3A_98, %dma_start3A_99] : memref<384x128xf32, #tpu.memory_space<vmem>> -> memref<32x128xf32, #tpu.memory_space<vmem>>
    %dma_start3A_101 = arith.constant 0 : i32
    %dma_start3A_102 = tpu.memref_slice %arg5[%dma_start3A_101, %multiple_of3A_92] : memref<32x1000000xf32, #tpu.memory_space<hbm>> -> memref<32x128xf32, #tpu.memory_space<hbm>>
    tpu.enqueue_dma source(%dma_start3A_102 : memref<32x128xf32, #tpu.memory_space<hbm>>) target(%dma_start3A_100 : memref<32x128xf32, #tpu.memory_space<vmem>>) target_semaphore(%arg15 : memref<!tpu.dma_semaphore, #tpu.memory_space<semaphore_mem>>)
    %slice3A_103 = vector.extract_strided_slice %get3A_33 {offsets = [2], sizes = [1], strides = [1]} : vector<16xi32> to vector<1xi32>
    %squeeze3A_104 = vector.extract %slice3A_103[0] : i32 from vector<1xi32>
    %shift_right_arithmetic3A_105 = arith.constant 7 : i32
    %shift_right_arithmetic3A_106 = arith.shrsi %squeeze3A_104, %shift_right_arithmetic3A_105 : i32
    %slice3A_107 = vector.extract_strided_slice %get3A_37 {offsets = [2], sizes = [1], strides = [1]} : vector<16xi32> to vector<1xi32>
    %squeeze3A_108 = vector.extract %slice3A_107[0] : i32 from vector<1xi32>
    %shift_right_arithmetic3A_109 = arith.constant 7 : i32
    %shift_right_arithmetic3A_110 = arith.shrsi %squeeze3A_108, %shift_right_arithmetic3A_109 : i32
    %mul3A_111 = arith.constant 128 : i32
    %mul3A_112 = arith.muli %shift_right_arithmetic3A_106, %mul3A_111 : i32
    %multiple_of3A_113 = tpu.assume_multiple %mul3A_112, 128 : i32
    %dma_start3A_114 = arith.constant 64 : i32
    %dma_start3A_115 = arith.constant 0 : i32
    %dma_start3A_116 = tpu.memref_slice %arg11[%dma_start3A_114, %dma_start3A_115] : memref<384x128xf32, #tpu.memory_space<vmem>> -> memref<32x128xf32, #tpu.memory_space<vmem>>
    %dma_start3A_117 = arith.constant 0 : i32
    %dma_start3A_118 = tpu.memref_slice %arg4[%dma_start3A_117, %multiple_of3A_113] : memref<32x1000000xf32, #tpu.memory_space<hbm>> -> memref<32x128xf32, #tpu.memory_space<hbm>>
    %dma_start3A_119 = arith.constant 64 : i32
    %dma_start3A_120 = arith.constant 0 : i32
    %dma_start3A_121 = tpu.memref_slice %arg11[%dma_start3A_119, %dma_start3A_120] : memref<384x128xf32, #tpu.memory_space<vmem>> -> memref<32x128xf32, #tpu.memory_space<vmem>>
    %dma_start3A_122 = arith.constant 0 : i32
    %dma_start3A_123 = tpu.memref_slice %arg4[%dma_start3A_122, %multiple_of3A_113] : memref<32x1000000xf32, #tpu.memory_space<hbm>> -> memref<32x128xf32, #tpu.memory_space<hbm>>
    tpu.enqueue_dma source(%dma_start3A_123 : memref<32x128xf32, #tpu.memory_space<hbm>>) target(%dma_start3A_121 : memref<32x128xf32, #tpu.memory_space<vmem>>) target_semaphore(%arg14 : memref<!tpu.dma_semaphore, #tpu.memory_space<semaphore_mem>>)
    %mul3A_124 = arith.constant 128 : i32
    %mul3A_125 = arith.muli %shift_right_arithmetic3A_110, %mul3A_124 : i32
    %multiple_of3A_126 = tpu.assume_multiple %mul3A_125, 128 : i32
    %dma_start3A_127 = arith.constant 64 : i32
    %dma_start3A_128 = arith.constant 0 : i32
    %dma_start3A_129 = tpu.memref_slice %arg12[%dma_start3A_127, %dma_start3A_128] : memref<384x128xf32, #tpu.memory_space<vmem>> -> memref<32x128xf32, #tpu.memory_space<vmem>>
    %dma_start3A_130 = arith.constant 0 : i32
    %dma_start3A_131 = tpu.memref_slice %arg5[%dma_start3A_130, %multiple_of3A_126] : memref<32x1000000xf32, #tpu.memory_space<hbm>> -> memref<32x128xf32, #tpu.memory_space<hbm>>
    %dma_start3A_132 = arith.constant 64 : i32
    %dma_start3A_133 = arith.constant 0 : i32
    %dma_start3A_134 = tpu.memref_slice %arg12[%dma_start3A_132, %dma_start3A_133] : memref<384x128xf32, #tpu.memory_space<vmem>> -> memref<32x128xf32, #tpu.memory_space<vmem>>
    %dma_start3A_135 = arith.constant 0 : i32
    %dma_start3A_136 = tpu.memref_slice %arg5[%dma_start3A_135, %multiple_of3A_126] : memref<32x1000000xf32, #tpu.memory_space<hbm>> -> memref<32x128xf32, #tpu.memory_space<hbm>>
    tpu.enqueue_dma source(%dma_start3A_136 : memref<32x128xf32, #tpu.memory_space<hbm>>) target(%dma_start3A_134 : memref<32x128xf32, #tpu.memory_space<vmem>>) target_semaphore(%arg15 : memref<!tpu.dma_semaphore, #tpu.memory_space<semaphore_mem>>)
    %slice3A_137 = vector.extract_strided_slice %get3A_33 {offsets = [3], sizes = [1], strides = [1]} : vector<16xi32> to vector<1xi32>
    %squeeze3A_138 = vector.extract %slice3A_137[0] : i32 from vector<1xi32>
    %shift_right_arithmetic3A_139 = arith.constant 7 : i32
    %shift_right_arithmetic3A_140 = arith.shrsi %squeeze3A_138, %shift_right_arithmetic3A_139 : i32
    %slice3A_141 = vector.extract_strided_slice %get3A_37 {offsets = [3], sizes = [1], strides = [1]} : vector<16xi32> to vector<1xi32>
    %squeeze3A_142 = vector.extract %slice3A_141[0] : i32 from vector<1xi32>
    %shift_right_arithmetic3A_143 = arith.constant 7 : i32
    %shift_right_arithmetic3A_144 = arith.shrsi %squeeze3A_142, %shift_right_arithmetic3A_143 : i32
    %mul3A_145 = arith.constant 128 : i32
    %mul3A_146 = arith.muli %shift_right_arithmetic3A_140, %mul3A_145 : i32
    %multiple_of3A_147 = tpu.assume_multiple %mul3A_146, 128 : i32
    %dma_start3A_148 = arith.constant 96 : i32
    %dma_start3A_149 = arith.constant 0 : i32
    %dma_start3A_150 = tpu.memref_slice %arg11[%dma_start3A_148, %dma_start3A_149] : memref<384x128xf32, #tpu.memory_space<vmem>> -> memref<32x128xf32, #tpu.memory_space<vmem>>
    %dma_start3A_151 = arith.constant 0 : i32
    %dma_start3A_152 = tpu.memref_slice %arg4[%dma_start3A_151, %multiple_of3A_147] : memref<32x1000000xf32, #tpu.memory_space<hbm>> -> memref<32x128xf32, #tpu.memory_space<hbm>>
    %dma_start3A_153 = arith.constant 96 : i32
    %dma_start3A_154 = arith.constant 0 : i32
    %dma_start3A_155 = tpu.memref_slice %arg11[%dma_start3A_153, %dma_start3A_154] : memref<384x128xf32, #tpu.memory_space<vmem>> -> memref<32x128xf32, #tpu.memory_space<vmem>>
    %dma_start3A_156 = arith.constant 0 : i32
    %dma_start3A_157 = tpu.memref_slice %arg4[%dma_start3A_156, %multiple_of3A_147] : memref<32x1000000xf32, #tpu.memory_space<hbm>> -> memref<32x128xf32, #tpu.memory_space<hbm>>
    tpu.enqueue_dma source(%dma_start3A_157 : memref<32x128xf32, #tpu.memory_space<hbm>>) target(%dma_start3A_155 : memref<32x128xf32, #tpu.memory_space<vmem>>) target_semaphore(%arg14 : memref<!tpu.dma_semaphore, #tpu.memory_space<semaphore_mem>>)
    %mul3A_158 = arith.constant 128 : i32
    %mul3A_159 = arith.muli %shift_right_arithmetic3A_144, %mul3A_158 : i32
    %multiple_of3A_160 = tpu.assume_multiple %mul3A_159, 128 : i32
    %dma_start3A_161 = arith.constant 96 : i32
    %dma_start3A_162 = arith.constant 0 : i32
    %dma_start3A_163 = tpu.memref_slice %arg12[%dma_start3A_161, %dma_start3A_162] : memref<384x128xf32, #tpu.memory_space<vmem>> -> memref<32x128xf32, #tpu.memory_space<vmem>>
    %dma_start3A_164 = arith.constant 0 : i32
    %dma_start3A_165 = tpu.memref_slice %arg5[%dma_start3A_164, %multiple_of3A_160] : memref<32x1000000xf32, #tpu.memory_space<hbm>> -> memref<32x128xf32, #tpu.memory_space<hbm>>
    %dma_start3A_166 = arith.constant 96 : i32
    %dma_start3A_167 = arith.constant 0 : i32
    %dma_start3A_168 = tpu.memref_slice %arg12[%dma_start3A_166, %dma_start3A_167] : memref<384x128xf32, #tpu.memory_space<vmem>> -> memref<32x128xf32, #tpu.memory_space<vmem>>
    %dma_start3A_169 = arith.constant 0 : i32
    %dma_start3A_170 = tpu.memref_slice %arg5[%dma_start3A_169, %multiple_of3A_160] : memref<32x1000000xf32, #tpu.memory_space<hbm>> -> memref<32x128xf32, #tpu.memory_space<hbm>>
    tpu.enqueue_dma source(%dma_start3A_170 : memref<32x128xf32, #tpu.memory_space<hbm>>) target(%dma_start3A_168 : memref<32x128xf32, #tpu.memory_space<vmem>>) target_semaphore(%arg15 : memref<!tpu.dma_semaphore, #tpu.memory_space<semaphore_mem>>)
    %multiple_of3A_171 = arith.constant 16 : i32
    %multiple_of3A_172 = tpu.assume_multiple %multiple_of3A_171, 16 : i32
    %get3A_173 = arith.index_cast %multiple_of3A_172 : i32 to index
    %get3A_174 = tpu.vector_load %arg9[%get3A_173] {strides = array<i32>} : memref<2112xi32, #tpu.memory_space<vmem>>, vector<16xi32>,
    %multiple_of3A_175 = arith.constant 16 : i32
    %multiple_of3A_176 = tpu.assume_multiple %multiple_of3A_175, 16 : i32
    %get3A_177 = arith.index_cast %multiple_of3A_176 : i32 to index
    %get3A_178 = tpu.vector_load %arg10[%get3A_177] {strides = array<i32>} : memref<2112xi32, #tpu.memory_space<vmem>>, vector<16xi32>,
    %slice3A_179 = vector.extract_strided_slice %get3A_174 {offsets = [0], sizes = [1], strides = [1]} : vector<16xi32> to vector<1xi32>
    %squeeze3A_180 = vector.extract %slice3A_179[0] : i32 from vector<1xi32>
    %shift_right_arithmetic3A_181 = arith.constant 7 : i32
    %shift_right_arithmetic3A_182 = arith.shrsi %squeeze3A_180, %shift_right_arithmetic3A_181 : i32
    %slice3A_183 = vector.extract_strided_slice %get3A_178 {offsets = [0], sizes = [1], strides = [1]} : vector<16xi32> to vector<1xi32>
    %squeeze3A_184 = vector.extract %slice3A_183[0] : i32 from vector<1xi32>
    %shift_right_arithmetic3A_185 = arith.constant 7 : i32
    %shift_right_arithmetic3A_186 = arith.shrsi %squeeze3A_184, %shift_right_arithmetic3A_185 : i32
    %mul3A_187 = arith.constant 128 : i32
    %mul3A_188 = arith.muli %shift_right_arithmetic3A_182, %mul3A_187 : i32
    %multiple_of3A_189 = tpu.assume_multiple %mul3A_188, 128 : i32
    %dma_start3A_190 = arith.constant 128 : i32
    %dma_start3A_191 = arith.constant 0 : i32
    %dma_start3A_192 = tpu.memref_slice %arg11[%dma_start3A_190, %dma_start3A_191] : memref<384x128xf32, #tpu.memory_space<vmem>> -> memref<32x128xf32, #tpu.memory_space<vmem>>
    %dma_start3A_193 = arith.constant 0 : i32
    %dma_start3A_194 = tpu.memref_slice %arg4[%dma_start3A_193, %multiple_of3A_189] : memref<32x1000000xf32, #tpu.memory_space<hbm>> -> memref<32x128xf32, #tpu.memory_space<hbm>>
    %dma_start3A_195 = arith.constant 128 : i32
    %dma_start3A_196 = arith.constant 0 : i32
    %dma_start3A_197 = tpu.memref_slice %arg11[%dma_start3A_195, %dma_start3A_196] : memref<384x128xf32, #tpu.memory_space<vmem>> -> memref<32x128xf32, #tpu.memory_space<vmem>>
    %dma_start3A_198 = arith.constant 0 : i32
    %dma_start3A_199 = tpu.memref_slice %arg4[%dma_start3A_198, %multiple_of3A_189] : memref<32x1000000xf32, #tpu.memory_space<hbm>> -> memref<32x128xf32, #tpu.memory_space<hbm>>
    tpu.enqueue_dma source(%dma_start3A_199 : memref<32x128xf32, #tpu.memory_space<hbm>>) target(%dma_start3A_197 : memref<32x128xf32, #tpu.memory_space<vmem>>) target_semaphore(%arg16 : memref<!tpu.dma_semaphore, #tpu.memory_space<semaphore_mem>>)
    %mul3A_200 = arith.constant 128 : i32
    %mul3A_201 = arith.muli %shift_right_arithmetic3A_186, %mul3A_200 : i32
    %multiple_of3A_202 = tpu.assume_multiple %mul3A_201, 128 : i32
    %dma_start3A_203 = arith.constant 128 : i32
    %dma_start3A_204 = arith.constant 0 : i32
    %dma_start3A_205 = tpu.memref_slice %arg12[%dma_start3A_203, %dma_start3A_204] : memref<384x128xf32, #tpu.memory_space<vmem>> -> memref<32x128xf32, #tpu.memory_space<vmem>>
    %dma_start3A_206 = arith.constant 0 : i32
    %dma_start3A_207 = tpu.memref_slice %arg5[%dma_start3A_206, %multiple_of3A_202] : memref<32x1000000xf32, #tpu.memory_space<hbm>> -> memref<32x128xf32, #tpu.memory_space<hbm>>
    %dma_start3A_208 = arith.constant 128 : i32
    %dma_start3A_209 = arith.constant 0 : i32
    %dma_start3A_210 = tpu.memref_slice %arg12[%dma_start3A_208, %dma_start3A_209] : memref<384x128xf32, #tpu.memory_space<vmem>> -> memref<32x128xf32, #tpu.memory_space<vmem>>
    %dma_start3A_211 = arith.constant 0 : i32
    %dma_start3A_212 = tpu.memref_slice %arg5[%dma_start3A_211, %multiple_of3A_202] : memref<32x1000000xf32, #tpu.memory_space<hbm>> -> memref<32x128xf32, #tpu.memory_space<hbm>>
    tpu.enqueue_dma source(%dma_start3A_212 : memref<32x128xf32, #tpu.memory_space<hbm>>) target(%dma_start3A_210 : memref<32x128xf32, #tpu.memory_space<vmem>>) target_semaphore(%arg17 : memref<!tpu.dma_semaphore, #tpu.memory_space<semaphore_mem>>)
    %slice3A_213 = vector.extract_strided_slice %get3A_174 {offsets = [1], sizes = [1], strides = [1]} : vector<16xi32> to vector<1xi32>
    %squeeze3A_214 = vector.extract %slice3A_213[0] : i32 from vector<1xi32>
    %shift_right_arithmetic3A_215 = arith.constant 7 : i32
    %shift_right_arithmetic3A_216 = arith.shrsi %squeeze3A_214, %shift_right_arithmetic3A_215 : i32
    %slice3A_217 = vector.extract_strided_slice %get3A_178 {offsets = [1], sizes = [1], strides = [1]} : vector<16xi32> to vector<1xi32>
    %squeeze3A_218 = vector.extract %slice3A_217[0] : i32 from vector<1xi32>
    %shift_right_arithmetic3A_219 = arith.constant 7 : i32
    %shift_right_arithmetic3A_220 = arith.shrsi %squeeze3A_218, %shift_right_arithmetic3A_219 : i32
    %mul3A_221 = arith.constant 128 : i32
    %mul3A_222 = arith.muli %shift_right_arithmetic3A_216, %mul3A_221 : i32
    %multiple_of3A_223 = tpu.assume_multiple %mul3A_222, 128 : i32
    %dma_start3A_224 = arith.constant 160 : i32
    %dma_start3A_225 = arith.constant 0 : i32
    %dma_start3A_226 = tpu.memref_slice %arg11[%dma_start3A_224, %dma_start3A_225] : memref<384x128xf32, #tpu.memory_space<vmem>> -> memref<32x128xf32, #tpu.memory_space<vmem>>
    %dma_start3A_227 = arith.constant 0 : i32
    %dma_start3A_228 = tpu.memref_slice %arg4[%dma_start3A_227, %multiple_of3A_223] : memref<32x1000000xf32, #tpu.memory_space<hbm>> -> memref<32x128xf32, #tpu.memory_space<hbm>>
    %dma_start3A_229 = arith.constant 160 : i32
    %dma_start3A_230 = arith.constant 0 : i32
    %dma_start3A_231 = tpu.memref_slice %arg11[%dma_start3A_229, %dma_start3A_230] : memref<384x128xf32, #tpu.memory_space<vmem>> -> memref<32x128xf32, #tpu.memory_space<vmem>>
    %dma_start3A_232 = arith.constant 0 : i32
    %dma_start3A_233 = tpu.memref_slice %arg4[%dma_start3A_232, %multiple_of3A_223] : memref<32x1000000xf32, #tpu.memory_space<hbm>> -> memref<32x128xf32, #tpu.memory_space<hbm>>
    tpu.enqueue_dma source(%dma_start3A_233 : memref<32x128xf32, #tpu.memory_space<hbm>>) target(%dma_start3A_231 : memref<32x128xf32, #tpu.memory_space<vmem>>) target_semaphore(%arg16 : memref<!tpu.dma_semaphore, #tpu.memory_space<semaphore_mem>>)
    %mul3A_234 = arith.constant 128 : i32
    %mul3A_235 = arith.muli %shift_right_arithmetic3A_220, %mul3A_234 : i32
    %multiple_of3A_236 = tpu.assume_multiple %mul3A_235, 128 : i32
    %dma_start3A_237 = arith.constant 160 : i32
    %dma_start3A_238 = arith.constant 0 : i32
    %dma_start3A_239 = tpu.memref_slice %arg12[%dma_start3A_237, %dma_start3A_238] : memref<384x128xf32, #tpu.memory_space<vmem>> -> memref<32x128xf32, #tpu.memory_space<vmem>>
    %dma_start3A_240 = arith.constant 0 : i32
    %dma_start3A_241 = tpu.memref_slice %arg5[%dma_start3A_240, %multiple_of3A_236] : memref<32x1000000xf32, #tpu.memory_space<hbm>> -> memref<32x128xf32, #tpu.memory_space<hbm>>
    %dma_start3A_242 = arith.constant 160 : i32
    %dma_start3A_243 = arith.constant 0 : i32
    %dma_start3A_244 = tpu.memref_slice %arg12[%dma_start3A_242, %dma_start3A_243] : memref<384x128xf32, #tpu.memory_space<vmem>> -> memref<32x128xf32, #tpu.memory_space<vmem>>
    %dma_start3A_245 = arith.constant 0 : i32
    %dma_start3A_246 = tpu.memref_slice %arg5[%dma_start3A_245, %multiple_of3A_236] : memref<32x1000000xf32, #tpu.memory_space<hbm>> -> memref<32x128xf32, #tpu.memory_space<hbm>>
    tpu.enqueue_dma source(%dma_start3A_246 : memref<32x128xf32, #tpu.memory_space<hbm>>) target(%dma_start3A_244 : memref<32x128xf32, #tpu.memory_space<vmem>>) target_semaphore(%arg17 : memref<!tpu.dma_semaphore, #tpu.memory_space<semaphore_mem>>)
    %slice3A_247 = vector.extract_strided_slice %get3A_174 {offsets = [2], sizes = [1], strides = [1]} : vector<16xi32> to vector<1xi32>
    %squeeze3A_248 = vector.extract %slice3A_247[0] : i32 from vector<1xi32>
    %shift_right_arithmetic3A_249 = arith.constant 7 : i32
    %shift_right_arithmetic3A_250 = arith.shrsi %squeeze3A_248, %shift_right_arithmetic3A_249 : i32
    %slice3A_251 = vector.extract_strided_slice %get3A_178 {offsets = [2], sizes = [1], strides = [1]} : vector<16xi32> to vector<1xi32>
    %squeeze3A_252 = vector.extract %slice3A_251[0] : i32 from vector<1xi32>
    %shift_right_arithmetic3A_253 = arith.constant 7 : i32
    %shift_right_arithmetic3A_254 = arith.shrsi %squeeze3A_252, %shift_right_arithmetic3A_253 : i32
    %mul3A_255 = arith.constant 128 : i32
    %mul3A_256 = arith.muli %shift_right_arithmetic3A_250, %mul3A_255 : i32
    %multiple_of3A_257 = tpu.assume_multiple %mul3A_256, 128 : i32
    %dma_start3A_258 = arith.constant 192 : i32
    %dma_start3A_259 = arith.constant 0 : i32
    %dma_start3A_260 = tpu.memref_slice %arg11[%dma_start3A_258, %dma_start3A_259] : memref<384x128xf32, #tpu.memory_space<vmem>> -> memref<32x128xf32, #tpu.memory_space<vmem>>
    %dma_start3A_261 = arith.constant 0 : i32
    %dma_start3A_262 = tpu.memref_slice %arg4[%dma_start3A_261, %multiple_of3A_257] : memref<32x1000000xf32, #tpu.memory_space<hbm>> -> memref<32x128xf32, #tpu.memory_space<hbm>>
    %dma_start3A_263 = arith.constant 192 : i32
    %dma_start3A_264 = arith.constant 0 : i32
    %dma_start3A_265 = tpu.memref_slice %arg11[%dma_start3A_263, %dma_start3A_264] : memref<384x128xf32, #tpu.memory_space<vmem>> -> memref<32x128xf32, #tpu.memory_space<vmem>>
    %dma_start3A_266 = arith.constant 0 : i32
    %dma_start3A_267 = tpu.memref_slice %arg4[%dma_start3A_266, %multiple_of3A_257] : memref<32x1000000xf32, #tpu.memory_space<hbm>> -> memref<32x128xf32, #tpu.memory_space<hbm>>
    tpu.enqueue_dma source(%dma_start3A_267 : memref<32x128xf32, #tpu.memory_space<hbm>>) target(%dma_start3A_265 : memref<32x128xf32, #tpu.memory_space<vmem>>) target_semaphore(%arg16 : memref<!tpu.dma_semaphore, #tpu.memory_space<semaphore_mem>>)
    %mul3A_268 = arith.constant 128 : i32
    %mul3A_269 = arith.muli %shift_right_arithmetic3A_254, %mul3A_268 : i32
    %multiple_of3A_270 = tpu.assume_multiple %mul3A_269, 128 : i32
    %dma_start3A_271 = arith.constant 192 : i32
    %dma_start3A_272 = arith.constant 0 : i32
    %dma_start3A_273 = tpu.memref_slice %arg12[%dma_start3A_271, %dma_start3A_272] : memref<384x128xf32, #tpu.memory_space<vmem>> -> memref<32x128xf32, #tpu.memory_space<vmem>>
    %dma_start3A_274 = arith.constant 0 : i32
    %dma_start3A_275 = tpu.memref_slice %arg5[%dma_start3A_274, %multiple_of3A_270] : memref<32x1000000xf32, #tpu.memory_space<hbm>> -> memref<32x128xf32, #tpu.memory_space<hbm>>
    %dma_start3A_276 = arith.constant 192 : i32
    %dma_start3A_277 = arith.constant 0 : i32
    %dma_start3A_278 = tpu.memref_slice %arg12[%dma_start3A_276, %dma_start3A_277] : memref<384x128xf32, #tpu.memory_space<vmem>> -> memref<32x128xf32, #tpu.memory_space<vmem>>
    %dma_start3A_279 = arith.constant 0 : i32
    %dma_start3A_280 = tpu.memref_slice %arg5[%dma_start3A_279, %multiple_of3A_270] : memref<32x1000000xf32, #tpu.memory_space<hbm>> -> memref<32x128xf32, #tpu.memory_space<hbm>>
    tpu.enqueue_dma source(%dma_start3A_280 : memref<32x128xf32, #tpu.memory_space<hbm>>) target(%dma_start3A_278 : memref<32x128xf32, #tpu.memory_space<vmem>>) target_semaphore(%arg17 : memref<!tpu.dma_semaphore, #tpu.memory_space<semaphore_mem>>)
    %slice3A_281 = vector.extract_strided_slice %get3A_174 {offsets = [3], sizes = [1], strides = [1]} : vector<16xi32> to vector<1xi32>
    %squeeze3A_282 = vector.extract %slice3A_281[0] : i32 from vector<1xi32>
    %shift_right_arithmetic3A_283 = arith.constant 7 : i32
    %shift_right_arithmetic3A_284 = arith.shrsi %squeeze3A_282, %shift_right_arithmetic3A_283 : i32
    %slice3A_285 = vector.extract_strided_slice %get3A_178 {offsets = [3], sizes = [1], strides = [1]} : vector<16xi32> to vector<1xi32>
    %squeeze3A_286 = vector.extract %slice3A_285[0] : i32 from vector<1xi32>
    %shift_right_arithmetic3A_287 = arith.constant 7 : i32
    %shift_right_arithmetic3A_288 = arith.shrsi %squeeze3A_286, %shift_right_arithmetic3A_287 : i32
    %mul3A_289 = arith.constant 128 : i32
    %mul3A_290 = arith.muli %shift_right_arithmetic3A_284, %mul3A_289 : i32
    %multiple_of3A_291 = tpu.assume_multiple %mul3A_290, 128 : i32
    %dma_start3A_292 = arith.constant 224 : i32
    %dma_start3A_293 = arith.constant 0 : i32
    %dma_start3A_294 = tpu.memref_slice %arg11[%dma_start3A_292, %dma_start3A_293] : memref<384x128xf32, #tpu.memory_space<vmem>> -> memref<32x128xf32, #tpu.memory_space<vmem>>
    %dma_start3A_295 = arith.constant 0 : i32
    %dma_start3A_296 = tpu.memref_slice %arg4[%dma_start3A_295, %multiple_of3A_291] : memref<32x1000000xf32, #tpu.memory_space<hbm>> -> memref<32x128xf32, #tpu.memory_space<hbm>>
    %dma_start3A_297 = arith.constant 224 : i32
    %dma_start3A_298 = arith.constant 0 : i32
    %dma_start3A_299 = tpu.memref_slice %arg11[%dma_start3A_297, %dma_start3A_298] : memref<384x128xf32, #tpu.memory_space<vmem>> -> memref<32x128xf32, #tpu.memory_space<vmem>>
    %dma_start3A_300 = arith.constant 0 : i32
    %dma_start3A_301 = tpu.memref_slice %arg4[%dma_start3A_300, %multiple_of3A_291] : memref<32x1000000xf32, #tpu.memory_space<hbm>> -> memref<32x128xf32, #tpu.memory_space<hbm>>
    tpu.enqueue_dma source(%dma_start3A_301 : memref<32x128xf32, #tpu.memory_space<hbm>>) target(%dma_start3A_299 : memref<32x128xf32, #tpu.memory_space<vmem>>) target_semaphore(%arg16 : memref<!tpu.dma_semaphore, #tpu.memory_space<semaphore_mem>>)
    %mul3A_302 = arith.constant 128 : i32
    %mul3A_303 = arith.muli %shift_right_arithmetic3A_288, %mul3A_302 : i32
    %multiple_of3A_304 = tpu.assume_multiple %mul3A_303, 128 : i32
    %dma_start3A_305 = arith.constant 224 : i32
    %dma_start3A_306 = arith.constant 0 : i32
    %dma_start3A_307 = tpu.memref_slice %arg12[%dma_start3A_305, %dma_start3A_306] : memref<384x128xf32, #tpu.memory_space<vmem>> -> memref<32x128xf32, #tpu.memory_space<vmem>>
    %dma_start3A_308 = arith.constant 0 : i32
    %dma_start3A_309 = tpu.memref_slice %arg5[%dma_start3A_308, %multiple_of3A_304] : memref<32x1000000xf32, #tpu.memory_space<hbm>> -> memref<32x128xf32, #tpu.memory_space<hbm>>
    %dma_start3A_310 = arith.constant 224 : i32
    %dma_start3A_311 = arith.constant 0 : i32
    %dma_start3A_312 = tpu.memref_slice %arg12[%dma_start3A_310, %dma_start3A_311] : memref<384x128xf32, #tpu.memory_space<vmem>> -> memref<32x128xf32, #tpu.memory_space<vmem>>
    %dma_start3A_313 = arith.constant 0 : i32
    %dma_start3A_314 = tpu.memref_slice %arg5[%dma_start3A_313, %multiple_of3A_304] : memref<32x1000000xf32, #tpu.memory_space<hbm>> -> memref<32x128xf32, #tpu.memory_space<hbm>>
    tpu.enqueue_dma source(%dma_start3A_314 : memref<32x128xf32, #tpu.memory_space<hbm>>) target(%dma_start3A_312 : memref<32x128xf32, #tpu.memory_space<vmem>>) target_semaphore(%arg17 : memref<!tpu.dma_semaphore, #tpu.memory_space<semaphore_mem>>)
    %multiple_of3A_315 = arith.constant 32 : i32
    %multiple_of3A_316 = tpu.assume_multiple %multiple_of3A_315, 16 : i32
    %get3A_317 = arith.index_cast %multiple_of3A_316 : i32 to index
    %get3A_318 = tpu.vector_load %arg9[%get3A_317] {strides = array<i32>} : memref<2112xi32, #tpu.memory_space<vmem>>, vector<16xi32>,
    %multiple_of3A_319 = arith.constant 32 : i32
    %multiple_of3A_320 = tpu.assume_multiple %multiple_of3A_319, 16 : i32
    %get3A_321 = arith.index_cast %multiple_of3A_320 : i32 to index
    %get3A_322 = tpu.vector_load %arg10[%get3A_321] {strides = array<i32>} : memref<2112xi32, #tpu.memory_space<vmem>>, vector<16xi32>,
    %slice3A_323 = vector.extract_strided_slice %get3A_318 {offsets = [0], sizes = [1], strides = [1]} : vector<16xi32> to vector<1xi32>
    %squeeze3A_324 = vector.extract %slice3A_323[0] : i32 from vector<1xi32>
    %shift_right_arithmetic3A_325 = arith.constant 7 : i32
    %shift_right_arithmetic3A_326 = arith.shrsi %squeeze3A_324, %shift_right_arithmetic3A_325 : i32
    %slice3A_327 = vector.extract_strided_slice %get3A_322 {offsets = [0], sizes = [1], strides = [1]} : vector<16xi32> to vector<1xi32>
    %squeeze3A_328 = vector.extract %slice3A_327[0] : i32 from vector<1xi32>
    %shift_right_arithmetic3A_329 = arith.constant 7 : i32
    %shift_right_arithmetic3A_330 = arith.shrsi %squeeze3A_328, %shift_right_arithmetic3A_329 : i32
    %mul3A_331 = arith.constant 128 : i32
    %mul3A_332 = arith.muli %shift_right_arithmetic3A_326, %mul3A_331 : i32
    %multiple_of3A_333 = tpu.assume_multiple %mul3A_332, 128 : i32
    %dma_start3A_334 = arith.constant 256 : i32
    %dma_start3A_335 = arith.constant 0 : i32
    %dma_start3A_336 = tpu.memref_slice %arg11[%dma_start3A_334, %dma_start3A_335] : memref<384x128xf32, #tpu.memory_space<vmem>> -> memref<32x128xf32, #tpu.memory_space<vmem>>
    %dma_start3A_337 = arith.constant 0 : i32
    %dma_start3A_338 = tpu.memref_slice %arg4[%dma_start3A_337, %multiple_of3A_333] : memref<32x1000000xf32, #tpu.memory_space<hbm>> -> memref<32x128xf32, #tpu.memory_space<hbm>>
    %dma_start3A_339 = arith.constant 256 : i32
    %dma_start3A_340 = arith.constant 0 : i32
    %dma_start3A_341 = tpu.memref_slice %arg11[%dma_start3A_339, %dma_start3A_340] : memref<384x128xf32, #tpu.memory_space<vmem>> -> memref<32x128xf32, #tpu.memory_space<vmem>>
    %dma_start3A_342 = arith.constant 0 : i32
    %dma_start3A_343 = tpu.memref_slice %arg4[%dma_start3A_342, %multiple_of3A_333] : memref<32x1000000xf32, #tpu.memory_space<hbm>> -> memref<32x128xf32, #tpu.memory_space<hbm>>
    tpu.enqueue_dma source(%dma_start3A_343 : memref<32x128xf32, #tpu.memory_space<hbm>>) target(%dma_start3A_341 : memref<32x128xf32, #tpu.memory_space<vmem>>) target_semaphore(%arg18 : memref<!tpu.dma_semaphore, #tpu.memory_space<semaphore_mem>>)
    %mul3A_344 = arith.constant 128 : i32
    %mul3A_345 = arith.muli %shift_right_arithmetic3A_330, %mul3A_344 : i32
    %multiple_of3A_346 = tpu.assume_multiple %mul3A_345, 128 : i32
    %dma_start3A_347 = arith.constant 256 : i32
    %dma_start3A_348 = arith.constant 0 : i32
    %dma_start3A_349 = tpu.memref_slice %arg12[%dma_start3A_347, %dma_start3A_348] : memref<384x128xf32, #tpu.memory_space<vmem>> -> memref<32x128xf32, #tpu.memory_space<vmem>>
    %dma_start3A_350 = arith.constant 0 : i32
    %dma_start3A_351 = tpu.memref_slice %arg5[%dma_start3A_350, %multiple_of3A_346] : memref<32x1000000xf32, #tpu.memory_space<hbm>> -> memref<32x128xf32, #tpu.memory_space<hbm>>
    %dma_start3A_352 = arith.constant 256 : i32
    %dma_start3A_353 = arith.constant 0 : i32
    %dma_start3A_354 = tpu.memref_slice %arg12[%dma_start3A_352, %dma_start3A_353] : memref<384x128xf32, #tpu.memory_space<vmem>> -> memref<32x128xf32, #tpu.memory_space<vmem>>
    %dma_start3A_355 = arith.constant 0 : i32
    %dma_start3A_356 = tpu.memref_slice %arg5[%dma_start3A_355, %multiple_of3A_346] : memref<32x1000000xf32, #tpu.memory_space<hbm>> -> memref<32x128xf32, #tpu.memory_space<hbm>>
    tpu.enqueue_dma source(%dma_start3A_356 : memref<32x128xf32, #tpu.memory_space<hbm>>) target(%dma_start3A_354 : memref<32x128xf32, #tpu.memory_space<vmem>>) target_semaphore(%arg19 : memref<!tpu.dma_semaphore, #tpu.memory_space<semaphore_mem>>)
    %slice3A_357 = vector.extract_strided_slice %get3A_318 {offsets = [1], sizes = [1], strides = [1]} : vector<16xi32> to vector<1xi32>
    %squeeze3A_358 = vector.extract %slice3A_357[0] : i32 from vector<1xi32>
    %shift_right_arithmetic3A_359 = arith.constant 7 : i32
    %shift_right_arithmetic3A_360 = arith.shrsi %squeeze3A_358, %shift_right_arithmetic3A_359 : i32
    %slice3A_361 = vector.extract_strided_slice %get3A_322 {offsets = [1], sizes = [1], strides = [1]} : vector<16xi32> to vector<1xi32>
    %squeeze3A_362 = vector.extract %slice3A_361[0] : i32 from vector<1xi32>
    %shift_right_arithmetic3A_363 = arith.constant 7 : i32
    %shift_right_arithmetic3A_364 = arith.shrsi %squeeze3A_362, %shift_right_arithmetic3A_363 : i32
    %mul3A_365 = arith.constant 128 : i32
    %mul3A_366 = arith.muli %shift_right_arithmetic3A_360, %mul3A_365 : i32
    %multiple_of3A_367 = tpu.assume_multiple %mul3A_366, 128 : i32
    %dma_start3A_368 = arith.constant 288 : i32
    %dma_start3A_369 = arith.constant 0 : i32
    %dma_start3A_370 = tpu.memref_slice %arg11[%dma_start3A_368, %dma_start3A_369] : memref<384x128xf32, #tpu.memory_space<vmem>> -> memref<32x128xf32, #tpu.memory_space<vmem>>
    %dma_start3A_371 = arith.constant 0 : i32
    %dma_start3A_372 = tpu.memref_slice %arg4[%dma_start3A_371, %multiple_of3A_367] : memref<32x1000000xf32, #tpu.memory_space<hbm>> -> memref<32x128xf32, #tpu.memory_space<hbm>>
    %dma_start3A_373 = arith.constant 288 : i32
    %dma_start3A_374 = arith.constant 0 : i32
    %dma_start3A_375 = tpu.memref_slice %arg11[%dma_start3A_373, %dma_start3A_374] : memref<384x128xf32, #tpu.memory_space<vmem>> -> memref<32x128xf32, #tpu.memory_space<vmem>>
    %dma_start3A_376 = arith.constant 0 : i32
    %dma_start3A_377 = tpu.memref_slice %arg4[%dma_start3A_376, %multiple_of3A_367] : memref<32x1000000xf32, #tpu.memory_space<hbm>> -> memref<32x128xf32, #tpu.memory_space<hbm>>
    tpu.enqueue_dma source(%dma_start3A_377 : memref<32x128xf32, #tpu.memory_space<hbm>>) target(%dma_start3A_375 : memref<32x128xf32, #tpu.memory_space<vmem>>) target_semaphore(%arg18 : memref<!tpu.dma_semaphore, #tpu.memory_space<semaphore_mem>>)
    %mul3A_378 = arith.constant 128 : i32
    %mul3A_379 = arith.muli %shift_right_arithmetic3A_364, %mul3A_378 : i32
    %multiple_of3A_380 = tpu.assume_multiple %mul3A_379, 128 : i32
    %dma_start3A_381 = arith.constant 288 : i32
    %dma_start3A_382 = arith.constant 0 : i32
    %dma_start3A_383 = tpu.memref_slice %arg12[%dma_start3A_381, %dma_start3A_382] : memref<384x128xf32, #tpu.memory_space<vmem>> -> memref<32x128xf32, #tpu.memory_space<vmem>>
    %dma_start3A_384 = arith.constant 0 : i32
    %dma_start3A_385 = tpu.memref_slice %arg5[%dma_start3A_384, %multiple_of3A_380] : memref<32x1000000xf32, #tpu.memory_space<hbm>> -> memref<32x128xf32, #tpu.memory_space<hbm>>
    %dma_start3A_386 = arith.constant 288 : i32
    %dma_start3A_387 = arith.constant 0 : i32
    %dma_start3A_388 = tpu.memref_slice %arg12[%dma_start3A_386, %dma_start3A_387] : memref<384x128xf32, #tpu.memory_space<vmem>> -> memref<32x128xf32, #tpu.memory_space<vmem>>
    %dma_start3A_389 = arith.constant 0 : i32
    %dma_start3A_390 = tpu.memref_slice %arg5[%dma_start3A_389, %multiple_of3A_380] : memref<32x1000000xf32, #tpu.memory_space<hbm>> -> memref<32x128xf32, #tpu.memory_space<hbm>>
    tpu.enqueue_dma source(%dma_start3A_390 : memref<32x128xf32, #tpu.memory_space<hbm>>) target(%dma_start3A_388 : memref<32x128xf32, #tpu.memory_space<vmem>>) target_semaphore(%arg19 : memref<!tpu.dma_semaphore, #tpu.memory_space<semaphore_mem>>)
    %slice3A_391 = vector.extract_strided_slice %get3A_318 {offsets = [2], sizes = [1], strides = [1]} : vector<16xi32> to vector<1xi32>
    %squeeze3A_392 = vector.extract %slice3A_391[0] : i32 from vector<1xi32>
    %shift_right_arithmetic3A_393 = arith.constant 7 : i32
    %shift_right_arithmetic3A_394 = arith.shrsi %squeeze3A_392, %shift_right_arithmetic3A_393 : i32
    %slice3A_395 = vector.extract_strided_slice %get3A_322 {offsets = [2], sizes = [1], strides = [1]} : vector<16xi32> to vector<1xi32>
    %squeeze3A_396 = vector.extract %slice3A_395[0] : i32 from vector<1xi32>
    %shift_right_arithmetic3A_397 = arith.constant 7 : i32
    %shift_right_arithmetic3A_398 = arith.shrsi %squeeze3A_396, %shift_right_arithmetic3A_397 : i32
    %mul3A_399 = arith.constant 128 : i32
    %mul3A_400 = arith.muli %shift_right_arithmetic3A_394, %mul3A_399 : i32
    %multiple_of3A_401 = tpu.assume_multiple %mul3A_400, 128 : i32
    %dma_start3A_402 = arith.constant 320 : i32
    %dma_start3A_403 = arith.constant 0 : i32
    %dma_start3A_404 = tpu.memref_slice %arg11[%dma_start3A_402, %dma_start3A_403] : memref<384x128xf32, #tpu.memory_space<vmem>> -> memref<32x128xf32, #tpu.memory_space<vmem>>
    %dma_start3A_405 = arith.constant 0 : i32
    %dma_start3A_406 = tpu.memref_slice %arg4[%dma_start3A_405, %multiple_of3A_401] : memref<32x1000000xf32, #tpu.memory_space<hbm>> -> memref<32x128xf32, #tpu.memory_space<hbm>>
    %dma_start3A_407 = arith.constant 320 : i32
    %dma_start3A_408 = arith.constant 0 : i32
    %dma_start3A_409 = tpu.memref_slice %arg11[%dma_start3A_407, %dma_start3A_408] : memref<384x128xf32, #tpu.memory_space<vmem>> -> memref<32x128xf32, #tpu.memory_space<vmem>>
    %dma_start3A_410 = arith.constant 0 : i32
    %dma_start3A_411 = tpu.memref_slice %arg4[%dma_start3A_410, %multiple_of3A_401] : memref<32x1000000xf32, #tpu.memory_space<hbm>> -> memref<32x128xf32, #tpu.memory_space<hbm>>
    tpu.enqueue_dma source(%dma_start3A_411 : memref<32x128xf32, #tpu.memory_space<hbm>>) target(%dma_start3A_409 : memref<32x128xf32, #tpu.memory_space<vmem>>) target_semaphore(%arg18 : memref<!tpu.dma_semaphore, #tpu.memory_space<semaphore_mem>>)
    %mul3A_412 = arith.constant 128 : i32
    %mul3A_413 = arith.muli %shift_right_arithmetic3A_398, %mul3A_412 : i32
    %multiple_of3A_414 = tpu.assume_multiple %mul3A_413, 128 : i32
    %dma_start3A_415 = arith.constant 320 : i32
    %dma_start3A_416 = arith.constant 0 : i32
    %dma_start3A_417 = tpu.memref_slice %arg12[%dma_start3A_415, %dma_start3A_416] : memref<384x128xf32, #tpu.memory_space<vmem>> -> memref<32x128xf32, #tpu.memory_space<vmem>>
    %dma_start3A_418 = arith.constant 0 : i32
    %dma_start3A_419 = tpu.memref_slice %arg5[%dma_start3A_418, %multiple_of3A_414] : memref<32x1000000xf32, #tpu.memory_space<hbm>> -> memref<32x128xf32, #tpu.memory_space<hbm>>
    %dma_start3A_420 = arith.constant 320 : i32
    %dma_start3A_421 = arith.constant 0 : i32
    %dma_start3A_422 = tpu.memref_slice %arg12[%dma_start3A_420, %dma_start3A_421] : memref<384x128xf32, #tpu.memory_space<vmem>> -> memref<32x128xf32, #tpu.memory_space<vmem>>
    %dma_start3A_423 = arith.constant 0 : i32
    %dma_start3A_424 = tpu.memref_slice %arg5[%dma_start3A_423, %multiple_of3A_414] : memref<32x1000000xf32, #tpu.memory_space<hbm>> -> memref<32x128xf32, #tpu.memory_space<hbm>>
    tpu.enqueue_dma source(%dma_start3A_424 : memref<32x128xf32, #tpu.memory_space<hbm>>) target(%dma_start3A_422 : memref<32x128xf32, #tpu.memory_space<vmem>>) target_semaphore(%arg19 : memref<!tpu.dma_semaphore, #tpu.memory_space<semaphore_mem>>)
    %slice3A_425 = vector.extract_strided_slice %get3A_318 {offsets = [3], sizes = [1], strides = [1]} : vector<16xi32> to vector<1xi32>
    %squeeze3A_426 = vector.extract %slice3A_425[0] : i32 from vector<1xi32>
    %shift_right_arithmetic3A_427 = arith.constant 7 : i32
    %shift_right_arithmetic3A_428 = arith.shrsi %squeeze3A_426, %shift_right_arithmetic3A_427 : i32
    %slice3A_429 = vector.extract_strided_slice %get3A_322 {offsets = [3], sizes = [1], strides = [1]} : vector<16xi32> to vector<1xi32>
    %squeeze3A_430 = vector.extract %slice3A_429[0] : i32 from vector<1xi32>
    %shift_right_arithmetic3A_431 = arith.constant 7 : i32
    %shift_right_arithmetic3A_432 = arith.shrsi %squeeze3A_430, %shift_right_arithmetic3A_431 : i32
    %mul3A_433 = arith.constant 128 : i32
    %mul3A_434 = arith.muli %shift_right_arithmetic3A_428, %mul3A_433 : i32
    %multiple_of3A_435 = tpu.assume_multiple %mul3A_434, 128 : i32
    %dma_start3A_436 = arith.constant 352 : i32
    %dma_start3A_437 = arith.constant 0 : i32
    %dma_start3A_438 = tpu.memref_slice %arg11[%dma_start3A_436, %dma_start3A_437] : memref<384x128xf32, #tpu.memory_space<vmem>> -> memref<32x128xf32, #tpu.memory_space<vmem>>
    %dma_start3A_439 = arith.constant 0 : i32
    %dma_start3A_440 = tpu.memref_slice %arg4[%dma_start3A_439, %multiple_of3A_435] : memref<32x1000000xf32, #tpu.memory_space<hbm>> -> memref<32x128xf32, #tpu.memory_space<hbm>>
    %dma_start3A_441 = arith.constant 352 : i32
    %dma_start3A_442 = arith.constant 0 : i32
    %dma_start3A_443 = tpu.memref_slice %arg11[%dma_start3A_441, %dma_start3A_442] : memref<384x128xf32, #tpu.memory_space<vmem>> -> memref<32x128xf32, #tpu.memory_space<vmem>>
    %dma_start3A_444 = arith.constant 0 : i32
    %dma_start3A_445 = tpu.memref_slice %arg4[%dma_start3A_444, %multiple_of3A_435] : memref<32x1000000xf32, #tpu.memory_space<hbm>> -> memref<32x128xf32, #tpu.memory_space<hbm>>
    tpu.enqueue_dma source(%dma_start3A_445 : memref<32x128xf32, #tpu.memory_space<hbm>>) target(%dma_start3A_443 : memref<32x128xf32, #tpu.memory_space<vmem>>) target_semaphore(%arg18 : memref<!tpu.dma_semaphore, #tpu.memory_space<semaphore_mem>>)
    %mul3A_446 = arith.constant 128 : i32
    %mul3A_447 = arith.muli %shift_right_arithmetic3A_432, %mul3A_446 : i32
    %multiple_of3A_448 = tpu.assume_multiple %mul3A_447, 128 : i32
    %dma_start3A_449 = arith.constant 352 : i32
    %dma_start3A_450 = arith.constant 0 : i32
    %dma_start3A_451 = tpu.memref_slice %arg12[%dma_start3A_449, %dma_start3A_450] : memref<384x128xf32, #tpu.memory_space<vmem>> -> memref<32x128xf32, #tpu.memory_space<vmem>>
    %dma_start3A_452 = arith.constant 0 : i32
    %dma_start3A_453 = tpu.memref_slice %arg5[%dma_start3A_452, %multiple_of3A_448] : memref<32x1000000xf32, #tpu.memory_space<hbm>> -> memref<32x128xf32, #tpu.memory_space<hbm>>
    %dma_start3A_454 = arith.constant 352 : i32
    %dma_start3A_455 = arith.constant 0 : i32
    %dma_start3A_456 = tpu.memref_slice %arg12[%dma_start3A_454, %dma_start3A_455] : memref<384x128xf32, #tpu.memory_space<vmem>> -> memref<32x128xf32, #tpu.memory_space<vmem>>
    %dma_start3A_457 = arith.constant 0 : i32
    %dma_start3A_458 = tpu.memref_slice %arg5[%dma_start3A_457, %multiple_of3A_448] : memref<32x1000000xf32, #tpu.memory_space<hbm>> -> memref<32x128xf32, #tpu.memory_space<hbm>>
    tpu.enqueue_dma source(%dma_start3A_458 : memref<32x128xf32, #tpu.memory_space<hbm>>) target(%dma_start3A_456 : memref<32x128xf32, #tpu.memory_space<vmem>>) target_semaphore(%arg19 : memref<!tpu.dma_semaphore, #tpu.memory_space<semaphore_mem>>)
    %broadcast_in_dim3A_459 = arith.constant 0.000000e+00 : f32
    %broadcast_in_dim3A_460 = vector.broadcast %broadcast_in_dim3A_459 : f32 to vector<16xf32>
    %scan3A_461 = arith.constant 0 : i32
    %scan3A_462 = arith.constant 43 : i32
    %scan3A_463 = arith.addi %scan3A_461, %scan3A_462 : i32
    %scan3A_464 = arith.constant 1 : i32
    %scan3A_465 = scf.for %scan3A_754 = %scan3A_461 to %scan3A_463 step %scan3A_464 iter_args(%scan3A_755 = %broadcast_in_dim3A_460) -> (vector<16xf32>)  : i32 {
      %mul3A_756 = arith.constant 3 : i32
      %mul3A_757 = arith.muli %scan3A_754, %mul3A_756 : i32
      %add3A_758 = arith.constant 0 : i32
      %add3A_759 = arith.addi %mul3A_757, %add3A_758 : i32
      %dma_wait3A_760 = arith.constant 0 : i32
      %dma_wait3A_761 = arith.constant 0 : i32
      %dma_wait3A_762 = tpu.memref_slice %arg11[%dma_wait3A_760, %dma_wait3A_761] : memref<384x128xf32, #tpu.memory_space<vmem>> -> memref<32x128xf32, #tpu.memory_space<vmem>>
      %dma_wait3A_763 = arith.constant 0 : i32
      %dma_wait3A_764 = arith.constant 0 : i32
      %dma_wait3A_765 = tpu.memref_slice %arg4[%dma_wait3A_763, %dma_wait3A_764] : memref<32x1000000xf32, #tpu.memory_space<hbm>> -> memref<32x128xf32, #tpu.memory_space<hbm>>
      %dma_wait3A_766 = arith.constant 0 : i32
      %dma_wait3A_767 = arith.constant 0 : i32
      %dma_wait3A_768 = tpu.memref_slice %arg11[%dma_wait3A_766, %dma_wait3A_767] : memref<384x128xf32, #tpu.memory_space<vmem>> -> memref<32x128xf32, #tpu.memory_space<vmem>>
      %dma_wait3A_769 = arith.constant 0 : i32
      %dma_wait3A_770 = arith.constant 0 : i32
      %dma_wait3A_771 = tpu.memref_slice %arg4[%dma_wait3A_769, %dma_wait3A_770] : memref<32x1000000xf32, #tpu.memory_space<hbm>> -> memref<32x128xf32, #tpu.memory_space<hbm>>
      tpu.wait_dma2 semaphore(%arg14 : memref<!tpu.dma_semaphore, #tpu.memory_space<semaphore_mem>>) src(%dma_wait3A_771 : memref<32x128xf32, #tpu.memory_space<hbm>>) dst(%dma_wait3A_768 : memref<32x128xf32, #tpu.memory_space<vmem>>)
      %dma_wait3A_772 = arith.constant 0 : i32
      %dma_wait3A_773 = arith.constant 0 : i32
      %dma_wait3A_774 = tpu.memref_slice %arg12[%dma_wait3A_772, %dma_wait3A_773] : memref<384x128xf32, #tpu.memory_space<vmem>> -> memref<32x128xf32, #tpu.memory_space<vmem>>
      %dma_wait3A_775 = arith.constant 0 : i32
      %dma_wait3A_776 = arith.constant 0 : i32
      %dma_wait3A_777 = tpu.memref_slice %arg5[%dma_wait3A_775, %dma_wait3A_776] : memref<32x1000000xf32, #tpu.memory_space<hbm>> -> memref<32x128xf32, #tpu.memory_space<hbm>>
      %dma_wait3A_778 = arith.constant 0 : i32
      %dma_wait3A_779 = arith.constant 0 : i32
      %dma_wait3A_780 = tpu.memref_slice %arg12[%dma_wait3A_778, %dma_wait3A_779] : memref<384x128xf32, #tpu.memory_space<vmem>> -> memref<32x128xf32, #tpu.memory_space<vmem>>
      %dma_wait3A_781 = arith.constant 0 : i32
      %dma_wait3A_782 = arith.constant 0 : i32
      %dma_wait3A_783 = tpu.memref_slice %arg5[%dma_wait3A_781, %dma_wait3A_782] : memref<32x1000000xf32, #tpu.memory_space<hbm>> -> memref<32x128xf32, #tpu.memory_space<hbm>>
      tpu.wait_dma2 semaphore(%arg15 : memref<!tpu.dma_semaphore, #tpu.memory_space<semaphore_mem>>) src(%dma_wait3A_783 : memref<32x128xf32, #tpu.memory_space<hbm>>) dst(%dma_wait3A_780 : memref<32x128xf32, #tpu.memory_space<vmem>>)
      %dma_wait3A_784 = arith.constant 0 : i32
      %dma_wait3A_785 = arith.constant 0 : i32
      %dma_wait3A_786 = tpu.memref_slice %arg11[%dma_wait3A_784, %dma_wait3A_785] : memref<384x128xf32, #tpu.memory_space<vmem>> -> memref<32x128xf32, #tpu.memory_space<vmem>>
      %dma_wait3A_787 = arith.constant 0 : i32
      %dma_wait3A_788 = arith.constant 0 : i32
      %dma_wait3A_789 = tpu.memref_slice %arg4[%dma_wait3A_787, %dma_wait3A_788] : memref<32x1000000xf32, #tpu.memory_space<hbm>> -> memref<32x128xf32, #tpu.memory_space<hbm>>
      %dma_wait3A_790 = arith.constant 0 : i32
      %dma_wait3A_791 = arith.constant 0 : i32
      %dma_wait3A_792 = tpu.memref_slice %arg11[%dma_wait3A_790, %dma_wait3A_791] : memref<384x128xf32, #tpu.memory_space<vmem>> -> memref<32x128xf32, #tpu.memory_space<vmem>>
      %dma_wait3A_793 = arith.constant 0 : i32
      %dma_wait3A_794 = arith.constant 0 : i32
      %dma_wait3A_795 = tpu.memref_slice %arg4[%dma_wait3A_793, %dma_wait3A_794] : memref<32x1000000xf32, #tpu.memory_space<hbm>> -> memref<32x128xf32, #tpu.memory_space<hbm>>
      tpu.wait_dma2 semaphore(%arg14 : memref<!tpu.dma_semaphore, #tpu.memory_space<semaphore_mem>>) src(%dma_wait3A_795 : memref<32x128xf32, #tpu.memory_space<hbm>>) dst(%dma_wait3A_792 : memref<32x128xf32, #tpu.memory_space<vmem>>)
      %dma_wait3A_796 = arith.constant 0 : i32
      %dma_wait3A_797 = arith.constant 0 : i32
      %dma_wait3A_798 = tpu.memref_slice %arg12[%dma_wait3A_796, %dma_wait3A_797] : memref<384x128xf32, #tpu.memory_space<vmem>> -> memref<32x128xf32, #tpu.memory_space<vmem>>
      %dma_wait3A_799 = arith.constant 0 : i32
      %dma_wait3A_800 = arith.constant 0 : i32
      %dma_wait3A_801 = tpu.memref_slice %arg5[%dma_wait3A_799, %dma_wait3A_800] : memref<32x1000000xf32, #tpu.memory_space<hbm>> -> memref<32x128xf32, #tpu.memory_space<hbm>>
      %dma_wait3A_802 = arith.constant 0 : i32
      %dma_wait3A_803 = arith.constant 0 : i32
      %dma_wait3A_804 = tpu.memref_slice %arg12[%dma_wait3A_802, %dma_wait3A_803] : memref<384x128xf32, #tpu.memory_space<vmem>> -> memref<32x128xf32, #tpu.memory_space<vmem>>
      %dma_wait3A_805 = arith.constant 0 : i32
      %dma_wait3A_806 = arith.constant 0 : i32
      %dma_wait3A_807 = tpu.memref_slice %arg5[%dma_wait3A_805, %dma_wait3A_806] : memref<32x1000000xf32, #tpu.memory_space<hbm>> -> memref<32x128xf32, #tpu.memory_space<hbm>>
      tpu.wait_dma2 semaphore(%arg15 : memref<!tpu.dma_semaphore, #tpu.memory_space<semaphore_mem>>) src(%dma_wait3A_807 : memref<32x128xf32, #tpu.memory_space<hbm>>) dst(%dma_wait3A_804 : memref<32x128xf32, #tpu.memory_space<vmem>>)
      %dma_wait3A_808 = arith.constant 0 : i32
      %dma_wait3A_809 = arith.constant 0 : i32
      %dma_wait3A_810 = tpu.memref_slice %arg11[%dma_wait3A_808, %dma_wait3A_809] : memref<384x128xf32, #tpu.memory_space<vmem>> -> memref<32x128xf32, #tpu.memory_space<vmem>>
      %dma_wait3A_811 = arith.constant 0 : i32
      %dma_wait3A_812 = arith.constant 0 : i32
      %dma_wait3A_813 = tpu.memref_slice %arg4[%dma_wait3A_811, %dma_wait3A_812] : memref<32x1000000xf32, #tpu.memory_space<hbm>> -> memref<32x128xf32, #tpu.memory_space<hbm>>
      %dma_wait3A_814 = arith.constant 0 : i32
      %dma_wait3A_815 = arith.constant 0 : i32
      %dma_wait3A_816 = tpu.memref_slice %arg11[%dma_wait3A_814, %dma_wait3A_815] : memref<384x128xf32, #tpu.memory_space<vmem>> -> memref<32x128xf32, #tpu.memory_space<vmem>>
      %dma_wait3A_817 = arith.constant 0 : i32
      %dma_wait3A_818 = arith.constant 0 : i32
      %dma_wait3A_819 = tpu.memref_slice %arg4[%dma_wait3A_817, %dma_wait3A_818] : memref<32x1000000xf32, #tpu.memory_space<hbm>> -> memref<32x128xf32, #tpu.memory_space<hbm>>
      tpu.wait_dma2 semaphore(%arg14 : memref<!tpu.dma_semaphore, #tpu.memory_space<semaphore_mem>>) src(%dma_wait3A_819 : memref<32x128xf32, #tpu.memory_space<hbm>>) dst(%dma_wait3A_816 : memref<32x128xf32, #tpu.memory_space<vmem>>)
      %dma_wait3A_820 = arith.constant 0 : i32
      %dma_wait3A_821 = arith.constant 0 : i32
      %dma_wait3A_822 = tpu.memref_slice %arg12[%dma_wait3A_820, %dma_wait3A_821] : memref<384x128xf32, #tpu.memory_space<vmem>> -> memref<32x128xf32, #tpu.memory_space<vmem>>
      %dma_wait3A_823 = arith.constant 0 : i32
      %dma_wait3A_824 = arith.constant 0 : i32
      %dma_wait3A_825 = tpu.memref_slice %arg5[%dma_wait3A_823, %dma_wait3A_824] : memref<32x1000000xf32, #tpu.memory_space<hbm>> -> memref<32x128xf32, #tpu.memory_space<hbm>>
      %dma_wait3A_826 = arith.constant 0 : i32
      %dma_wait3A_827 = arith.constant 0 : i32
      %dma_wait3A_828 = tpu.memref_slice %arg12[%dma_wait3A_826, %dma_wait3A_827] : memref<384x128xf32, #tpu.memory_space<vmem>> -> memref<32x128xf32, #tpu.memory_space<vmem>>
      %dma_wait3A_829 = arith.constant 0 : i32
      %dma_wait3A_830 = arith.constant 0 : i32
      %dma_wait3A_831 = tpu.memref_slice %arg5[%dma_wait3A_829, %dma_wait3A_830] : memref<32x1000000xf32, #tpu.memory_space<hbm>> -> memref<32x128xf32, #tpu.memory_space<hbm>>
      tpu.wait_dma2 semaphore(%arg15 : memref<!tpu.dma_semaphore, #tpu.memory_space<semaphore_mem>>) src(%dma_wait3A_831 : memref<32x128xf32, #tpu.memory_space<hbm>>) dst(%dma_wait3A_828 : memref<32x128xf32, #tpu.memory_space<vmem>>)
      %dma_wait3A_832 = arith.constant 0 : i32
      %dma_wait3A_833 = arith.constant 0 : i32
      %dma_wait3A_834 = tpu.memref_slice %arg11[%dma_wait3A_832, %dma_wait3A_833] : memref<384x128xf32, #tpu.memory_space<vmem>> -> memref<32x128xf32, #tpu.memory_space<vmem>>
      %dma_wait3A_835 = arith.constant 0 : i32
      %dma_wait3A_836 = arith.constant 0 : i32
      %dma_wait3A_837 = tpu.memref_slice %arg4[%dma_wait3A_835, %dma_wait3A_836] : memref<32x1000000xf32, #tpu.memory_space<hbm>> -> memref<32x128xf32, #tpu.memory_space<hbm>>
      %dma_wait3A_838 = arith.constant 0 : i32
      %dma_wait3A_839 = arith.constant 0 : i32
      %dma_wait3A_840 = tpu.memref_slice %arg11[%dma_wait3A_838, %dma_wait3A_839] : memref<384x128xf32, #tpu.memory_space<vmem>> -> memref<32x128xf32, #tpu.memory_space<vmem>>
      %dma_wait3A_841 = arith.constant 0 : i32
      %dma_wait3A_842 = arith.constant 0 : i32
      %dma_wait3A_843 = tpu.memref_slice %arg4[%dma_wait3A_841, %dma_wait3A_842] : memref<32x1000000xf32, #tpu.memory_space<hbm>> -> memref<32x128xf32, #tpu.memory_space<hbm>>
      tpu.wait_dma2 semaphore(%arg14 : memref<!tpu.dma_semaphore, #tpu.memory_space<semaphore_mem>>) src(%dma_wait3A_843 : memref<32x128xf32, #tpu.memory_space<hbm>>) dst(%dma_wait3A_840 : memref<32x128xf32, #tpu.memory_space<vmem>>)
      %dma_wait3A_844 = arith.constant 0 : i32
      %dma_wait3A_845 = arith.constant 0 : i32
      %dma_wait3A_846 = tpu.memref_slice %arg12[%dma_wait3A_844, %dma_wait3A_845] : memref<384x128xf32, #tpu.memory_space<vmem>> -> memref<32x128xf32, #tpu.memory_space<vmem>>
      %dma_wait3A_847 = arith.constant 0 : i32
      %dma_wait3A_848 = arith.constant 0 : i32
      %dma_wait3A_849 = tpu.memref_slice %arg5[%dma_wait3A_847, %dma_wait3A_848] : memref<32x1000000xf32, #tpu.memory_space<hbm>> -> memref<32x128xf32, #tpu.memory_space<hbm>>
      %dma_wait3A_850 = arith.constant 0 : i32
      %dma_wait3A_851 = arith.constant 0 : i32
      %dma_wait3A_852 = tpu.memref_slice %arg12[%dma_wait3A_850, %dma_wait3A_851] : memref<384x128xf32, #tpu.memory_space<vmem>> -> memref<32x128xf32, #tpu.memory_space<vmem>>
      %dma_wait3A_853 = arith.constant 0 : i32
      %dma_wait3A_854 = arith.constant 0 : i32
      %dma_wait3A_855 = tpu.memref_slice %arg5[%dma_wait3A_853, %dma_wait3A_854] : memref<32x1000000xf32, #tpu.memory_space<hbm>> -> memref<32x128xf32, #tpu.memory_space<hbm>>
      tpu.wait_dma2 semaphore(%arg15 : memref<!tpu.dma_semaphore, #tpu.memory_space<semaphore_mem>>) src(%dma_wait3A_855 : memref<32x128xf32, #tpu.memory_space<hbm>>) dst(%dma_wait3A_852 : memref<32x128xf32, #tpu.memory_space<vmem>>)
      %mul3A_856 = arith.constant 16 : i32
      %mul3A_857 = arith.muli %add3A_759, %mul3A_856 : i32
      %multiple_of3A_858 = tpu.assume_multiple %mul3A_857, 16 : i32
      %get3A_859 = arith.index_cast %multiple_of3A_858 : i32 to index
      %get3A_860 = tpu.vector_load %arg9[%get3A_859] {strides = array<i32>} : memref<2112xi32, #tpu.memory_space<vmem>>, vector<16xi32>,
      %mul3A_861 = arith.constant 16 : i32
      %mul3A_862 = arith.muli %add3A_759, %mul3A_861 : i32
      %multiple_of3A_863 = tpu.assume_multiple %mul3A_862, 16 : i32
      %get3A_864 = arith.index_cast %multiple_of3A_863 : i32 to index
      %get3A_865 = tpu.vector_load %arg10[%get3A_864] {strides = array<i32>} : memref<2112xi32, #tpu.memory_space<vmem>>, vector<16xi32>,
      %reshape3A = vector.shape_cast %and3A_4 : vector<16xi32> to vector<16x1xi32>
      %gather3A = vector.shape_cast %reshape3A : vector<16x1xi32> to vector<16xi32>
      %gather3A_866 = tpu.dynamic_gather %get3A_860[%gather3A] in [0] : vector<16xi32>, vector<16xi32> -> vector<16xi32>
      %and3A_867 = arith.constant 127 : i32
      %and3A_868 = vector.broadcast %and3A_867 : i32 to vector<16xi32>
      %and3A_869 = arith.andi %gather3A_866, %and3A_868 : vector<16xi32>
      %reshape3A_870 = vector.shape_cast %and3A_4 : vector<16xi32> to vector<16x1xi32>
      %gather3A_871 = vector.shape_cast %reshape3A_870 : vector<16x1xi32> to vector<16xi32>
      %gather3A_872 = tpu.dynamic_gather %get3A_865[%gather3A_871] in [0] : vector<16xi32>, vector<16xi32> -> vector<16xi32>
      %and3A_873 = arith.constant 127 : i32
      %and3A_874 = vector.broadcast %and3A_873 : i32 to vector<16xi32>
      %and3A_875 = arith.andi %gather3A_872, %and3A_874 : vector<16xi32>
      %add3A_876 = arith.constant 0 : i32
      %add3A_877 = vector.broadcast %add3A_876 : i32 to vector<16xi32>
      %add3A_878 = arith.addi %add3A_10, %add3A_877 : vector<16xi32>
      %broadcast_in_dim3A_879 = arith.constant 0.000000e+00 : f32
      %broadcast_in_dim3A_880 = vector.broadcast %broadcast_in_dim3A_879 : f32 to vector<16xf32>
      %add3A_881 = arith.constant 0 : i32
      %add3A_882 = vector.broadcast %add3A_881 : i32 to vector<16xi32>
      %add3A_883 = arith.addi %add3A_878, %add3A_882 : vector<16xi32>
      %gather3A_884 = tpu.vector_load_idx %arg11[%add3A_883, %and3A_869] : memref<384x128xf32, #tpu.memory_space<vmem>>[vector<16xi32>, vector<16xi32>], vector<16xf32>,
      %gather3A_885 = tpu.vector_load_idx %arg12[%add3A_883, %and3A_875] : memref<384x128xf32, #tpu.memory_space<vmem>>[vector<16xi32>, vector<16xi32>], vector<16xf32>,
      %mul3A_886 = arith.mulf %gather3A_884, %gather3A_885 : vector<16xf32>
      %add3A_887 = arith.addf %broadcast_in_dim3A_880, %mul3A_886 : vector<16xf32>
      %add3A_888 = arith.constant 4 : i32
      %add3A_889 = vector.broadcast %add3A_888 : i32 to vector<16xi32>
      %add3A_890 = arith.addi %add3A_878, %add3A_889 : vector<16xi32>
      %gather3A_891 = tpu.vector_load_idx %arg11[%add3A_890, %and3A_869] : memref<384x128xf32, #tpu.memory_space<vmem>>[vector<16xi32>, vector<16xi32>], vector<16xf32>,
      %gather3A_892 = tpu.vector_load_idx %arg12[%add3A_890, %and3A_875] : memref<384x128xf32, #tpu.memory_space<vmem>>[vector<16xi32>, vector<16xi32>], vector<16xf32>,
      %mul3A_893 = arith.mulf %gather3A_891, %gather3A_892 : vector<16xf32>
      %add3A_894 = arith.addf %add3A_887, %mul3A_893 : vector<16xf32>
      %add3A_895 = arith.constant 8 : i32
      %add3A_896 = vector.broadcast %add3A_895 : i32 to vector<16xi32>
      %add3A_897 = arith.addi %add3A_878, %add3A_896 : vector<16xi32>
      %gather3A_898 = tpu.vector_load_idx %arg11[%add3A_897, %and3A_869] : memref<384x128xf32, #tpu.memory_space<vmem>>[vector<16xi32>, vector<16xi32>], vector<16xf32>,
      %gather3A_899 = tpu.vector_load_idx %arg12[%add3A_897, %and3A_875] : memref<384x128xf32, #tpu.memory_space<vmem>>[vector<16xi32>, vector<16xi32>], vector<16xf32>,
      %mul3A_900 = arith.mulf %gather3A_898, %gather3A_899 : vector<16xf32>
      %add3A_901 = arith.addf %add3A_894, %mul3A_900 : vector<16xf32>
      %add3A_902 = arith.constant 12 : i32
      %add3A_903 = vector.broadcast %add3A_902 : i32 to vector<16xi32>
      %add3A_904 = arith.addi %add3A_878, %add3A_903 : vector<16xi32>
      %gather3A_905 = tpu.vector_load_idx %arg11[%add3A_904, %and3A_869] : memref<384x128xf32, #tpu.memory_space<vmem>>[vector<16xi32>, vector<16xi32>], vector<16xf32>,
      %gather3A_906 = tpu.vector_load_idx %arg12[%add3A_904, %and3A_875] : memref<384x128xf32, #tpu.memory_space<vmem>>[vector<16xi32>, vector<16xi32>], vector<16xf32>,
      %mul3A_907 = arith.mulf %gather3A_905, %gather3A_906 : vector<16xf32>
      %add3A_908 = arith.addf %add3A_901, %mul3A_907 : vector<16xf32>
      %add3A_909 = arith.constant 16 : i32
      %add3A_910 = vector.broadcast %add3A_909 : i32 to vector<16xi32>
      %add3A_911 = arith.addi %add3A_878, %add3A_910 : vector<16xi32>
      %gather3A_912 = tpu.vector_load_idx %arg11[%add3A_911, %and3A_869] : memref<384x128xf32, #tpu.memory_space<vmem>>[vector<16xi32>, vector<16xi32>], vector<16xf32>,
      %gather3A_913 = tpu.vector_load_idx %arg12[%add3A_911, %and3A_875] : memref<384x128xf32, #tpu.memory_space<vmem>>[vector<16xi32>, vector<16xi32>], vector<16xf32>,
      %mul3A_914 = arith.mulf %gather3A_912, %gather3A_913 : vector<16xf32>
      %add3A_915 = arith.addf %add3A_908, %mul3A_914 : vector<16xf32>
      %add3A_916 = arith.constant 20 : i32
      %add3A_917 = vector.broadcast %add3A_916 : i32 to vector<16xi32>
      %add3A_918 = arith.addi %add3A_878, %add3A_917 : vector<16xi32>
      %gather3A_919 = tpu.vector_load_idx %arg11[%add3A_918, %and3A_869] : memref<384x128xf32, #tpu.memory_space<vmem>>[vector<16xi32>, vector<16xi32>], vector<16xf32>,
      %gather3A_920 = tpu.vector_load_idx %arg12[%add3A_918, %and3A_875] : memref<384x128xf32, #tpu.memory_space<vmem>>[vector<16xi32>, vector<16xi32>], vector<16xf32>,
      %mul3A_921 = arith.mulf %gather3A_919, %gather3A_920 : vector<16xf32>
      %add3A_922 = arith.addf %add3A_915, %mul3A_921 : vector<16xf32>
      %add3A_923 = arith.constant 24 : i32
      %add3A_924 = vector.broadcast %add3A_923 : i32 to vector<16xi32>
      %add3A_925 = arith.addi %add3A_878, %add3A_924 : vector<16xi32>
      %gather3A_926 = tpu.vector_load_idx %arg11[%add3A_925, %and3A_869] : memref<384x128xf32, #tpu.memory_space<vmem>>[vector<16xi32>, vector<16xi32>], vector<16xf32>,
      %gather3A_927 = tpu.vector_load_idx %arg12[%add3A_925, %and3A_875] : memref<384x128xf32, #tpu.memory_space<vmem>>[vector<16xi32>, vector<16xi32>], vector<16xf32>,
      %mul3A_928 = arith.mulf %gather3A_926, %gather3A_927 : vector<16xf32>
      %add3A_929 = arith.addf %add3A_922, %mul3A_928 : vector<16xf32>
      %add3A_930 = arith.constant 28 : i32
      %add3A_931 = vector.broadcast %add3A_930 : i32 to vector<16xi32>
      %add3A_932 = arith.addi %add3A_878, %add3A_931 : vector<16xi32>
      %gather3A_933 = tpu.vector_load_idx %arg11[%add3A_932, %and3A_869] : memref<384x128xf32, #tpu.memory_space<vmem>>[vector<16xi32>, vector<16xi32>], vector<16xf32>,
      %gather3A_934 = tpu.vector_load_idx %arg12[%add3A_932, %and3A_875] : memref<384x128xf32, #tpu.memory_space<vmem>>[vector<16xi32>, vector<16xi32>], vector<16xf32>,
      %mul3A_935 = arith.mulf %gather3A_933, %gather3A_934 : vector<16xf32>
      %add3A_936 = arith.addf %add3A_929, %mul3A_935 : vector<16xf32>
      %add3A_937 = arith.constant 8 : i32
      %add3A_938 = vector.broadcast %add3A_937 : i32 to vector<16xi32>
      %add3A_939 = arith.addi %iota3A, %add3A_938 : vector<16xi32>
      %and3A_940 = arith.constant 15 : i32
      %and3A_941 = vector.broadcast %and3A_940 : i32 to vector<16xi32>
      %and3A_942 = arith.andi %add3A_939, %and3A_941 : vector<16xi32>
      %reshape3A_943 = vector.shape_cast %and3A_942 : vector<16xi32> to vector<16x1xi32>
      %gather3A_944 = vector.shape_cast %reshape3A_943 : vector<16x1xi32> to vector<16xi32>
      %gather3A_945 = tpu.dynamic_gather %add3A_936[%gather3A_944] in [0] : vector<16xf32>, vector<16xi32> -> vector<16xf32>
      %add3A_946 = arith.addf %add3A_936, %gather3A_945 : vector<16xf32>
      %add3A_947 = arith.constant 4 : i32
      %add3A_948 = vector.broadcast %add3A_947 : i32 to vector<16xi32>
      %add3A_949 = arith.addi %iota3A, %add3A_948 : vector<16xi32>
      %and3A_950 = arith.constant 15 : i32
      %and3A_951 = vector.broadcast %and3A_950 : i32 to vector<16xi32>
      %and3A_952 = arith.andi %add3A_949, %and3A_951 : vector<16xi32>
      %reshape3A_953 = vector.shape_cast %and3A_952 : vector<16xi32> to vector<16x1xi32>
      %gather3A_954 = vector.shape_cast %reshape3A_953 : vector<16x1xi32> to vector<16xi32>
      %gather3A_955 = tpu.dynamic_gather %add3A_946[%gather3A_954] in [0] : vector<16xf32>, vector<16xi32> -> vector<16xf32>
      %add3A_956 = arith.addf %add3A_946, %gather3A_955 : vector<16xf32>
      %and3A_957 = arith.constant 3 : i32
      %and3A_958 = arith.andi %add3A_759, %and3A_957 : i32
      %mul3A_959 = arith.constant 4 : i32
      %mul3A_960 = arith.muli %and3A_958, %mul3A_959 : i32
      %sub3A = vector.broadcast %mul3A_960 : i32 to vector<16xi32>
      %sub3A_961 = arith.subi %iota3A, %sub3A : vector<16xi32>
      %and3A_962 = arith.constant 15 : i32
      %and3A_963 = vector.broadcast %and3A_962 : i32 to vector<16xi32>
      %and3A_964 = arith.andi %sub3A_961, %and3A_963 : vector<16xi32>
      %reshape3A_965 = vector.shape_cast %and3A_964 : vector<16xi32> to vector<16x1xi32>
      %gather3A_966 = vector.shape_cast %reshape3A_965 : vector<16x1xi32> to vector<16xi32>
      %gather3A_967 = tpu.dynamic_gather %add3A_956[%gather3A_966] in [0] : vector<16xf32>, vector<16xi32> -> vector<16xf32>
      %eq3A = vector.broadcast %and3A_958 : i32 to vector<16xi32>
      %eq3A_968 = arith.cmpi eq, %shift_right_arithmetic3A_6, %eq3A : vector<16xi32>
      %select_n3A = arith.select %eq3A_968, %gather3A_967, %scan3A_755 : vector<16xi1>, vector<16xf32>
      %shift_right_arithmetic3A_969 = arith.constant 2 : i32
      %shift_right_arithmetic3A_970 = arith.shrsi %add3A_759, %shift_right_arithmetic3A_969 : i32
      %mul3A_971 = arith.constant 16 : i32
      %mul3A_972 = arith.muli %shift_right_arithmetic3A_970, %mul3A_971 : i32
      %multiple_of3A_973 = tpu.assume_multiple %mul3A_972, 16 : i32
      %swap3A_974 = arith.index_cast %multiple_of3A_973 : i32 to index
      %swap3A_975 = tpu.vector_load %arg13[%swap3A_974] {strides = array<i32>} : memref<544xf32, #tpu.memory_space<vmem>>, vector<16xf32>,
      tpu.vector_store %arg13[%swap3A_974], %select_n3A {strides = array<i32>} : memref<544xf32, #tpu.memory_space<vmem>>, vector<16xf32>,
      %add3A_976 = arith.constant 3 : i32
      %add3A_977 = arith.addi %add3A_759, %add3A_976 : i32
      %mul3A_978 = arith.constant 16 : i32
      %mul3A_979 = arith.muli %add3A_977, %mul3A_978 : i32
      %multiple_of3A_980 = tpu.assume_multiple %mul3A_979, 16 : i32
      %get3A_981 = arith.index_cast %multiple_of3A_980 : i32 to index
      %get3A_982 = tpu.vector_load %arg9[%get3A_981] {strides = array<i32>} : memref<2112xi32, #tpu.memory_space<vmem>>, vector<16xi32>,
      %mul3A_983 = arith.constant 16 : i32
      %mul3A_984 = arith.muli %add3A_977, %mul3A_983 : i32
      %multiple_of3A_985 = tpu.assume_multiple %mul3A_984, 16 : i32
      %get3A_986 = arith.index_cast %multiple_of3A_985 : i32 to index
      %get3A_987 = tpu.vector_load %arg10[%get3A_986] {strides = array<i32>} : memref<2112xi32, #tpu.memory_space<vmem>>, vector<16xi32>,
      %slice3A_988 = vector.extract_strided_slice %get3A_982 {offsets = [0], sizes = [1], strides = [1]} : vector<16xi32> to vector<1xi32>
      %squeeze3A_989 = vector.extract %slice3A_988[0] : i32 from vector<1xi32>
      %shift_right_arithmetic3A_990 = arith.constant 7 : i32
      %shift_right_arithmetic3A_991 = arith.shrsi %squeeze3A_989, %shift_right_arithmetic3A_990 : i32
      %slice3A_992 = vector.extract_strided_slice %get3A_987 {offsets = [0], sizes = [1], strides = [1]} : vector<16xi32> to vector<1xi32>
      %squeeze3A_993 = vector.extract %slice3A_992[0] : i32 from vector<1xi32>
      %shift_right_arithmetic3A_994 = arith.constant 7 : i32
      %shift_right_arithmetic3A_995 = arith.shrsi %squeeze3A_993, %shift_right_arithmetic3A_994 : i32
      %mul3A_996 = arith.constant 128 : i32
      %mul3A_997 = arith.muli %shift_right_arithmetic3A_991, %mul3A_996 : i32
      %multiple_of3A_998 = tpu.assume_multiple %mul3A_997, 128 : i32
      %dma_start3A_999 = arith.constant 0 : i32
      %dma_start3A_1000 = arith.constant 0 : i32
      %dma_start3A_1001 = tpu.memref_slice %arg11[%dma_start3A_999, %dma_start3A_1000] : memref<384x128xf32, #tpu.memory_space<vmem>> -> memref<32x128xf32, #tpu.memory_space<vmem>>
      %dma_start3A_1002 = arith.constant 0 : i32
      %dma_start3A_1003 = tpu.memref_slice %arg4[%dma_start3A_1002, %multiple_of3A_998] : memref<32x1000000xf32, #tpu.memory_space<hbm>> -> memref<32x128xf32, #tpu.memory_space<hbm>>
      %dma_start3A_1004 = arith.constant 0 : i32
      %dma_start3A_1005 = arith.constant 0 : i32
      %dma_start3A_1006 = tpu.memref_slice %arg11[%dma_start3A_1004, %dma_start3A_1005] : memref<384x128xf32, #tpu.memory_space<vmem>> -> memref<32x128xf32, #tpu.memory_space<vmem>>
      %dma_start3A_1007 = arith.constant 0 : i32
      %dma_start3A_1008 = tpu.memref_slice %arg4[%dma_start3A_1007, %multiple_of3A_998] : memref<32x1000000xf32, #tpu.memory_space<hbm>> -> memref<32x128xf32, #tpu.memory_space<hbm>>
      tpu.enqueue_dma source(%dma_start3A_1008 : memref<32x128xf32, #tpu.memory_space<hbm>>) target(%dma_start3A_1006 : memref<32x128xf32, #tpu.memory_space<vmem>>) target_semaphore(%arg14 : memref<!tpu.dma_semaphore, #tpu.memory_space<semaphore_mem>>)
      %mul3A_1009 = arith.constant 128 : i32
      %mul3A_1010 = arith.muli %shift_right_arithmetic3A_995, %mul3A_1009 : i32
      %multiple_of3A_1011 = tpu.assume_multiple %mul3A_1010, 128 : i32
      %dma_start3A_1012 = arith.constant 0 : i32
      %dma_start3A_1013 = arith.constant 0 : i32
      %dma_start3A_1014 = tpu.memref_slice %arg12[%dma_start3A_1012, %dma_start3A_1013] : memref<384x128xf32, #tpu.memory_space<vmem>> -> memref<32x128xf32, #tpu.memory_space<vmem>>
      %dma_start3A_1015 = arith.constant 0 : i32
      %dma_start3A_1016 = tpu.memref_slice %arg5[%dma_start3A_1015, %multiple_of3A_1011] : memref<32x1000000xf32, #tpu.memory_space<hbm>> -> memref<32x128xf32, #tpu.memory_space<hbm>>
      %dma_start3A_1017 = arith.constant 0 : i32
      %dma_start3A_1018 = arith.constant 0 : i32
      %dma_start3A_1019 = tpu.memref_slice %arg12[%dma_start3A_1017, %dma_start3A_1018] : memref<384x128xf32, #tpu.memory_space<vmem>> -> memref<32x128xf32, #tpu.memory_space<vmem>>
      %dma_start3A_1020 = arith.constant 0 : i32
      %dma_start3A_1021 = tpu.memref_slice %arg5[%dma_start3A_1020, %multiple_of3A_1011] : memref<32x1000000xf32, #tpu.memory_space<hbm>> -> memref<32x128xf32, #tpu.memory_space<hbm>>
      tpu.enqueue_dma source(%dma_start3A_1021 : memref<32x128xf32, #tpu.memory_space<hbm>>) target(%dma_start3A_1019 : memref<32x128xf32, #tpu.memory_space<vmem>>) target_semaphore(%arg15 : memref<!tpu.dma_semaphore, #tpu.memory_space<semaphore_mem>>)
      %slice3A_1022 = vector.extract_strided_slice %get3A_982 {offsets = [1], sizes = [1], strides = [1]} : vector<16xi32> to vector<1xi32>
      %squeeze3A_1023 = vector.extract %slice3A_1022[0] : i32 from vector<1xi32>
      %shift_right_arithmetic3A_1024 = arith.constant 7 : i32
      %shift_right_arithmetic3A_1025 = arith.shrsi %squeeze3A_1023, %shift_right_arithmetic3A_1024 : i32
      %slice3A_1026 = vector.extract_strided_slice %get3A_987 {offsets = [1], sizes = [1], strides = [1]} : vector<16xi32> to vector<1xi32>
      %squeeze3A_1027 = vector.extract %slice3A_1026[0] : i32 from vector<1xi32>
      %shift_right_arithmetic3A_1028 = arith.constant 7 : i32
      %shift_right_arithmetic3A_1029 = arith.shrsi %squeeze3A_1027, %shift_right_arithmetic3A_1028 : i32
      %mul3A_1030 = arith.constant 128 : i32
      %mul3A_1031 = arith.muli %shift_right_arithmetic3A_1025, %mul3A_1030 : i32
      %multiple_of3A_1032 = tpu.assume_multiple %mul3A_1031, 128 : i32
      %dma_start3A_1033 = arith.constant 32 : i32
      %dma_start3A_1034 = arith.constant 0 : i32
      %dma_start3A_1035 = tpu.memref_slice %arg11[%dma_start3A_1033, %dma_start3A_1034] : memref<384x128xf32, #tpu.memory_space<vmem>> -> memref<32x128xf32, #tpu.memory_space<vmem>>
      %dma_start3A_1036 = arith.constant 0 : i32
      %dma_start3A_1037 = tpu.memref_slice %arg4[%dma_start3A_1036, %multiple_of3A_1032] : memref<32x1000000xf32, #tpu.memory_space<hbm>> -> memref<32x128xf32, #tpu.memory_space<hbm>>
      %dma_start3A_1038 = arith.constant 32 : i32
      %dma_start3A_1039 = arith.constant 0 : i32
      %dma_start3A_1040 = tpu.memref_slice %arg11[%dma_start3A_1038, %dma_start3A_1039] : memref<384x128xf32, #tpu.memory_space<vmem>> -> memref<32x128xf32, #tpu.memory_space<vmem>>
      %dma_start3A_1041 = arith.constant 0 : i32
      %dma_start3A_1042 = tpu.memref_slice %arg4[%dma_start3A_1041, %multiple_of3A_1032] : memref<32x1000000xf32, #tpu.memory_space<hbm>> -> memref<32x128xf32, #tpu.memory_space<hbm>>
      tpu.enqueue_dma source(%dma_start3A_1042 : memref<32x128xf32, #tpu.memory_space<hbm>>) target(%dma_start3A_1040 : memref<32x128xf32, #tpu.memory_space<vmem>>) target_semaphore(%arg14 : memref<!tpu.dma_semaphore, #tpu.memory_space<semaphore_mem>>)
      %mul3A_1043 = arith.constant 128 : i32
      %mul3A_1044 = arith.muli %shift_right_arithmetic3A_1029, %mul3A_1043 : i32
      %multiple_of3A_1045 = tpu.assume_multiple %mul3A_1044, 128 : i32
      %dma_start3A_1046 = arith.constant 32 : i32
      %dma_start3A_1047 = arith.constant 0 : i32
      %dma_start3A_1048 = tpu.memref_slice %arg12[%dma_start3A_1046, %dma_start3A_1047] : memref<384x128xf32, #tpu.memory_space<vmem>> -> memref<32x128xf32, #tpu.memory_space<vmem>>
      %dma_start3A_1049 = arith.constant 0 : i32
      %dma_start3A_1050 = tpu.memref_slice %arg5[%dma_start3A_1049, %multiple_of3A_1045] : memref<32x1000000xf32, #tpu.memory_space<hbm>> -> memref<32x128xf32, #tpu.memory_space<hbm>>
      %dma_start3A_1051 = arith.constant 32 : i32
      %dma_start3A_1052 = arith.constant 0 : i32
      %dma_start3A_1053 = tpu.memref_slice %arg12[%dma_start3A_1051, %dma_start3A_1052] : memref<384x128xf32, #tpu.memory_space<vmem>> -> memref<32x128xf32, #tpu.memory_space<vmem>>
      %dma_start3A_1054 = arith.constant 0 : i32
      %dma_start3A_1055 = tpu.memref_slice %arg5[%dma_start3A_1054, %multiple_of3A_1045] : memref<32x1000000xf32, #tpu.memory_space<hbm>> -> memref<32x128xf32, #tpu.memory_space<hbm>>
      tpu.enqueue_dma source(%dma_start3A_1055 : memref<32x128xf32, #tpu.memory_space<hbm>>) target(%dma_start3A_1053 : memref<32x128xf32, #tpu.memory_space<vmem>>) target_semaphore(%arg15 : memref<!tpu.dma_semaphore, #tpu.memory_space<semaphore_mem>>)
      %slice3A_1056 = vector.extract_strided_slice %get3A_982 {offsets = [2], sizes = [1], strides = [1]} : vector<16xi32> to vector<1xi32>
      %squeeze3A_1057 = vector.extract %slice3A_1056[0] : i32 from vector<1xi32>
      %shift_right_arithmetic3A_1058 = arith.constant 7 : i32
      %shift_right_arithmetic3A_1059 = arith.shrsi %squeeze3A_1057, %shift_right_arithmetic3A_1058 : i32
      %slice3A_1060 = vector.extract_strided_slice %get3A_987 {offsets = [2], sizes = [1], strides = [1]} : vector<16xi32> to vector<1xi32>
      %squeeze3A_1061 = vector.extract %slice3A_1060[0] : i32 from vector<1xi32>
      %shift_right_arithmetic3A_1062 = arith.constant 7 : i32
      %shift_right_arithmetic3A_1063 = arith.shrsi %squeeze3A_1061, %shift_right_arithmetic3A_1062 : i32
      %mul3A_1064 = arith.constant 128 : i32
      %mul3A_1065 = arith.muli %shift_right_arithmetic3A_1059, %mul3A_1064 : i32
      %multiple_of3A_1066 = tpu.assume_multiple %mul3A_1065, 128 : i32
      %dma_start3A_1067 = arith.constant 64 : i32
      %dma_start3A_1068 = arith.constant 0 : i32
      %dma_start3A_1069 = tpu.memref_slice %arg11[%dma_start3A_1067, %dma_start3A_1068] : memref<384x128xf32, #tpu.memory_space<vmem>> -> memref<32x128xf32, #tpu.memory_space<vmem>>
      %dma_start3A_1070 = arith.constant 0 : i32
      %dma_start3A_1071 = tpu.memref_slice %arg4[%dma_start3A_1070, %multiple_of3A_1066] : memref<32x1000000xf32, #tpu.memory_space<hbm>> -> memref<32x128xf32, #tpu.memory_space<hbm>>
      %dma_start3A_1072 = arith.constant 64 : i32
      %dma_start3A_1073 = arith.constant 0 : i32
      %dma_start3A_1074 = tpu.memref_slice %arg11[%dma_start3A_1072, %dma_start3A_1073] : memref<384x128xf32, #tpu.memory_space<vmem>> -> memref<32x128xf32, #tpu.memory_space<vmem>>
      %dma_start3A_1075 = arith.constant 0 : i32
      %dma_start3A_1076 = tpu.memref_slice %arg4[%dma_start3A_1075, %multiple_of3A_1066] : memref<32x1000000xf32, #tpu.memory_space<hbm>> -> memref<32x128xf32, #tpu.memory_space<hbm>>
      tpu.enqueue_dma source(%dma_start3A_1076 : memref<32x128xf32, #tpu.memory_space<hbm>>) target(%dma_start3A_1074 : memref<32x128xf32, #tpu.memory_space<vmem>>) target_semaphore(%arg14 : memref<!tpu.dma_semaphore, #tpu.memory_space<semaphore_mem>>)
      %mul3A_1077 = arith.constant 128 : i32
      %mul3A_1078 = arith.muli %shift_right_arithmetic3A_1063, %mul3A_1077 : i32
      %multiple_of3A_1079 = tpu.assume_multiple %mul3A_1078, 128 : i32
      %dma_start3A_1080 = arith.constant 64 : i32
      %dma_start3A_1081 = arith.constant 0 : i32
      %dma_start3A_1082 = tpu.memref_slice %arg12[%dma_start3A_1080, %dma_start3A_1081] : memref<384x128xf32, #tpu.memory_space<vmem>> -> memref<32x128xf32, #tpu.memory_space<vmem>>
      %dma_start3A_1083 = arith.constant 0 : i32
      %dma_start3A_1084 = tpu.memref_slice %arg5[%dma_start3A_1083, %multiple_of3A_1079] : memref<32x1000000xf32, #tpu.memory_space<hbm>> -> memref<32x128xf32, #tpu.memory_space<hbm>>
      %dma_start3A_1085 = arith.constant 64 : i32
      %dma_start3A_1086 = arith.constant 0 : i32
      %dma_start3A_1087 = tpu.memref_slice %arg12[%dma_start3A_1085, %dma_start3A_1086] : memref<384x128xf32, #tpu.memory_space<vmem>> -> memref<32x128xf32, #tpu.memory_space<vmem>>
      %dma_start3A_1088 = arith.constant 0 : i32
      %dma_start3A_1089 = tpu.memref_slice %arg5[%dma_start3A_1088, %multiple_of3A_1079] : memref<32x1000000xf32, #tpu.memory_space<hbm>> -> memref<32x128xf32, #tpu.memory_space<hbm>>
      tpu.enqueue_dma source(%dma_start3A_1089 : memref<32x128xf32, #tpu.memory_space<hbm>>) target(%dma_start3A_1087 : memref<32x128xf32, #tpu.memory_space<vmem>>) target_semaphore(%arg15 : memref<!tpu.dma_semaphore, #tpu.memory_space<semaphore_mem>>)
      %slice3A_1090 = vector.extract_strided_slice %get3A_982 {offsets = [3], sizes = [1], strides = [1]} : vector<16xi32> to vector<1xi32>
      %squeeze3A_1091 = vector.extract %slice3A_1090[0] : i32 from vector<1xi32>
      %shift_right_arithmetic3A_1092 = arith.constant 7 : i32
      %shift_right_arithmetic3A_1093 = arith.shrsi %squeeze3A_1091, %shift_right_arithmetic3A_1092 : i32
      %slice3A_1094 = vector.extract_strided_slice %get3A_987 {offsets = [3], sizes = [1], strides = [1]} : vector<16xi32> to vector<1xi32>
      %squeeze3A_1095 = vector.extract %slice3A_1094[0] : i32 from vector<1xi32>
      %shift_right_arithmetic3A_1096 = arith.constant 7 : i32
      %shift_right_arithmetic3A_1097 = arith.shrsi %squeeze3A_1095, %shift_right_arithmetic3A_1096 : i32
      %mul3A_1098 = arith.constant 128 : i32
      %mul3A_1099 = arith.muli %shift_right_arithmetic3A_1093, %mul3A_1098 : i32
      %multiple_of3A_1100 = tpu.assume_multiple %mul3A_1099, 128 : i32
      %dma_start3A_1101 = arith.constant 96 : i32
      %dma_start3A_1102 = arith.constant 0 : i32
      %dma_start3A_1103 = tpu.memref_slice %arg11[%dma_start3A_1101, %dma_start3A_1102] : memref<384x128xf32, #tpu.memory_space<vmem>> -> memref<32x128xf32, #tpu.memory_space<vmem>>
      %dma_start3A_1104 = arith.constant 0 : i32
      %dma_start3A_1105 = tpu.memref_slice %arg4[%dma_start3A_1104, %multiple_of3A_1100] : memref<32x1000000xf32, #tpu.memory_space<hbm>> -> memref<32x128xf32, #tpu.memory_space<hbm>>
      %dma_start3A_1106 = arith.constant 96 : i32
      %dma_start3A_1107 = arith.constant 0 : i32
      %dma_start3A_1108 = tpu.memref_slice %arg11[%dma_start3A_1106, %dma_start3A_1107] : memref<384x128xf32, #tpu.memory_space<vmem>> -> memref<32x128xf32, #tpu.memory_space<vmem>>
      %dma_start3A_1109 = arith.constant 0 : i32
      %dma_start3A_1110 = tpu.memref_slice %arg4[%dma_start3A_1109, %multiple_of3A_1100] : memref<32x1000000xf32, #tpu.memory_space<hbm>> -> memref<32x128xf32, #tpu.memory_space<hbm>>
      tpu.enqueue_dma source(%dma_start3A_1110 : memref<32x128xf32, #tpu.memory_space<hbm>>) target(%dma_start3A_1108 : memref<32x128xf32, #tpu.memory_space<vmem>>) target_semaphore(%arg14 : memref<!tpu.dma_semaphore, #tpu.memory_space<semaphore_mem>>)
      %mul3A_1111 = arith.constant 128 : i32
      %mul3A_1112 = arith.muli %shift_right_arithmetic3A_1097, %mul3A_1111 : i32
      %multiple_of3A_1113 = tpu.assume_multiple %mul3A_1112, 128 : i32
      %dma_start3A_1114 = arith.constant 96 : i32
      %dma_start3A_1115 = arith.constant 0 : i32
      %dma_start3A_1116 = tpu.memref_slice %arg12[%dma_start3A_1114, %dma_start3A_1115] : memref<384x128xf32, #tpu.memory_space<vmem>> -> memref<32x128xf32, #tpu.memory_space<vmem>>
      %dma_start3A_1117 = arith.constant 0 : i32
      %dma_start3A_1118 = tpu.memref_slice %arg5[%dma_start3A_1117, %multiple_of3A_1113] : memref<32x1000000xf32, #tpu.memory_space<hbm>> -> memref<32x128xf32, #tpu.memory_space<hbm>>
      %dma_start3A_1119 = arith.constant 96 : i32
      %dma_start3A_1120 = arith.constant 0 : i32
      %dma_start3A_1121 = tpu.memref_slice %arg12[%dma_start3A_1119, %dma_start3A_1120] : memref<384x128xf32, #tpu.memory_space<vmem>> -> memref<32x128xf32, #tpu.memory_space<vmem>>
      %dma_start3A_1122 = arith.constant 0 : i32
      %dma_start3A_1123 = tpu.memref_slice %arg5[%dma_start3A_1122, %multiple_of3A_1113] : memref<32x1000000xf32, #tpu.memory_space<hbm>> -> memref<32x128xf32, #tpu.memory_space<hbm>>
      tpu.enqueue_dma source(%dma_start3A_1123 : memref<32x128xf32, #tpu.memory_space<hbm>>) target(%dma_start3A_1121 : memref<32x128xf32, #tpu.memory_space<vmem>>) target_semaphore(%arg15 : memref<!tpu.dma_semaphore, #tpu.memory_space<semaphore_mem>>)
      %mul3A_1124 = arith.constant 3 : i32
      %mul3A_1125 = arith.muli %scan3A_754, %mul3A_1124 : i32
      %add3A_1126 = arith.constant 1 : i32
      %add3A_1127 = arith.addi %mul3A_1125, %add3A_1126 : i32
      %dma_wait3A_1128 = arith.constant 0 : i32
      %dma_wait3A_1129 = arith.constant 0 : i32
      %dma_wait3A_1130 = tpu.memref_slice %arg11[%dma_wait3A_1128, %dma_wait3A_1129] : memref<384x128xf32, #tpu.memory_space<vmem>> -> memref<32x128xf32, #tpu.memory_space<vmem>>
      %dma_wait3A_1131 = arith.constant 0 : i32
      %dma_wait3A_1132 = arith.constant 0 : i32
      %dma_wait3A_1133 = tpu.memref_slice %arg4[%dma_wait3A_1131, %dma_wait3A_1132] : memref<32x1000000xf32, #tpu.memory_space<hbm>> -> memref<32x128xf32, #tpu.memory_space<hbm>>
      %dma_wait3A_1134 = arith.constant 0 : i32
      %dma_wait3A_1135 = arith.constant 0 : i32
      %dma_wait3A_1136 = tpu.memref_slice %arg11[%dma_wait3A_1134, %dma_wait3A_1135] : memref<384x128xf32, #tpu.memory_space<vmem>> -> memref<32x128xf32, #tpu.memory_space<vmem>>
      %dma_wait3A_1137 = arith.constant 0 : i32
      %dma_wait3A_1138 = arith.constant 0 : i32
      %dma_wait3A_1139 = tpu.memref_slice %arg4[%dma_wait3A_1137, %dma_wait3A_1138] : memref<32x1000000xf32, #tpu.memory_space<hbm>> -> memref<32x128xf32, #tpu.memory_space<hbm>>
      tpu.wait_dma2 semaphore(%arg16 : memref<!tpu.dma_semaphore, #tpu.memory_space<semaphore_mem>>) src(%dma_wait3A_1139 : memref<32x128xf32, #tpu.memory_space<hbm>>) dst(%dma_wait3A_1136 : memref<32x128xf32, #tpu.memory_space<vmem>>)
      %dma_wait3A_1140 = arith.constant 0 : i32
      %dma_wait3A_1141 = arith.constant 0 : i32
      %dma_wait3A_1142 = tpu.memref_slice %arg12[%dma_wait3A_1140, %dma_wait3A_1141] : memref<384x128xf32, #tpu.memory_space<vmem>> -> memref<32x128xf32, #tpu.memory_space<vmem>>
      %dma_wait3A_1143 = arith.constant 0 : i32
      %dma_wait3A_1144 = arith.constant 0 : i32
      %dma_wait3A_1145 = tpu.memref_slice %arg5[%dma_wait3A_1143, %dma_wait3A_1144] : memref<32x1000000xf32, #tpu.memory_space<hbm>> -> memref<32x128xf32, #tpu.memory_space<hbm>>
      %dma_wait3A_1146 = arith.constant 0 : i32
      %dma_wait3A_1147 = arith.constant 0 : i32
      %dma_wait3A_1148 = tpu.memref_slice %arg12[%dma_wait3A_1146, %dma_wait3A_1147] : memref<384x128xf32, #tpu.memory_space<vmem>> -> memref<32x128xf32, #tpu.memory_space<vmem>>
      %dma_wait3A_1149 = arith.constant 0 : i32
      %dma_wait3A_1150 = arith.constant 0 : i32
      %dma_wait3A_1151 = tpu.memref_slice %arg5[%dma_wait3A_1149, %dma_wait3A_1150] : memref<32x1000000xf32, #tpu.memory_space<hbm>> -> memref<32x128xf32, #tpu.memory_space<hbm>>
      tpu.wait_dma2 semaphore(%arg17 : memref<!tpu.dma_semaphore, #tpu.memory_space<semaphore_mem>>) src(%dma_wait3A_1151 : memref<32x128xf32, #tpu.memory_space<hbm>>) dst(%dma_wait3A_1148 : memref<32x128xf32, #tpu.memory_space<vmem>>)
      %dma_wait3A_1152 = arith.constant 0 : i32
      %dma_wait3A_1153 = arith.constant 0 : i32
      %dma_wait3A_1154 = tpu.memref_slice %arg11[%dma_wait3A_1152, %dma_wait3A_1153] : memref<384x128xf32, #tpu.memory_space<vmem>> -> memref<32x128xf32, #tpu.memory_space<vmem>>
      %dma_wait3A_1155 = arith.constant 0 : i32
      %dma_wait3A_1156 = arith.constant 0 : i32
      %dma_wait3A_1157 = tpu.memref_slice %arg4[%dma_wait3A_1155, %dma_wait3A_1156] : memref<32x1000000xf32, #tpu.memory_space<hbm>> -> memref<32x128xf32, #tpu.memory_space<hbm>>
      %dma_wait3A_1158 = arith.constant 0 : i32
      %dma_wait3A_1159 = arith.constant 0 : i32
      %dma_wait3A_1160 = tpu.memref_slice %arg11[%dma_wait3A_1158, %dma_wait3A_1159] : memref<384x128xf32, #tpu.memory_space<vmem>> -> memref<32x128xf32, #tpu.memory_space<vmem>>
      %dma_wait3A_1161 = arith.constant 0 : i32
      %dma_wait3A_1162 = arith.constant 0 : i32
      %dma_wait3A_1163 = tpu.memref_slice %arg4[%dma_wait3A_1161, %dma_wait3A_1162] : memref<32x1000000xf32, #tpu.memory_space<hbm>> -> memref<32x128xf32, #tpu.memory_space<hbm>>
      tpu.wait_dma2 semaphore(%arg16 : memref<!tpu.dma_semaphore, #tpu.memory_space<semaphore_mem>>) src(%dma_wait3A_1163 : memref<32x128xf32, #tpu.memory_space<hbm>>) dst(%dma_wait3A_1160 : memref<32x128xf32, #tpu.memory_space<vmem>>)
      %dma_wait3A_1164 = arith.constant 0 : i32
      %dma_wait3A_1165 = arith.constant 0 : i32
      %dma_wait3A_1166 = tpu.memref_slice %arg12[%dma_wait3A_1164, %dma_wait3A_1165] : memref<384x128xf32, #tpu.memory_space<vmem>> -> memref<32x128xf32, #tpu.memory_space<vmem>>
      %dma_wait3A_1167 = arith.constant 0 : i32
      %dma_wait3A_1168 = arith.constant 0 : i32
      %dma_wait3A_1169 = tpu.memref_slice %arg5[%dma_wait3A_1167, %dma_wait3A_1168] : memref<32x1000000xf32, #tpu.memory_space<hbm>> -> memref<32x128xf32, #tpu.memory_space<hbm>>
      %dma_wait3A_1170 = arith.constant 0 : i32
      %dma_wait3A_1171 = arith.constant 0 : i32
      %dma_wait3A_1172 = tpu.memref_slice %arg12[%dma_wait3A_1170, %dma_wait3A_1171] : memref<384x128xf32, #tpu.memory_space<vmem>> -> memref<32x128xf32, #tpu.memory_space<vmem>>
      %dma_wait3A_1173 = arith.constant 0 : i32
      %dma_wait3A_1174 = arith.constant 0 : i32
      %dma_wait3A_1175 = tpu.memref_slice %arg5[%dma_wait3A_1173, %dma_wait3A_1174] : memref<32x1000000xf32, #tpu.memory_space<hbm>> -> memref<32x128xf32, #tpu.memory_space<hbm>>
      tpu.wait_dma2 semaphore(%arg17 : memref<!tpu.dma_semaphore, #tpu.memory_space<semaphore_mem>>) src(%dma_wait3A_1175 : memref<32x128xf32, #tpu.memory_space<hbm>>) dst(%dma_wait3A_1172 : memref<32x128xf32, #tpu.memory_space<vmem>>)
      %dma_wait3A_1176 = arith.constant 0 : i32
      %dma_wait3A_1177 = arith.constant 0 : i32
      %dma_wait3A_1178 = tpu.memref_slice %arg11[%dma_wait3A_1176, %dma_wait3A_1177] : memref<384x128xf32, #tpu.memory_space<vmem>> -> memref<32x128xf32, #tpu.memory_space<vmem>>
      %dma_wait3A_1179 = arith.constant 0 : i32
      %dma_wait3A_1180 = arith.constant 0 : i32
      %dma_wait3A_1181 = tpu.memref_slice %arg4[%dma_wait3A_1179, %dma_wait3A_1180] : memref<32x1000000xf32, #tpu.memory_space<hbm>> -> memref<32x128xf32, #tpu.memory_space<hbm>>
      %dma_wait3A_1182 = arith.constant 0 : i32
      %dma_wait3A_1183 = arith.constant 0 : i32
      %dma_wait3A_1184 = tpu.memref_slice %arg11[%dma_wait3A_1182, %dma_wait3A_1183] : memref<384x128xf32, #tpu.memory_space<vmem>> -> memref<32x128xf32, #tpu.memory_space<vmem>>
      %dma_wait3A_1185 = arith.constant 0 : i32
      %dma_wait3A_1186 = arith.constant 0 : i32
      %dma_wait3A_1187 = tpu.memref_slice %arg4[%dma_wait3A_1185, %dma_wait3A_1186] : memref<32x1000000xf32, #tpu.memory_space<hbm>> -> memref<32x128xf32, #tpu.memory_space<hbm>>
      tpu.wait_dma2 semaphore(%arg16 : memref<!tpu.dma_semaphore, #tpu.memory_space<semaphore_mem>>) src(%dma_wait3A_1187 : memref<32x128xf32, #tpu.memory_space<hbm>>) dst(%dma_wait3A_1184 : memref<32x128xf32, #tpu.memory_space<vmem>>)
      %dma_wait3A_1188 = arith.constant 0 : i32
      %dma_wait3A_1189 = arith.constant 0 : i32
      %dma_wait3A_1190 = tpu.memref_slice %arg12[%dma_wait3A_1188, %dma_wait3A_1189] : memref<384x128xf32, #tpu.memory_space<vmem>> -> memref<32x128xf32, #tpu.memory_space<vmem>>
      %dma_wait3A_1191 = arith.constant 0 : i32
      %dma_wait3A_1192 = arith.constant 0 : i32
      %dma_wait3A_1193 = tpu.memref_slice %arg5[%dma_wait3A_1191, %dma_wait3A_1192] : memref<32x1000000xf32, #tpu.memory_space<hbm>> -> memref<32x128xf32, #tpu.memory_space<hbm>>
      %dma_wait3A_1194 = arith.constant 0 : i32
      %dma_wait3A_1195 = arith.constant 0 : i32
      %dma_wait3A_1196 = tpu.memref_slice %arg12[%dma_wait3A_1194, %dma_wait3A_1195] : memref<384x128xf32, #tpu.memory_space<vmem>> -> memref<32x128xf32, #tpu.memory_space<vmem>>
      %dma_wait3A_1197 = arith.constant 0 : i32
      %dma_wait3A_1198 = arith.constant 0 : i32
      %dma_wait3A_1199 = tpu.memref_slice %arg5[%dma_wait3A_1197, %dma_wait3A_1198] : memref<32x1000000xf32, #tpu.memory_space<hbm>> -> memref<32x128xf32, #tpu.memory_space<hbm>>
      tpu.wait_dma2 semaphore(%arg17 : memref<!tpu.dma_semaphore, #tpu.memory_space<semaphore_mem>>) src(%dma_wait3A_1199 : memref<32x128xf32, #tpu.memory_space<hbm>>) dst(%dma_wait3A_1196 : memref<32x128xf32, #tpu.memory_space<vmem>>)
      %dma_wait3A_1200 = arith.constant 0 : i32
      %dma_wait3A_1201 = arith.constant 0 : i32
      %dma_wait3A_1202 = tpu.memref_slice %arg11[%dma_wait3A_1200, %dma_wait3A_1201] : memref<384x128xf32, #tpu.memory_space<vmem>> -> memref<32x128xf32, #tpu.memory_space<vmem>>
      %dma_wait3A_1203 = arith.constant 0 : i32
      %dma_wait3A_1204 = arith.constant 0 : i32
      %dma_wait3A_1205 = tpu.memref_slice %arg4[%dma_wait3A_1203, %dma_wait3A_1204] : memref<32x1000000xf32, #tpu.memory_space<hbm>> -> memref<32x128xf32, #tpu.memory_space<hbm>>
      %dma_wait3A_1206 = arith.constant 0 : i32
      %dma_wait3A_1207 = arith.constant 0 : i32
      %dma_wait3A_1208 = tpu.memref_slice %arg11[%dma_wait3A_1206, %dma_wait3A_1207] : memref<384x128xf32, #tpu.memory_space<vmem>> -> memref<32x128xf32, #tpu.memory_space<vmem>>
      %dma_wait3A_1209 = arith.constant 0 : i32
      %dma_wait3A_1210 = arith.constant 0 : i32
      %dma_wait3A_1211 = tpu.memref_slice %arg4[%dma_wait3A_1209, %dma_wait3A_1210] : memref<32x1000000xf32, #tpu.memory_space<hbm>> -> memref<32x128xf32, #tpu.memory_space<hbm>>
      tpu.wait_dma2 semaphore(%arg16 : memref<!tpu.dma_semaphore, #tpu.memory_space<semaphore_mem>>) src(%dma_wait3A_1211 : memref<32x128xf32, #tpu.memory_space<hbm>>) dst(%dma_wait3A_1208 : memref<32x128xf32, #tpu.memory_space<vmem>>)
      %dma_wait3A_1212 = arith.constant 0 : i32
      %dma_wait3A_1213 = arith.constant 0 : i32
      %dma_wait3A_1214 = tpu.memref_slice %arg12[%dma_wait3A_1212, %dma_wait3A_1213] : memref<384x128xf32, #tpu.memory_space<vmem>> -> memref<32x128xf32, #tpu.memory_space<vmem>>
      %dma_wait3A_1215 = arith.constant 0 : i32
      %dma_wait3A_1216 = arith.constant 0 : i32
      %dma_wait3A_1217 = tpu.memref_slice %arg5[%dma_wait3A_1215, %dma_wait3A_1216] : memref<32x1000000xf32, #tpu.memory_space<hbm>> -> memref<32x128xf32, #tpu.memory_space<hbm>>
      %dma_wait3A_1218 = arith.constant 0 : i32
      %dma_wait3A_1219 = arith.constant 0 : i32
      %dma_wait3A_1220 = tpu.memref_slice %arg12[%dma_wait3A_1218, %dma_wait3A_1219] : memref<384x128xf32, #tpu.memory_space<vmem>> -> memref<32x128xf32, #tpu.memory_space<vmem>>
      %dma_wait3A_1221 = arith.constant 0 : i32
      %dma_wait3A_1222 = arith.constant 0 : i32
      %dma_wait3A_1223 = tpu.memref_slice %arg5[%dma_wait3A_1221, %dma_wait3A_1222] : memref<32x1000000xf32, #tpu.memory_space<hbm>> -> memref<32x128xf32, #tpu.memory_space<hbm>>
      tpu.wait_dma2 semaphore(%arg17 : memref<!tpu.dma_semaphore, #tpu.memory_space<semaphore_mem>>) src(%dma_wait3A_1223 : memref<32x128xf32, #tpu.memory_space<hbm>>) dst(%dma_wait3A_1220 : memref<32x128xf32, #tpu.memory_space<vmem>>)
      %mul3A_1224 = arith.constant 16 : i32
      %mul3A_1225 = arith.muli %add3A_1127, %mul3A_1224 : i32
      %multiple_of3A_1226 = tpu.assume_multiple %mul3A_1225, 16 : i32
      %get3A_1227 = arith.index_cast %multiple_of3A_1226 : i32 to index
      %get3A_1228 = tpu.vector_load %arg9[%get3A_1227] {strides = array<i32>} : memref<2112xi32, #tpu.memory_space<vmem>>, vector<16xi32>,
      %mul3A_1229 = arith.constant 16 : i32
      %mul3A_1230 = arith.muli %add3A_1127, %mul3A_1229 : i32
      %multiple_of3A_1231 = tpu.assume_multiple %mul3A_1230, 16 : i32
      %get3A_1232 = arith.index_cast %multiple_of3A_1231 : i32 to index
      %get3A_1233 = tpu.vector_load %arg10[%get3A_1232] {strides = array<i32>} : memref<2112xi32, #tpu.memory_space<vmem>>, vector<16xi32>,
      %reshape3A_1234 = vector.shape_cast %and3A_4 : vector<16xi32> to vector<16x1xi32>
      %gather3A_1235 = vector.shape_cast %reshape3A_1234 : vector<16x1xi32> to vector<16xi32>
      %gather3A_1236 = tpu.dynamic_gather %get3A_1228[%gather3A_1235] in [0] : vector<16xi32>, vector<16xi32> -> vector<16xi32>
      %and3A_1237 = arith.constant 127 : i32
      %and3A_1238 = vector.broadcast %and3A_1237 : i32 to vector<16xi32>
      %and3A_1239 = arith.andi %gather3A_1236, %and3A_1238 : vector<16xi32>
      %reshape3A_1240 = vector.shape_cast %and3A_4 : vector<16xi32> to vector<16x1xi32>
      %gather3A_1241 = vector.shape_cast %reshape3A_1240 : vector<16x1xi32> to vector<16xi32>
      %gather3A_1242 = tpu.dynamic_gather %get3A_1233[%gather3A_1241] in [0] : vector<16xi32>, vector<16xi32> -> vector<16xi32>
      %and3A_1243 = arith.constant 127 : i32
      %and3A_1244 = vector.broadcast %and3A_1243 : i32 to vector<16xi32>
      %and3A_1245 = arith.andi %gather3A_1242, %and3A_1244 : vector<16xi32>
      %add3A_1246 = arith.constant 128 : i32
      %add3A_1247 = vector.broadcast %add3A_1246 : i32 to vector<16xi32>
      %add3A_1248 = arith.addi %add3A_10, %add3A_1247 : vector<16xi32>
      %broadcast_in_dim3A_1249 = arith.constant 0.000000e+00 : f32
      %broadcast_in_dim3A_1250 = vector.broadcast %broadcast_in_dim3A_1249 : f32 to vector<16xf32>
      %add3A_1251 = arith.constant 0 : i32
      %add3A_1252 = vector.broadcast %add3A_1251 : i32 to vector<16xi32>
      %add3A_1253 = arith.addi %add3A_1248, %add3A_1252 : vector<16xi32>
      %gather3A_1254 = tpu.vector_load_idx %arg11[%add3A_1253, %and3A_1239] : memref<384x128xf32, #tpu.memory_space<vmem>>[vector<16xi32>, vector<16xi32>], vector<16xf32>,
      %gather3A_1255 = tpu.vector_load_idx %arg12[%add3A_1253, %and3A_1245] : memref<384x128xf32, #tpu.memory_space<vmem>>[vector<16xi32>, vector<16xi32>], vector<16xf32>,
      %mul3A_1256 = arith.mulf %gather3A_1254, %gather3A_1255 : vector<16xf32>
      %add3A_1257 = arith.addf %broadcast_in_dim3A_1250, %mul3A_1256 : vector<16xf32>
      %add3A_1258 = arith.constant 4 : i32
      %add3A_1259 = vector.broadcast %add3A_1258 : i32 to vector<16xi32>
      %add3A_1260 = arith.addi %add3A_1248, %add3A_1259 : vector<16xi32>
      %gather3A_1261 = tpu.vector_load_idx %arg11[%add3A_1260, %and3A_1239] : memref<384x128xf32, #tpu.memory_space<vmem>>[vector<16xi32>, vector<16xi32>], vector<16xf32>,
      %gather3A_1262 = tpu.vector_load_idx %arg12[%add3A_1260, %and3A_1245] : memref<384x128xf32, #tpu.memory_space<vmem>>[vector<16xi32>, vector<16xi32>], vector<16xf32>,
      %mul3A_1263 = arith.mulf %gather3A_1261, %gather3A_1262 : vector<16xf32>
      %add3A_1264 = arith.addf %add3A_1257, %mul3A_1263 : vector<16xf32>
      %add3A_1265 = arith.constant 8 : i32
      %add3A_1266 = vector.broadcast %add3A_1265 : i32 to vector<16xi32>
      %add3A_1267 = arith.addi %add3A_1248, %add3A_1266 : vector<16xi32>
      %gather3A_1268 = tpu.vector_load_idx %arg11[%add3A_1267, %and3A_1239] : memref<384x128xf32, #tpu.memory_space<vmem>>[vector<16xi32>, vector<16xi32>], vector<16xf32>,
      %gather3A_1269 = tpu.vector_load_idx %arg12[%add3A_1267, %and3A_1245] : memref<384x128xf32, #tpu.memory_space<vmem>>[vector<16xi32>, vector<16xi32>], vector<16xf32>,
      %mul3A_1270 = arith.mulf %gather3A_1268, %gather3A_1269 : vector<16xf32>
      %add3A_1271 = arith.addf %add3A_1264, %mul3A_1270 : vector<16xf32>
      %add3A_1272 = arith.constant 12 : i32
      %add3A_1273 = vector.broadcast %add3A_1272 : i32 to vector<16xi32>
      %add3A_1274 = arith.addi %add3A_1248, %add3A_1273 : vector<16xi32>
      %gather3A_1275 = tpu.vector_load_idx %arg11[%add3A_1274, %and3A_1239] : memref<384x128xf32, #tpu.memory_space<vmem>>[vector<16xi32>, vector<16xi32>], vector<16xf32>,
      %gather3A_1276 = tpu.vector_load_idx %arg12[%add3A_1274, %and3A_1245] : memref<384x128xf32, #tpu.memory_space<vmem>>[vector<16xi32>, vector<16xi32>], vector<16xf32>,
      %mul3A_1277 = arith.mulf %gather3A_1275, %gather3A_1276 : vector<16xf32>
      %add3A_1278 = arith.addf %add3A_1271, %mul3A_1277 : vector<16xf32>
      %add3A_1279 = arith.constant 16 : i32
      %add3A_1280 = vector.broadcast %add3A_1279 : i32 to vector<16xi32>
      %add3A_1281 = arith.addi %add3A_1248, %add3A_1280 : vector<16xi32>
      %gather3A_1282 = tpu.vector_load_idx %arg11[%add3A_1281, %and3A_1239] : memref<384x128xf32, #tpu.memory_space<vmem>>[vector<16xi32>, vector<16xi32>], vector<16xf32>,
      %gather3A_1283 = tpu.vector_load_idx %arg12[%add3A_1281, %and3A_1245] : memref<384x128xf32, #tpu.memory_space<vmem>>[vector<16xi32>, vector<16xi32>], vector<16xf32>,
      %mul3A_1284 = arith.mulf %gather3A_1282, %gather3A_1283 : vector<16xf32>
      %add3A_1285 = arith.addf %add3A_1278, %mul3A_1284 : vector<16xf32>
      %add3A_1286 = arith.constant 20 : i32
      %add3A_1287 = vector.broadcast %add3A_1286 : i32 to vector<16xi32>
      %add3A_1288 = arith.addi %add3A_1248, %add3A_1287 : vector<16xi32>
      %gather3A_1289 = tpu.vector_load_idx %arg11[%add3A_1288, %and3A_1239] : memref<384x128xf32, #tpu.memory_space<vmem>>[vector<16xi32>, vector<16xi32>], vector<16xf32>,
      %gather3A_1290 = tpu.vector_load_idx %arg12[%add3A_1288, %and3A_1245] : memref<384x128xf32, #tpu.memory_space<vmem>>[vector<16xi32>, vector<16xi32>], vector<16xf32>,
      %mul3A_1291 = arith.mulf %gather3A_1289, %gather3A_1290 : vector<16xf32>
      %add3A_1292 = arith.addf %add3A_1285, %mul3A_1291 : vector<16xf32>
      %add3A_1293 = arith.constant 24 : i32
      %add3A_1294 = vector.broadcast %add3A_1293 : i32 to vector<16xi32>
      %add3A_1295 = arith.addi %add3A_1248, %add3A_1294 : vector<16xi32>
      %gather3A_1296 = tpu.vector_load_idx %arg11[%add3A_1295, %and3A_1239] : memref<384x128xf32, #tpu.memory_space<vmem>>[vector<16xi32>, vector<16xi32>], vector<16xf32>,
      %gather3A_1297 = tpu.vector_load_idx %arg12[%add3A_1295, %and3A_1245] : memref<384x128xf32, #tpu.memory_space<vmem>>[vector<16xi32>, vector<16xi32>], vector<16xf32>,
      %mul3A_1298 = arith.mulf %gather3A_1296, %gather3A_1297 : vector<16xf32>
      %add3A_1299 = arith.addf %add3A_1292, %mul3A_1298 : vector<16xf32>
      %add3A_1300 = arith.constant 28 : i32
      %add3A_1301 = vector.broadcast %add3A_1300 : i32 to vector<16xi32>
      %add3A_1302 = arith.addi %add3A_1248, %add3A_1301 : vector<16xi32>
      %gather3A_1303 = tpu.vector_load_idx %arg11[%add3A_1302, %and3A_1239] : memref<384x128xf32, #tpu.memory_space<vmem>>[vector<16xi32>, vector<16xi32>], vector<16xf32>,
      %gather3A_1304 = tpu.vector_load_idx %arg12[%add3A_1302, %and3A_1245] : memref<384x128xf32, #tpu.memory_space<vmem>>[vector<16xi32>, vector<16xi32>], vector<16xf32>,
      %mul3A_1305 = arith.mulf %gather3A_1303, %gather3A_1304 : vector<16xf32>
      %add3A_1306 = arith.addf %add3A_1299, %mul3A_1305 : vector<16xf32>
      %add3A_1307 = arith.constant 8 : i32
      %add3A_1308 = vector.broadcast %add3A_1307 : i32 to vector<16xi32>
      %add3A_1309 = arith.addi %iota3A, %add3A_1308 : vector<16xi32>
      %and3A_1310 = arith.constant 15 : i32
      %and3A_1311 = vector.broadcast %and3A_1310 : i32 to vector<16xi32>
      %and3A_1312 = arith.andi %add3A_1309, %and3A_1311 : vector<16xi32>
      %reshape3A_1313 = vector.shape_cast %and3A_1312 : vector<16xi32> to vector<16x1xi32>
      %gather3A_1314 = vector.shape_cast %reshape3A_1313 : vector<16x1xi32> to vector<16xi32>
      %gather3A_1315 = tpu.dynamic_gather %add3A_1306[%gather3A_1314] in [0] : vector<16xf32>, vector<16xi32> -> vector<16xf32>
      %add3A_1316 = arith.addf %add3A_1306, %gather3A_1315 : vector<16xf32>
      %add3A_1317 = arith.constant 4 : i32
      %add3A_1318 = vector.broadcast %add3A_1317 : i32 to vector<16xi32>
      %add3A_1319 = arith.addi %iota3A, %add3A_1318 : vector<16xi32>
      %and3A_1320 = arith.constant 15 : i32
      %and3A_1321 = vector.broadcast %and3A_1320 : i32 to vector<16xi32>
      %and3A_1322 = arith.andi %add3A_1319, %and3A_1321 : vector<16xi32>
      %reshape3A_1323 = vector.shape_cast %and3A_1322 : vector<16xi32> to vector<16x1xi32>
      %gather3A_1324 = vector.shape_cast %reshape3A_1323 : vector<16x1xi32> to vector<16xi32>
      %gather3A_1325 = tpu.dynamic_gather %add3A_1316[%gather3A_1324] in [0] : vector<16xf32>, vector<16xi32> -> vector<16xf32>
      %add3A_1326 = arith.addf %add3A_1316, %gather3A_1325 : vector<16xf32>
      %and3A_1327 = arith.constant 3 : i32
      %and3A_1328 = arith.andi %add3A_1127, %and3A_1327 : i32
      %mul3A_1329 = arith.constant 4 : i32
      %mul3A_1330 = arith.muli %and3A_1328, %mul3A_1329 : i32
      %sub3A_1331 = vector.broadcast %mul3A_1330 : i32 to vector<16xi32>
      %sub3A_1332 = arith.subi %iota3A, %sub3A_1331 : vector<16xi32>
      %and3A_1333 = arith.constant 15 : i32
      %and3A_1334 = vector.broadcast %and3A_1333 : i32 to vector<16xi32>
      %and3A_1335 = arith.andi %sub3A_1332, %and3A_1334 : vector<16xi32>
      %reshape3A_1336 = vector.shape_cast %and3A_1335 : vector<16xi32> to vector<16x1xi32>
      %gather3A_1337 = vector.shape_cast %reshape3A_1336 : vector<16x1xi32> to vector<16xi32>
      %gather3A_1338 = tpu.dynamic_gather %add3A_1326[%gather3A_1337] in [0] : vector<16xf32>, vector<16xi32> -> vector<16xf32>
      %eq3A_1339 = vector.broadcast %and3A_1328 : i32 to vector<16xi32>
      %eq3A_1340 = arith.cmpi eq, %shift_right_arithmetic3A_6, %eq3A_1339 : vector<16xi32>
      %select_n3A_1341 = arith.select %eq3A_1340, %gather3A_1338, %select_n3A : vector<16xi1>, vector<16xf32>
      %shift_right_arithmetic3A_1342 = arith.constant 2 : i32
      %shift_right_arithmetic3A_1343 = arith.shrsi %add3A_1127, %shift_right_arithmetic3A_1342 : i32
      %mul3A_1344 = arith.constant 16 : i32
      %mul3A_1345 = arith.muli %shift_right_arithmetic3A_1343, %mul3A_1344 : i32
      %multiple_of3A_1346 = tpu.assume_multiple %mul3A_1345, 16 : i32
      %swap3A_1347 = arith.index_cast %multiple_of3A_1346 : i32 to index
      %swap3A_1348 = tpu.vector_load %arg13[%swap3A_1347] {strides = array<i32>} : memref<544xf32, #tpu.memory_space<vmem>>, vector<16xf32>,
      tpu.vector_store %arg13[%swap3A_1347], %select_n3A_1341 {strides = array<i32>} : memref<544xf32, #tpu.memory_space<vmem>>, vector<16xf32>,
      %add3A_1349 = arith.constant 3 : i32
      %add3A_1350 = arith.addi %add3A_1127, %add3A_1349 : i32
      %mul3A_1351 = arith.constant 16 : i32
      %mul3A_1352 = arith.muli %add3A_1350, %mul3A_1351 : i32
      %multiple_of3A_1353 = tpu.assume_multiple %mul3A_1352, 16 : i32
      %get3A_1354 = arith.index_cast %multiple_of3A_1353 : i32 to index
      %get3A_1355 = tpu.vector_load %arg9[%get3A_1354] {strides = array<i32>} : memref<2112xi32, #tpu.memory_space<vmem>>, vector<16xi32>,
      %mul3A_1356 = arith.constant 16 : i32
      %mul3A_1357 = arith.muli %add3A_1350, %mul3A_1356 : i32
      %multiple_of3A_1358 = tpu.assume_multiple %mul3A_1357, 16 : i32
      %get3A_1359 = arith.index_cast %multiple_of3A_1358 : i32 to index
      %get3A_1360 = tpu.vector_load %arg10[%get3A_1359] {strides = array<i32>} : memref<2112xi32, #tpu.memory_space<vmem>>, vector<16xi32>,
      %slice3A_1361 = vector.extract_strided_slice %get3A_1355 {offsets = [0], sizes = [1], strides = [1]} : vector<16xi32> to vector<1xi32>
      %squeeze3A_1362 = vector.extract %slice3A_1361[0] : i32 from vector<1xi32>
      %shift_right_arithmetic3A_1363 = arith.constant 7 : i32
      %shift_right_arithmetic3A_1364 = arith.shrsi %squeeze3A_1362, %shift_right_arithmetic3A_1363 : i32
      %slice3A_1365 = vector.extract_strided_slice %get3A_1360 {offsets = [0], sizes = [1], strides = [1]} : vector<16xi32> to vector<1xi32>
      %squeeze3A_1366 = vector.extract %slice3A_1365[0] : i32 from vector<1xi32>
      %shift_right_arithmetic3A_1367 = arith.constant 7 : i32
      %shift_right_arithmetic3A_1368 = arith.shrsi %squeeze3A_1366, %shift_right_arithmetic3A_1367 : i32
      %mul3A_1369 = arith.constant 128 : i32
      %mul3A_1370 = arith.muli %shift_right_arithmetic3A_1364, %mul3A_1369 : i32
      %multiple_of3A_1371 = tpu.assume_multiple %mul3A_1370, 128 : i32
      %dma_start3A_1372 = arith.constant 128 : i32
      %dma_start3A_1373 = arith.constant 0 : i32
      %dma_start3A_1374 = tpu.memref_slice %arg11[%dma_start3A_1372, %dma_start3A_1373] : memref<384x128xf32, #tpu.memory_space<vmem>> -> memref<32x128xf32, #tpu.memory_space<vmem>>
      %dma_start3A_1375 = arith.constant 0 : i32
      %dma_start3A_1376 = tpu.memref_slice %arg4[%dma_start3A_1375, %multiple_of3A_1371] : memref<32x1000000xf32, #tpu.memory_space<hbm>> -> memref<32x128xf32, #tpu.memory_space<hbm>>
      %dma_start3A_1377 = arith.constant 128 : i32
      %dma_start3A_1378 = arith.constant 0 : i32
      %dma_start3A_1379 = tpu.memref_slice %arg11[%dma_start3A_1377, %dma_start3A_1378] : memref<384x128xf32, #tpu.memory_space<vmem>> -> memref<32x128xf32, #tpu.memory_space<vmem>>
      %dma_start3A_1380 = arith.constant 0 : i32
      %dma_start3A_1381 = tpu.memref_slice %arg4[%dma_start3A_1380, %multiple_of3A_1371] : memref<32x1000000xf32, #tpu.memory_space<hbm>> -> memref<32x128xf32, #tpu.memory_space<hbm>>
      tpu.enqueue_dma source(%dma_start3A_1381 : memref<32x128xf32, #tpu.memory_space<hbm>>) target(%dma_start3A_1379 : memref<32x128xf32, #tpu.memory_space<vmem>>) target_semaphore(%arg16 : memref<!tpu.dma_semaphore, #tpu.memory_space<semaphore_mem>>)
      %mul3A_1382 = arith.constant 128 : i32
      %mul3A_1383 = arith.muli %shift_right_arithmetic3A_1368, %mul3A_1382 : i32
      %multiple_of3A_1384 = tpu.assume_multiple %mul3A_1383, 128 : i32
      %dma_start3A_1385 = arith.constant 128 : i32
      %dma_start3A_1386 = arith.constant 0 : i32
      %dma_start3A_1387 = tpu.memref_slice %arg12[%dma_start3A_1385, %dma_start3A_1386] : memref<384x128xf32, #tpu.memory_space<vmem>> -> memref<32x128xf32, #tpu.memory_space<vmem>>
      %dma_start3A_1388 = arith.constant 0 : i32
      %dma_start3A_1389 = tpu.memref_slice %arg5[%dma_start3A_1388, %multiple_of3A_1384] : memref<32x1000000xf32, #tpu.memory_space<hbm>> -> memref<32x128xf32, #tpu.memory_space<hbm>>
      %dma_start3A_1390 = arith.constant 128 : i32
      %dma_start3A_1391 = arith.constant 0 : i32
      %dma_start3A_1392 = tpu.memref_slice %arg12[%dma_start3A_1390, %dma_start3A_1391] : memref<384x128xf32, #tpu.memory_space<vmem>> -> memref<32x128xf32, #tpu.memory_space<vmem>>
      %dma_start3A_1393 = arith.constant 0 : i32
      %dma_start3A_1394 = tpu.memref_slice %arg5[%dma_start3A_1393, %multiple_of3A_1384] : memref<32x1000000xf32, #tpu.memory_space<hbm>> -> memref<32x128xf32, #tpu.memory_space<hbm>>
      tpu.enqueue_dma source(%dma_start3A_1394 : memref<32x128xf32, #tpu.memory_space<hbm>>) target(%dma_start3A_1392 : memref<32x128xf32, #tpu.memory_space<vmem>>) target_semaphore(%arg17 : memref<!tpu.dma_semaphore, #tpu.memory_space<semaphore_mem>>)
      %slice3A_1395 = vector.extract_strided_slice %get3A_1355 {offsets = [1], sizes = [1], strides = [1]} : vector<16xi32> to vector<1xi32>
      %squeeze3A_1396 = vector.extract %slice3A_1395[0] : i32 from vector<1xi32>
      %shift_right_arithmetic3A_1397 = arith.constant 7 : i32
      %shift_right_arithmetic3A_1398 = arith.shrsi %squeeze3A_1396, %shift_right_arithmetic3A_1397 : i32
      %slice3A_1399 = vector.extract_strided_slice %get3A_1360 {offsets = [1], sizes = [1], strides = [1]} : vector<16xi32> to vector<1xi32>
      %squeeze3A_1400 = vector.extract %slice3A_1399[0] : i32 from vector<1xi32>
      %shift_right_arithmetic3A_1401 = arith.constant 7 : i32
      %shift_right_arithmetic3A_1402 = arith.shrsi %squeeze3A_1400, %shift_right_arithmetic3A_1401 : i32
      %mul3A_1403 = arith.constant 128 : i32
      %mul3A_1404 = arith.muli %shift_right_arithmetic3A_1398, %mul3A_1403 : i32
      %multiple_of3A_1405 = tpu.assume_multiple %mul3A_1404, 128 : i32
      %dma_start3A_1406 = arith.constant 160 : i32
      %dma_start3A_1407 = arith.constant 0 : i32
      %dma_start3A_1408 = tpu.memref_slice %arg11[%dma_start3A_1406, %dma_start3A_1407] : memref<384x128xf32, #tpu.memory_space<vmem>> -> memref<32x128xf32, #tpu.memory_space<vmem>>
      %dma_start3A_1409 = arith.constant 0 : i32
      %dma_start3A_1410 = tpu.memref_slice %arg4[%dma_start3A_1409, %multiple_of3A_1405] : memref<32x1000000xf32, #tpu.memory_space<hbm>> -> memref<32x128xf32, #tpu.memory_space<hbm>>
      %dma_start3A_1411 = arith.constant 160 : i32
      %dma_start3A_1412 = arith.constant 0 : i32
      %dma_start3A_1413 = tpu.memref_slice %arg11[%dma_start3A_1411, %dma_start3A_1412] : memref<384x128xf32, #tpu.memory_space<vmem>> -> memref<32x128xf32, #tpu.memory_space<vmem>>
      %dma_start3A_1414 = arith.constant 0 : i32
      %dma_start3A_1415 = tpu.memref_slice %arg4[%dma_start3A_1414, %multiple_of3A_1405] : memref<32x1000000xf32, #tpu.memory_space<hbm>> -> memref<32x128xf32, #tpu.memory_space<hbm>>
      tpu.enqueue_dma source(%dma_start3A_1415 : memref<32x128xf32, #tpu.memory_space<hbm>>) target(%dma_start3A_1413 : memref<32x128xf32, #tpu.memory_space<vmem>>) target_semaphore(%arg16 : memref<!tpu.dma_semaphore, #tpu.memory_space<semaphore_mem>>)
      %mul3A_1416 = arith.constant 128 : i32
      %mul3A_1417 = arith.muli %shift_right_arithmetic3A_1402, %mul3A_1416 : i32
      %multiple_of3A_1418 = tpu.assume_multiple %mul3A_1417, 128 : i32
      %dma_start3A_1419 = arith.constant 160 : i32
      %dma_start3A_1420 = arith.constant 0 : i32
      %dma_start3A_1421 = tpu.memref_slice %arg12[%dma_start3A_1419, %dma_start3A_1420] : memref<384x128xf32, #tpu.memory_space<vmem>> -> memref<32x128xf32, #tpu.memory_space<vmem>>
      %dma_start3A_1422 = arith.constant 0 : i32
      %dma_start3A_1423 = tpu.memref_slice %arg5[%dma_start3A_1422, %multiple_of3A_1418] : memref<32x1000000xf32, #tpu.memory_space<hbm>> -> memref<32x128xf32, #tpu.memory_space<hbm>>
      %dma_start3A_1424 = arith.constant 160 : i32
      %dma_start3A_1425 = arith.constant 0 : i32
      %dma_start3A_1426 = tpu.memref_slice %arg12[%dma_start3A_1424, %dma_start3A_1425] : memref<384x128xf32, #tpu.memory_space<vmem>> -> memref<32x128xf32, #tpu.memory_space<vmem>>
      %dma_start3A_1427 = arith.constant 0 : i32
      %dma_start3A_1428 = tpu.memref_slice %arg5[%dma_start3A_1427, %multiple_of3A_1418] : memref<32x1000000xf32, #tpu.memory_space<hbm>> -> memref<32x128xf32, #tpu.memory_space<hbm>>
      tpu.enqueue_dma source(%dma_start3A_1428 : memref<32x128xf32, #tpu.memory_space<hbm>>) target(%dma_start3A_1426 : memref<32x128xf32, #tpu.memory_space<vmem>>) target_semaphore(%arg17 : memref<!tpu.dma_semaphore, #tpu.memory_space<semaphore_mem>>)
      %slice3A_1429 = vector.extract_strided_slice %get3A_1355 {offsets = [2], sizes = [1], strides = [1]} : vector<16xi32> to vector<1xi32>
      %squeeze3A_1430 = vector.extract %slice3A_1429[0] : i32 from vector<1xi32>
      %shift_right_arithmetic3A_1431 = arith.constant 7 : i32
      %shift_right_arithmetic3A_1432 = arith.shrsi %squeeze3A_1430, %shift_right_arithmetic3A_1431 : i32
      %slice3A_1433 = vector.extract_strided_slice %get3A_1360 {offsets = [2], sizes = [1], strides = [1]} : vector<16xi32> to vector<1xi32>
      %squeeze3A_1434 = vector.extract %slice3A_1433[0] : i32 from vector<1xi32>
      %shift_right_arithmetic3A_1435 = arith.constant 7 : i32
      %shift_right_arithmetic3A_1436 = arith.shrsi %squeeze3A_1434, %shift_right_arithmetic3A_1435 : i32
      %mul3A_1437 = arith.constant 128 : i32
      %mul3A_1438 = arith.muli %shift_right_arithmetic3A_1432, %mul3A_1437 : i32
      %multiple_of3A_1439 = tpu.assume_multiple %mul3A_1438, 128 : i32
      %dma_start3A_1440 = arith.constant 192 : i32
      %dma_start3A_1441 = arith.constant 0 : i32
      %dma_start3A_1442 = tpu.memref_slice %arg11[%dma_start3A_1440, %dma_start3A_1441] : memref<384x128xf32, #tpu.memory_space<vmem>> -> memref<32x128xf32, #tpu.memory_space<vmem>>
      %dma_start3A_1443 = arith.constant 0 : i32
      %dma_start3A_1444 = tpu.memref_slice %arg4[%dma_start3A_1443, %multiple_of3A_1439] : memref<32x1000000xf32, #tpu.memory_space<hbm>> -> memref<32x128xf32, #tpu.memory_space<hbm>>
      %dma_start3A_1445 = arith.constant 192 : i32
      %dma_start3A_1446 = arith.constant 0 : i32
      %dma_start3A_1447 = tpu.memref_slice %arg11[%dma_start3A_1445, %dma_start3A_1446] : memref<384x128xf32, #tpu.memory_space<vmem>> -> memref<32x128xf32, #tpu.memory_space<vmem>>
      %dma_start3A_1448 = arith.constant 0 : i32
      %dma_start3A_1449 = tpu.memref_slice %arg4[%dma_start3A_1448, %multiple_of3A_1439] : memref<32x1000000xf32, #tpu.memory_space<hbm>> -> memref<32x128xf32, #tpu.memory_space<hbm>>
      tpu.enqueue_dma source(%dma_start3A_1449 : memref<32x128xf32, #tpu.memory_space<hbm>>) target(%dma_start3A_1447 : memref<32x128xf32, #tpu.memory_space<vmem>>) target_semaphore(%arg16 : memref<!tpu.dma_semaphore, #tpu.memory_space<semaphore_mem>>)
      %mul3A_1450 = arith.constant 128 : i32
      %mul3A_1451 = arith.muli %shift_right_arithmetic3A_1436, %mul3A_1450 : i32
      %multiple_of3A_1452 = tpu.assume_multiple %mul3A_1451, 128 : i32
      %dma_start3A_1453 = arith.constant 192 : i32
      %dma_start3A_1454 = arith.constant 0 : i32
      %dma_start3A_1455 = tpu.memref_slice %arg12[%dma_start3A_1453, %dma_start3A_1454] : memref<384x128xf32, #tpu.memory_space<vmem>> -> memref<32x128xf32, #tpu.memory_space<vmem>>
      %dma_start3A_1456 = arith.constant 0 : i32
      %dma_start3A_1457 = tpu.memref_slice %arg5[%dma_start3A_1456, %multiple_of3A_1452] : memref<32x1000000xf32, #tpu.memory_space<hbm>> -> memref<32x128xf32, #tpu.memory_space<hbm>>
      %dma_start3A_1458 = arith.constant 192 : i32
      %dma_start3A_1459 = arith.constant 0 : i32
      %dma_start3A_1460 = tpu.memref_slice %arg12[%dma_start3A_1458, %dma_start3A_1459] : memref<384x128xf32, #tpu.memory_space<vmem>> -> memref<32x128xf32, #tpu.memory_space<vmem>>
      %dma_start3A_1461 = arith.constant 0 : i32
      %dma_start3A_1462 = tpu.memref_slice %arg5[%dma_start3A_1461, %multiple_of3A_1452] : memref<32x1000000xf32, #tpu.memory_space<hbm>> -> memref<32x128xf32, #tpu.memory_space<hbm>>
      tpu.enqueue_dma source(%dma_start3A_1462 : memref<32x128xf32, #tpu.memory_space<hbm>>) target(%dma_start3A_1460 : memref<32x128xf32, #tpu.memory_space<vmem>>) target_semaphore(%arg17 : memref<!tpu.dma_semaphore, #tpu.memory_space<semaphore_mem>>)
      %slice3A_1463 = vector.extract_strided_slice %get3A_1355 {offsets = [3], sizes = [1], strides = [1]} : vector<16xi32> to vector<1xi32>
      %squeeze3A_1464 = vector.extract %slice3A_1463[0] : i32 from vector<1xi32>
      %shift_right_arithmetic3A_1465 = arith.constant 7 : i32
      %shift_right_arithmetic3A_1466 = arith.shrsi %squeeze3A_1464, %shift_right_arithmetic3A_1465 : i32
      %slice3A_1467 = vector.extract_strided_slice %get3A_1360 {offsets = [3], sizes = [1], strides = [1]} : vector<16xi32> to vector<1xi32>
      %squeeze3A_1468 = vector.extract %slice3A_1467[0] : i32 from vector<1xi32>
      %shift_right_arithmetic3A_1469 = arith.constant 7 : i32
      %shift_right_arithmetic3A_1470 = arith.shrsi %squeeze3A_1468, %shift_right_arithmetic3A_1469 : i32
      %mul3A_1471 = arith.constant 128 : i32
      %mul3A_1472 = arith.muli %shift_right_arithmetic3A_1466, %mul3A_1471 : i32
      %multiple_of3A_1473 = tpu.assume_multiple %mul3A_1472, 128 : i32
      %dma_start3A_1474 = arith.constant 224 : i32
      %dma_start3A_1475 = arith.constant 0 : i32
      %dma_start3A_1476 = tpu.memref_slice %arg11[%dma_start3A_1474, %dma_start3A_1475] : memref<384x128xf32, #tpu.memory_space<vmem>> -> memref<32x128xf32, #tpu.memory_space<vmem>>
      %dma_start3A_1477 = arith.constant 0 : i32
      %dma_start3A_1478 = tpu.memref_slice %arg4[%dma_start3A_1477, %multiple_of3A_1473] : memref<32x1000000xf32, #tpu.memory_space<hbm>> -> memref<32x128xf32, #tpu.memory_space<hbm>>
      %dma_start3A_1479 = arith.constant 224 : i32
      %dma_start3A_1480 = arith.constant 0 : i32
      %dma_start3A_1481 = tpu.memref_slice %arg11[%dma_start3A_1479, %dma_start3A_1480] : memref<384x128xf32, #tpu.memory_space<vmem>> -> memref<32x128xf32, #tpu.memory_space<vmem>>
      %dma_start3A_1482 = arith.constant 0 : i32
      %dma_start3A_1483 = tpu.memref_slice %arg4[%dma_start3A_1482, %multiple_of3A_1473] : memref<32x1000000xf32, #tpu.memory_space<hbm>> -> memref<32x128xf32, #tpu.memory_space<hbm>>
      tpu.enqueue_dma source(%dma_start3A_1483 : memref<32x128xf32, #tpu.memory_space<hbm>>) target(%dma_start3A_1481 : memref<32x128xf32, #tpu.memory_space<vmem>>) target_semaphore(%arg16 : memref<!tpu.dma_semaphore, #tpu.memory_space<semaphore_mem>>)
      %mul3A_1484 = arith.constant 128 : i32
      %mul3A_1485 = arith.muli %shift_right_arithmetic3A_1470, %mul3A_1484 : i32
      %multiple_of3A_1486 = tpu.assume_multiple %mul3A_1485, 128 : i32
      %dma_start3A_1487 = arith.constant 224 : i32
      %dma_start3A_1488 = arith.constant 0 : i32
      %dma_start3A_1489 = tpu.memref_slice %arg12[%dma_start3A_1487, %dma_start3A_1488] : memref<384x128xf32, #tpu.memory_space<vmem>> -> memref<32x128xf32, #tpu.memory_space<vmem>>
      %dma_start3A_1490 = arith.constant 0 : i32
      %dma_start3A_1491 = tpu.memref_slice %arg5[%dma_start3A_1490, %multiple_of3A_1486] : memref<32x1000000xf32, #tpu.memory_space<hbm>> -> memref<32x128xf32, #tpu.memory_space<hbm>>
      %dma_start3A_1492 = arith.constant 224 : i32
      %dma_start3A_1493 = arith.constant 0 : i32
      %dma_start3A_1494 = tpu.memref_slice %arg12[%dma_start3A_1492, %dma_start3A_1493] : memref<384x128xf32, #tpu.memory_space<vmem>> -> memref<32x128xf32, #tpu.memory_space<vmem>>
      %dma_start3A_1495 = arith.constant 0 : i32
      %dma_start3A_1496 = tpu.memref_slice %arg5[%dma_start3A_1495, %multiple_of3A_1486] : memref<32x1000000xf32, #tpu.memory_space<hbm>> -> memref<32x128xf32, #tpu.memory_space<hbm>>
      tpu.enqueue_dma source(%dma_start3A_1496 : memref<32x128xf32, #tpu.memory_space<hbm>>) target(%dma_start3A_1494 : memref<32x128xf32, #tpu.memory_space<vmem>>) target_semaphore(%arg17 : memref<!tpu.dma_semaphore, #tpu.memory_space<semaphore_mem>>)
      %mul3A_1497 = arith.constant 3 : i32
      %mul3A_1498 = arith.muli %scan3A_754, %mul3A_1497 : i32
      %add3A_1499 = arith.constant 2 : i32
      %add3A_1500 = arith.addi %mul3A_1498, %add3A_1499 : i32
      %dma_wait3A_1501 = arith.constant 0 : i32
      %dma_wait3A_1502 = arith.constant 0 : i32
      %dma_wait3A_1503 = tpu.memref_slice %arg11[%dma_wait3A_1501, %dma_wait3A_1502] : memref<384x128xf32, #tpu.memory_space<vmem>> -> memref<32x128xf32, #tpu.memory_space<vmem>>
      %dma_wait3A_1504 = arith.constant 0 : i32
      %dma_wait3A_1505 = arith.constant 0 : i32
      %dma_wait3A_1506 = tpu.memref_slice %arg4[%dma_wait3A_1504, %dma_wait3A_1505] : memref<32x1000000xf32, #tpu.memory_space<hbm>> -> memref<32x128xf32, #tpu.memory_space<hbm>>
      %dma_wait3A_1507 = arith.constant 0 : i32
      %dma_wait3A_1508 = arith.constant 0 : i32
      %dma_wait3A_1509 = tpu.memref_slice %arg11[%dma_wait3A_1507, %dma_wait3A_1508] : memref<384x128xf32, #tpu.memory_space<vmem>> -> memref<32x128xf32, #tpu.memory_space<vmem>>
      %dma_wait3A_1510 = arith.constant 0 : i32
      %dma_wait3A_1511 = arith.constant 0 : i32
      %dma_wait3A_1512 = tpu.memref_slice %arg4[%dma_wait3A_1510, %dma_wait3A_1511] : memref<32x1000000xf32, #tpu.memory_space<hbm>> -> memref<32x128xf32, #tpu.memory_space<hbm>>
      tpu.wait_dma2 semaphore(%arg18 : memref<!tpu.dma_semaphore, #tpu.memory_space<semaphore_mem>>) src(%dma_wait3A_1512 : memref<32x128xf32, #tpu.memory_space<hbm>>) dst(%dma_wait3A_1509 : memref<32x128xf32, #tpu.memory_space<vmem>>)
      %dma_wait3A_1513 = arith.constant 0 : i32
      %dma_wait3A_1514 = arith.constant 0 : i32
      %dma_wait3A_1515 = tpu.memref_slice %arg12[%dma_wait3A_1513, %dma_wait3A_1514] : memref<384x128xf32, #tpu.memory_space<vmem>> -> memref<32x128xf32, #tpu.memory_space<vmem>>
      %dma_wait3A_1516 = arith.constant 0 : i32
      %dma_wait3A_1517 = arith.constant 0 : i32
      %dma_wait3A_1518 = tpu.memref_slice %arg5[%dma_wait3A_1516, %dma_wait3A_1517] : memref<32x1000000xf32, #tpu.memory_space<hbm>> -> memref<32x128xf32, #tpu.memory_space<hbm>>
      %dma_wait3A_1519 = arith.constant 0 : i32
      %dma_wait3A_1520 = arith.constant 0 : i32
      %dma_wait3A_1521 = tpu.memref_slice %arg12[%dma_wait3A_1519, %dma_wait3A_1520] : memref<384x128xf32, #tpu.memory_space<vmem>> -> memref<32x128xf32, #tpu.memory_space<vmem>>
      %dma_wait3A_1522 = arith.constant 0 : i32
      %dma_wait3A_1523 = arith.constant 0 : i32
      %dma_wait3A_1524 = tpu.memref_slice %arg5[%dma_wait3A_1522, %dma_wait3A_1523] : memref<32x1000000xf32, #tpu.memory_space<hbm>> -> memref<32x128xf32, #tpu.memory_space<hbm>>
      tpu.wait_dma2 semaphore(%arg19 : memref<!tpu.dma_semaphore, #tpu.memory_space<semaphore_mem>>) src(%dma_wait3A_1524 : memref<32x128xf32, #tpu.memory_space<hbm>>) dst(%dma_wait3A_1521 : memref<32x128xf32, #tpu.memory_space<vmem>>)
      %dma_wait3A_1525 = arith.constant 0 : i32
      %dma_wait3A_1526 = arith.constant 0 : i32
      %dma_wait3A_1527 = tpu.memref_slice %arg11[%dma_wait3A_1525, %dma_wait3A_1526] : memref<384x128xf32, #tpu.memory_space<vmem>> -> memref<32x128xf32, #tpu.memory_space<vmem>>
      %dma_wait3A_1528 = arith.constant 0 : i32
      %dma_wait3A_1529 = arith.constant 0 : i32
      %dma_wait3A_1530 = tpu.memref_slice %arg4[%dma_wait3A_1528, %dma_wait3A_1529] : memref<32x1000000xf32, #tpu.memory_space<hbm>> -> memref<32x128xf32, #tpu.memory_space<hbm>>
      %dma_wait3A_1531 = arith.constant 0 : i32
      %dma_wait3A_1532 = arith.constant 0 : i32
      %dma_wait3A_1533 = tpu.memref_slice %arg11[%dma_wait3A_1531, %dma_wait3A_1532] : memref<384x128xf32, #tpu.memory_space<vmem>> -> memref<32x128xf32, #tpu.memory_space<vmem>>
      %dma_wait3A_1534 = arith.constant 0 : i32
      %dma_wait3A_1535 = arith.constant 0 : i32
      %dma_wait3A_1536 = tpu.memref_slice %arg4[%dma_wait3A_1534, %dma_wait3A_1535] : memref<32x1000000xf32, #tpu.memory_space<hbm>> -> memref<32x128xf32, #tpu.memory_space<hbm>>
      tpu.wait_dma2 semaphore(%arg18 : memref<!tpu.dma_semaphore, #tpu.memory_space<semaphore_mem>>) src(%dma_wait3A_1536 : memref<32x128xf32, #tpu.memory_space<hbm>>) dst(%dma_wait3A_1533 : memref<32x128xf32, #tpu.memory_space<vmem>>)
      %dma_wait3A_1537 = arith.constant 0 : i32
      %dma_wait3A_1538 = arith.constant 0 : i32
      %dma_wait3A_1539 = tpu.memref_slice %arg12[%dma_wait3A_1537, %dma_wait3A_1538] : memref<384x128xf32, #tpu.memory_space<vmem>> -> memref<32x128xf32, #tpu.memory_space<vmem>>
      %dma_wait3A_1540 = arith.constant 0 : i32
      %dma_wait3A_1541 = arith.constant 0 : i32
      %dma_wait3A_1542 = tpu.memref_slice %arg5[%dma_wait3A_1540, %dma_wait3A_1541] : memref<32x1000000xf32, #tpu.memory_space<hbm>> -> memref<32x128xf32, #tpu.memory_space<hbm>>
      %dma_wait3A_1543 = arith.constant 0 : i32
      %dma_wait3A_1544 = arith.constant 0 : i32
      %dma_wait3A_1545 = tpu.memref_slice %arg12[%dma_wait3A_1543, %dma_wait3A_1544] : memref<384x128xf32, #tpu.memory_space<vmem>> -> memref<32x128xf32, #tpu.memory_space<vmem>>
      %dma_wait3A_1546 = arith.constant 0 : i32
      %dma_wait3A_1547 = arith.constant 0 : i32
      %dma_wait3A_1548 = tpu.memref_slice %arg5[%dma_wait3A_1546, %dma_wait3A_1547] : memref<32x1000000xf32, #tpu.memory_space<hbm>> -> memref<32x128xf32, #tpu.memory_space<hbm>>
      tpu.wait_dma2 semaphore(%arg19 : memref<!tpu.dma_semaphore, #tpu.memory_space<semaphore_mem>>) src(%dma_wait3A_1548 : memref<32x128xf32, #tpu.memory_space<hbm>>) dst(%dma_wait3A_1545 : memref<32x128xf32, #tpu.memory_space<vmem>>)
      %dma_wait3A_1549 = arith.constant 0 : i32
      %dma_wait3A_1550 = arith.constant 0 : i32
      %dma_wait3A_1551 = tpu.memref_slice %arg11[%dma_wait3A_1549, %dma_wait3A_1550] : memref<384x128xf32, #tpu.memory_space<vmem>> -> memref<32x128xf32, #tpu.memory_space<vmem>>
      %dma_wait3A_1552 = arith.constant 0 : i32
      %dma_wait3A_1553 = arith.constant 0 : i32
      %dma_wait3A_1554 = tpu.memref_slice %arg4[%dma_wait3A_1552, %dma_wait3A_1553] : memref<32x1000000xf32, #tpu.memory_space<hbm>> -> memref<32x128xf32, #tpu.memory_space<hbm>>
      %dma_wait3A_1555 = arith.constant 0 : i32
      %dma_wait3A_1556 = arith.constant 0 : i32
      %dma_wait3A_1557 = tpu.memref_slice %arg11[%dma_wait3A_1555, %dma_wait3A_1556] : memref<384x128xf32, #tpu.memory_space<vmem>> -> memref<32x128xf32, #tpu.memory_space<vmem>>
      %dma_wait3A_1558 = arith.constant 0 : i32
      %dma_wait3A_1559 = arith.constant 0 : i32
      %dma_wait3A_1560 = tpu.memref_slice %arg4[%dma_wait3A_1558, %dma_wait3A_1559] : memref<32x1000000xf32, #tpu.memory_space<hbm>> -> memref<32x128xf32, #tpu.memory_space<hbm>>
      tpu.wait_dma2 semaphore(%arg18 : memref<!tpu.dma_semaphore, #tpu.memory_space<semaphore_mem>>) src(%dma_wait3A_1560 : memref<32x128xf32, #tpu.memory_space<hbm>>) dst(%dma_wait3A_1557 : memref<32x128xf32, #tpu.memory_space<vmem>>)
      %dma_wait3A_1561 = arith.constant 0 : i32
      %dma_wait3A_1562 = arith.constant 0 : i32
      %dma_wait3A_1563 = tpu.memref_slice %arg12[%dma_wait3A_1561, %dma_wait3A_1562] : memref<384x128xf32, #tpu.memory_space<vmem>> -> memref<32x128xf32, #tpu.memory_space<vmem>>
      %dma_wait3A_1564 = arith.constant 0 : i32
      %dma_wait3A_1565 = arith.constant 0 : i32
      %dma_wait3A_1566 = tpu.memref_slice %arg5[%dma_wait3A_1564, %dma_wait3A_1565] : memref<32x1000000xf32, #tpu.memory_space<hbm>> -> memref<32x128xf32, #tpu.memory_space<hbm>>
      %dma_wait3A_1567 = arith.constant 0 : i32
      %dma_wait3A_1568 = arith.constant 0 : i32
      %dma_wait3A_1569 = tpu.memref_slice %arg12[%dma_wait3A_1567, %dma_wait3A_1568] : memref<384x128xf32, #tpu.memory_space<vmem>> -> memref<32x128xf32, #tpu.memory_space<vmem>>
      %dma_wait3A_1570 = arith.constant 0 : i32
      %dma_wait3A_1571 = arith.constant 0 : i32
      %dma_wait3A_1572 = tpu.memref_slice %arg5[%dma_wait3A_1570, %dma_wait3A_1571] : memref<32x1000000xf32, #tpu.memory_space<hbm>> -> memref<32x128xf32, #tpu.memory_space<hbm>>
      tpu.wait_dma2 semaphore(%arg19 : memref<!tpu.dma_semaphore, #tpu.memory_space<semaphore_mem>>) src(%dma_wait3A_1572 : memref<32x128xf32, #tpu.memory_space<hbm>>) dst(%dma_wait3A_1569 : memref<32x128xf32, #tpu.memory_space<vmem>>)
      %dma_wait3A_1573 = arith.constant 0 : i32
      %dma_wait3A_1574 = arith.constant 0 : i32
      %dma_wait3A_1575 = tpu.memref_slice %arg11[%dma_wait3A_1573, %dma_wait3A_1574] : memref<384x128xf32, #tpu.memory_space<vmem>> -> memref<32x128xf32, #tpu.memory_space<vmem>>
      %dma_wait3A_1576 = arith.constant 0 : i32
      %dma_wait3A_1577 = arith.constant 0 : i32
      %dma_wait3A_1578 = tpu.memref_slice %arg4[%dma_wait3A_1576, %dma_wait3A_1577] : memref<32x1000000xf32, #tpu.memory_space<hbm>> -> memref<32x128xf32, #tpu.memory_space<hbm>>
      %dma_wait3A_1579 = arith.constant 0 : i32
      %dma_wait3A_1580 = arith.constant 0 : i32
      %dma_wait3A_1581 = tpu.memref_slice %arg11[%dma_wait3A_1579, %dma_wait3A_1580] : memref<384x128xf32, #tpu.memory_space<vmem>> -> memref<32x128xf32, #tpu.memory_space<vmem>>
      %dma_wait3A_1582 = arith.constant 0 : i32
      %dma_wait3A_1583 = arith.constant 0 : i32
      %dma_wait3A_1584 = tpu.memref_slice %arg4[%dma_wait3A_1582, %dma_wait3A_1583] : memref<32x1000000xf32, #tpu.memory_space<hbm>> -> memref<32x128xf32, #tpu.memory_space<hbm>>
      tpu.wait_dma2 semaphore(%arg18 : memref<!tpu.dma_semaphore, #tpu.memory_space<semaphore_mem>>) src(%dma_wait3A_1584 : memref<32x128xf32, #tpu.memory_space<hbm>>) dst(%dma_wait3A_1581 : memref<32x128xf32, #tpu.memory_space<vmem>>)
      %dma_wait3A_1585 = arith.constant 0 : i32
      %dma_wait3A_1586 = arith.constant 0 : i32
      %dma_wait3A_1587 = tpu.memref_slice %arg12[%dma_wait3A_1585, %dma_wait3A_1586] : memref<384x128xf32, #tpu.memory_space<vmem>> -> memref<32x128xf32, #tpu.memory_space<vmem>>
      %dma_wait3A_1588 = arith.constant 0 : i32
      %dma_wait3A_1589 = arith.constant 0 : i32
      %dma_wait3A_1590 = tpu.memref_slice %arg5[%dma_wait3A_1588, %dma_wait3A_1589] : memref<32x1000000xf32, #tpu.memory_space<hbm>> -> memref<32x128xf32, #tpu.memory_space<hbm>>
      %dma_wait3A_1591 = arith.constant 0 : i32
      %dma_wait3A_1592 = arith.constant 0 : i32
      %dma_wait3A_1593 = tpu.memref_slice %arg12[%dma_wait3A_1591, %dma_wait3A_1592] : memref<384x128xf32, #tpu.memory_space<vmem>> -> memref<32x128xf32, #tpu.memory_space<vmem>>
      %dma_wait3A_1594 = arith.constant 0 : i32
      %dma_wait3A_1595 = arith.constant 0 : i32
      %dma_wait3A_1596 = tpu.memref_slice %arg5[%dma_wait3A_1594, %dma_wait3A_1595] : memref<32x1000000xf32, #tpu.memory_space<hbm>> -> memref<32x128xf32, #tpu.memory_space<hbm>>
      tpu.wait_dma2 semaphore(%arg19 : memref<!tpu.dma_semaphore, #tpu.memory_space<semaphore_mem>>) src(%dma_wait3A_1596 : memref<32x128xf32, #tpu.memory_space<hbm>>) dst(%dma_wait3A_1593 : memref<32x128xf32, #tpu.memory_space<vmem>>)
      %mul3A_1597 = arith.constant 16 : i32
      %mul3A_1598 = arith.muli %add3A_1500, %mul3A_1597 : i32
      %multiple_of3A_1599 = tpu.assume_multiple %mul3A_1598, 16 : i32
      %get3A_1600 = arith.index_cast %multiple_of3A_1599 : i32 to index
      %get3A_1601 = tpu.vector_load %arg9[%get3A_1600] {strides = array<i32>} : memref<2112xi32, #tpu.memory_space<vmem>>, vector<16xi32>,
      %mul3A_1602 = arith.constant 16 : i32
      %mul3A_1603 = arith.muli %add3A_1500, %mul3A_1602 : i32
      %multiple_of3A_1604 = tpu.assume_multiple %mul3A_1603, 16 : i32
      %get3A_1605 = arith.index_cast %multiple_of3A_1604 : i32 to index
      %get3A_1606 = tpu.vector_load %arg10[%get3A_1605] {strides = array<i32>} : memref<2112xi32, #tpu.memory_space<vmem>>, vector<16xi32>,
      %reshape3A_1607 = vector.shape_cast %and3A_4 : vector<16xi32> to vector<16x1xi32>
      %gather3A_1608 = vector.shape_cast %reshape3A_1607 : vector<16x1xi32> to vector<16xi32>
      %gather3A_1609 = tpu.dynamic_gather %get3A_1601[%gather3A_1608] in [0] : vector<16xi32>, vector<16xi32> -> vector<16xi32>
      %and3A_1610 = arith.constant 127 : i32
      %and3A_1611 = vector.broadcast %and3A_1610 : i32 to vector<16xi32>
      %and3A_1612 = arith.andi %gather3A_1609, %and3A_1611 : vector<16xi32>
      %reshape3A_1613 = vector.shape_cast %and3A_4 : vector<16xi32> to vector<16x1xi32>
      %gather3A_1614 = vector.shape_cast %reshape3A_1613 : vector<16x1xi32> to vector<16xi32>
      %gather3A_1615 = tpu.dynamic_gather %get3A_1606[%gather3A_1614] in [0] : vector<16xi32>, vector<16xi32> -> vector<16xi32>
      %and3A_1616 = arith.constant 127 : i32
      %and3A_1617 = vector.broadcast %and3A_1616 : i32 to vector<16xi32>
      %and3A_1618 = arith.andi %gather3A_1615, %and3A_1617 : vector<16xi32>
      %add3A_1619 = arith.constant 256 : i32
      %add3A_1620 = vector.broadcast %add3A_1619 : i32 to vector<16xi32>
      %add3A_1621 = arith.addi %add3A_10, %add3A_1620 : vector<16xi32>
      %broadcast_in_dim3A_1622 = arith.constant 0.000000e+00 : f32
      %broadcast_in_dim3A_1623 = vector.broadcast %broadcast_in_dim3A_1622 : f32 to vector<16xf32>
      %add3A_1624 = arith.constant 0 : i32
      %add3A_1625 = vector.broadcast %add3A_1624 : i32 to vector<16xi32>
      %add3A_1626 = arith.addi %add3A_1621, %add3A_1625 : vector<16xi32>
      %gather3A_1627 = tpu.vector_load_idx %arg11[%add3A_1626, %and3A_1612] : memref<384x128xf32, #tpu.memory_space<vmem>>[vector<16xi32>, vector<16xi32>], vector<16xf32>,
      %gather3A_1628 = tpu.vector_load_idx %arg12[%add3A_1626, %and3A_1618] : memref<384x128xf32, #tpu.memory_space<vmem>>[vector<16xi32>, vector<16xi32>], vector<16xf32>,
      %mul3A_1629 = arith.mulf %gather3A_1627, %gather3A_1628 : vector<16xf32>
      %add3A_1630 = arith.addf %broadcast_in_dim3A_1623, %mul3A_1629 : vector<16xf32>
      %add3A_1631 = arith.constant 4 : i32
      %add3A_1632 = vector.broadcast %add3A_1631 : i32 to vector<16xi32>
      %add3A_1633 = arith.addi %add3A_1621, %add3A_1632 : vector<16xi32>
      %gather3A_1634 = tpu.vector_load_idx %arg11[%add3A_1633, %and3A_1612] : memref<384x128xf32, #tpu.memory_space<vmem>>[vector<16xi32>, vector<16xi32>], vector<16xf32>,
      %gather3A_1635 = tpu.vector_load_idx %arg12[%add3A_1633, %and3A_1618] : memref<384x128xf32, #tpu.memory_space<vmem>>[vector<16xi32>, vector<16xi32>], vector<16xf32>,
      %mul3A_1636 = arith.mulf %gather3A_1634, %gather3A_1635 : vector<16xf32>
      %add3A_1637 = arith.addf %add3A_1630, %mul3A_1636 : vector<16xf32>
      %add3A_1638 = arith.constant 8 : i32
      %add3A_1639 = vector.broadcast %add3A_1638 : i32 to vector<16xi32>
      %add3A_1640 = arith.addi %add3A_1621, %add3A_1639 : vector<16xi32>
      %gather3A_1641 = tpu.vector_load_idx %arg11[%add3A_1640, %and3A_1612] : memref<384x128xf32, #tpu.memory_space<vmem>>[vector<16xi32>, vector<16xi32>], vector<16xf32>,
      %gather3A_1642 = tpu.vector_load_idx %arg12[%add3A_1640, %and3A_1618] : memref<384x128xf32, #tpu.memory_space<vmem>>[vector<16xi32>, vector<16xi32>], vector<16xf32>,
      %mul3A_1643 = arith.mulf %gather3A_1641, %gather3A_1642 : vector<16xf32>
      %add3A_1644 = arith.addf %add3A_1637, %mul3A_1643 : vector<16xf32>
      %add3A_1645 = arith.constant 12 : i32
      %add3A_1646 = vector.broadcast %add3A_1645 : i32 to vector<16xi32>
      %add3A_1647 = arith.addi %add3A_1621, %add3A_1646 : vector<16xi32>
      %gather3A_1648 = tpu.vector_load_idx %arg11[%add3A_1647, %and3A_1612] : memref<384x128xf32, #tpu.memory_space<vmem>>[vector<16xi32>, vector<16xi32>], vector<16xf32>,
      %gather3A_1649 = tpu.vector_load_idx %arg12[%add3A_1647, %and3A_1618] : memref<384x128xf32, #tpu.memory_space<vmem>>[vector<16xi32>, vector<16xi32>], vector<16xf32>,
      %mul3A_1650 = arith.mulf %gather3A_1648, %gather3A_1649 : vector<16xf32>
      %add3A_1651 = arith.addf %add3A_1644, %mul3A_1650 : vector<16xf32>
      %add3A_1652 = arith.constant 16 : i32
      %add3A_1653 = vector.broadcast %add3A_1652 : i32 to vector<16xi32>
      %add3A_1654 = arith.addi %add3A_1621, %add3A_1653 : vector<16xi32>
      %gather3A_1655 = tpu.vector_load_idx %arg11[%add3A_1654, %and3A_1612] : memref<384x128xf32, #tpu.memory_space<vmem>>[vector<16xi32>, vector<16xi32>], vector<16xf32>,
      %gather3A_1656 = tpu.vector_load_idx %arg12[%add3A_1654, %and3A_1618] : memref<384x128xf32, #tpu.memory_space<vmem>>[vector<16xi32>, vector<16xi32>], vector<16xf32>,
      %mul3A_1657 = arith.mulf %gather3A_1655, %gather3A_1656 : vector<16xf32>
      %add3A_1658 = arith.addf %add3A_1651, %mul3A_1657 : vector<16xf32>
      %add3A_1659 = arith.constant 20 : i32
      %add3A_1660 = vector.broadcast %add3A_1659 : i32 to vector<16xi32>
      %add3A_1661 = arith.addi %add3A_1621, %add3A_1660 : vector<16xi32>
      %gather3A_1662 = tpu.vector_load_idx %arg11[%add3A_1661, %and3A_1612] : memref<384x128xf32, #tpu.memory_space<vmem>>[vector<16xi32>, vector<16xi32>], vector<16xf32>,
      %gather3A_1663 = tpu.vector_load_idx %arg12[%add3A_1661, %and3A_1618] : memref<384x128xf32, #tpu.memory_space<vmem>>[vector<16xi32>, vector<16xi32>], vector<16xf32>,
      %mul3A_1664 = arith.mulf %gather3A_1662, %gather3A_1663 : vector<16xf32>
      %add3A_1665 = arith.addf %add3A_1658, %mul3A_1664 : vector<16xf32>
      %add3A_1666 = arith.constant 24 : i32
      %add3A_1667 = vector.broadcast %add3A_1666 : i32 to vector<16xi32>
      %add3A_1668 = arith.addi %add3A_1621, %add3A_1667 : vector<16xi32>
      %gather3A_1669 = tpu.vector_load_idx %arg11[%add3A_1668, %and3A_1612] : memref<384x128xf32, #tpu.memory_space<vmem>>[vector<16xi32>, vector<16xi32>], vector<16xf32>,
      %gather3A_1670 = tpu.vector_load_idx %arg12[%add3A_1668, %and3A_1618] : memref<384x128xf32, #tpu.memory_space<vmem>>[vector<16xi32>, vector<16xi32>], vector<16xf32>,
      %mul3A_1671 = arith.mulf %gather3A_1669, %gather3A_1670 : vector<16xf32>
      %add3A_1672 = arith.addf %add3A_1665, %mul3A_1671 : vector<16xf32>
      %add3A_1673 = arith.constant 28 : i32
      %add3A_1674 = vector.broadcast %add3A_1673 : i32 to vector<16xi32>
      %add3A_1675 = arith.addi %add3A_1621, %add3A_1674 : vector<16xi32>
      %gather3A_1676 = tpu.vector_load_idx %arg11[%add3A_1675, %and3A_1612] : memref<384x128xf32, #tpu.memory_space<vmem>>[vector<16xi32>, vector<16xi32>], vector<16xf32>,
      %gather3A_1677 = tpu.vector_load_idx %arg12[%add3A_1675, %and3A_1618] : memref<384x128xf32, #tpu.memory_space<vmem>>[vector<16xi32>, vector<16xi32>], vector<16xf32>,
      %mul3A_1678 = arith.mulf %gather3A_1676, %gather3A_1677 : vector<16xf32>
      %add3A_1679 = arith.addf %add3A_1672, %mul3A_1678 : vector<16xf32>
      %add3A_1680 = arith.constant 8 : i32
      %add3A_1681 = vector.broadcast %add3A_1680 : i32 to vector<16xi32>
      %add3A_1682 = arith.addi %iota3A, %add3A_1681 : vector<16xi32>
      %and3A_1683 = arith.constant 15 : i32
      %and3A_1684 = vector.broadcast %and3A_1683 : i32 to vector<16xi32>
      %and3A_1685 = arith.andi %add3A_1682, %and3A_1684 : vector<16xi32>
      %reshape3A_1686 = vector.shape_cast %and3A_1685 : vector<16xi32> to vector<16x1xi32>
      %gather3A_1687 = vector.shape_cast %reshape3A_1686 : vector<16x1xi32> to vector<16xi32>
      %gather3A_1688 = tpu.dynamic_gather %add3A_1679[%gather3A_1687] in [0] : vector<16xf32>, vector<16xi32> -> vector<16xf32>
      %add3A_1689 = arith.addf %add3A_1679, %gather3A_1688 : vector<16xf32>
      %add3A_1690 = arith.constant 4 : i32
      %add3A_1691 = vector.broadcast %add3A_1690 : i32 to vector<16xi32>
      %add3A_1692 = arith.addi %iota3A, %add3A_1691 : vector<16xi32>
      %and3A_1693 = arith.constant 15 : i32
      %and3A_1694 = vector.broadcast %and3A_1693 : i32 to vector<16xi32>
      %and3A_1695 = arith.andi %add3A_1692, %and3A_1694 : vector<16xi32>
      %reshape3A_1696 = vector.shape_cast %and3A_1695 : vector<16xi32> to vector<16x1xi32>
      %gather3A_1697 = vector.shape_cast %reshape3A_1696 : vector<16x1xi32> to vector<16xi32>
      %gather3A_1698 = tpu.dynamic_gather %add3A_1689[%gather3A_1697] in [0] : vector<16xf32>, vector<16xi32> -> vector<16xf32>
      %add3A_1699 = arith.addf %add3A_1689, %gather3A_1698 : vector<16xf32>
      %and3A_1700 = arith.constant 3 : i32
      %and3A_1701 = arith.andi %add3A_1500, %and3A_1700 : i32
      %mul3A_1702 = arith.constant 4 : i32
      %mul3A_1703 = arith.muli %and3A_1701, %mul3A_1702 : i32
      %sub3A_1704 = vector.broadcast %mul3A_1703 : i32 to vector<16xi32>
      %sub3A_1705 = arith.subi %iota3A, %sub3A_1704 : vector<16xi32>
      %and3A_1706 = arith.constant 15 : i32
      %and3A_1707 = vector.broadcast %and3A_1706 : i32 to vector<16xi32>
      %and3A_1708 = arith.andi %sub3A_1705, %and3A_1707 : vector<16xi32>
      %reshape3A_1709 = vector.shape_cast %and3A_1708 : vector<16xi32> to vector<16x1xi32>
      %gather3A_1710 = vector.shape_cast %reshape3A_1709 : vector<16x1xi32> to vector<16xi32>
      %gather3A_1711 = tpu.dynamic_gather %add3A_1699[%gather3A_1710] in [0] : vector<16xf32>, vector<16xi32> -> vector<16xf32>
      %eq3A_1712 = vector.broadcast %and3A_1701 : i32 to vector<16xi32>
      %eq3A_1713 = arith.cmpi eq, %shift_right_arithmetic3A_6, %eq3A_1712 : vector<16xi32>
      %select_n3A_1714 = arith.select %eq3A_1713, %gather3A_1711, %select_n3A_1341 : vector<16xi1>, vector<16xf32>
      %shift_right_arithmetic3A_1715 = arith.constant 2 : i32
      %shift_right_arithmetic3A_1716 = arith.shrsi %add3A_1500, %shift_right_arithmetic3A_1715 : i32
      %mul3A_1717 = arith.constant 16 : i32
      %mul3A_1718 = arith.muli %shift_right_arithmetic3A_1716, %mul3A_1717 : i32
      %multiple_of3A_1719 = tpu.assume_multiple %mul3A_1718, 16 : i32
      %swap3A_1720 = arith.index_cast %multiple_of3A_1719 : i32 to index
      %swap3A_1721 = tpu.vector_load %arg13[%swap3A_1720] {strides = array<i32>} : memref<544xf32, #tpu.memory_space<vmem>>, vector<16xf32>,
      tpu.vector_store %arg13[%swap3A_1720], %select_n3A_1714 {strides = array<i32>} : memref<544xf32, #tpu.memory_space<vmem>>, vector<16xf32>,
      %add3A_1722 = arith.constant 3 : i32
      %add3A_1723 = arith.addi %add3A_1500, %add3A_1722 : i32
      %mul3A_1724 = arith.constant 16 : i32
      %mul3A_1725 = arith.muli %add3A_1723, %mul3A_1724 : i32
      %multiple_of3A_1726 = tpu.assume_multiple %mul3A_1725, 16 : i32
      %get3A_1727 = arith.index_cast %multiple_of3A_1726 : i32 to index
      %get3A_1728 = tpu.vector_load %arg9[%get3A_1727] {strides = array<i32>} : memref<2112xi32, #tpu.memory_space<vmem>>, vector<16xi32>,
      %mul3A_1729 = arith.constant 16 : i32
      %mul3A_1730 = arith.muli %add3A_1723, %mul3A_1729 : i32
      %multiple_of3A_1731 = tpu.assume_multiple %mul3A_1730, 16 : i32
      %get3A_1732 = arith.index_cast %multiple_of3A_1731 : i32 to index
      %get3A_1733 = tpu.vector_load %arg10[%get3A_1732] {strides = array<i32>} : memref<2112xi32, #tpu.memory_space<vmem>>, vector<16xi32>,
      %slice3A_1734 = vector.extract_strided_slice %get3A_1728 {offsets = [0], sizes = [1], strides = [1]} : vector<16xi32> to vector<1xi32>
      %squeeze3A_1735 = vector.extract %slice3A_1734[0] : i32 from vector<1xi32>
      %shift_right_arithmetic3A_1736 = arith.constant 7 : i32
      %shift_right_arithmetic3A_1737 = arith.shrsi %squeeze3A_1735, %shift_right_arithmetic3A_1736 : i32
      %slice3A_1738 = vector.extract_strided_slice %get3A_1733 {offsets = [0], sizes = [1], strides = [1]} : vector<16xi32> to vector<1xi32>
      %squeeze3A_1739 = vector.extract %slice3A_1738[0] : i32 from vector<1xi32>
      %shift_right_arithmetic3A_1740 = arith.constant 7 : i32
      %shift_right_arithmetic3A_1741 = arith.shrsi %squeeze3A_1739, %shift_right_arithmetic3A_1740 : i32
      %mul3A_1742 = arith.constant 128 : i32
      %mul3A_1743 = arith.muli %shift_right_arithmetic3A_1737, %mul3A_1742 : i32
      %multiple_of3A_1744 = tpu.assume_multiple %mul3A_1743, 128 : i32
      %dma_start3A_1745 = arith.constant 256 : i32
      %dma_start3A_1746 = arith.constant 0 : i32
      %dma_start3A_1747 = tpu.memref_slice %arg11[%dma_start3A_1745, %dma_start3A_1746] : memref<384x128xf32, #tpu.memory_space<vmem>> -> memref<32x128xf32, #tpu.memory_space<vmem>>
      %dma_start3A_1748 = arith.constant 0 : i32
      %dma_start3A_1749 = tpu.memref_slice %arg4[%dma_start3A_1748, %multiple_of3A_1744] : memref<32x1000000xf32, #tpu.memory_space<hbm>> -> memref<32x128xf32, #tpu.memory_space<hbm>>
      %dma_start3A_1750 = arith.constant 256 : i32
      %dma_start3A_1751 = arith.constant 0 : i32
      %dma_start3A_1752 = tpu.memref_slice %arg11[%dma_start3A_1750, %dma_start3A_1751] : memref<384x128xf32, #tpu.memory_space<vmem>> -> memref<32x128xf32, #tpu.memory_space<vmem>>
      %dma_start3A_1753 = arith.constant 0 : i32
      %dma_start3A_1754 = tpu.memref_slice %arg4[%dma_start3A_1753, %multiple_of3A_1744] : memref<32x1000000xf32, #tpu.memory_space<hbm>> -> memref<32x128xf32, #tpu.memory_space<hbm>>
      tpu.enqueue_dma source(%dma_start3A_1754 : memref<32x128xf32, #tpu.memory_space<hbm>>) target(%dma_start3A_1752 : memref<32x128xf32, #tpu.memory_space<vmem>>) target_semaphore(%arg18 : memref<!tpu.dma_semaphore, #tpu.memory_space<semaphore_mem>>)
      %mul3A_1755 = arith.constant 128 : i32
      %mul3A_1756 = arith.muli %shift_right_arithmetic3A_1741, %mul3A_1755 : i32
      %multiple_of3A_1757 = tpu.assume_multiple %mul3A_1756, 128 : i32
      %dma_start3A_1758 = arith.constant 256 : i32
      %dma_start3A_1759 = arith.constant 0 : i32
      %dma_start3A_1760 = tpu.memref_slice %arg12[%dma_start3A_1758, %dma_start3A_1759] : memref<384x128xf32, #tpu.memory_space<vmem>> -> memref<32x128xf32, #tpu.memory_space<vmem>>
      %dma_start3A_1761 = arith.constant 0 : i32
      %dma_start3A_1762 = tpu.memref_slice %arg5[%dma_start3A_1761, %multiple_of3A_1757] : memref<32x1000000xf32, #tpu.memory_space<hbm>> -> memref<32x128xf32, #tpu.memory_space<hbm>>
      %dma_start3A_1763 = arith.constant 256 : i32
      %dma_start3A_1764 = arith.constant 0 : i32
      %dma_start3A_1765 = tpu.memref_slice %arg12[%dma_start3A_1763, %dma_start3A_1764] : memref<384x128xf32, #tpu.memory_space<vmem>> -> memref<32x128xf32, #tpu.memory_space<vmem>>
      %dma_start3A_1766 = arith.constant 0 : i32
      %dma_start3A_1767 = tpu.memref_slice %arg5[%dma_start3A_1766, %multiple_of3A_1757] : memref<32x1000000xf32, #tpu.memory_space<hbm>> -> memref<32x128xf32, #tpu.memory_space<hbm>>
      tpu.enqueue_dma source(%dma_start3A_1767 : memref<32x128xf32, #tpu.memory_space<hbm>>) target(%dma_start3A_1765 : memref<32x128xf32, #tpu.memory_space<vmem>>) target_semaphore(%arg19 : memref<!tpu.dma_semaphore, #tpu.memory_space<semaphore_mem>>)
      %slice3A_1768 = vector.extract_strided_slice %get3A_1728 {offsets = [1], sizes = [1], strides = [1]} : vector<16xi32> to vector<1xi32>
      %squeeze3A_1769 = vector.extract %slice3A_1768[0] : i32 from vector<1xi32>
      %shift_right_arithmetic3A_1770 = arith.constant 7 : i32
      %shift_right_arithmetic3A_1771 = arith.shrsi %squeeze3A_1769, %shift_right_arithmetic3A_1770 : i32
      %slice3A_1772 = vector.extract_strided_slice %get3A_1733 {offsets = [1], sizes = [1], strides = [1]} : vector<16xi32> to vector<1xi32>
      %squeeze3A_1773 = vector.extract %slice3A_1772[0] : i32 from vector<1xi32>
      %shift_right_arithmetic3A_1774 = arith.constant 7 : i32
      %shift_right_arithmetic3A_1775 = arith.shrsi %squeeze3A_1773, %shift_right_arithmetic3A_1774 : i32
      %mul3A_1776 = arith.constant 128 : i32
      %mul3A_1777 = arith.muli %shift_right_arithmetic3A_1771, %mul3A_1776 : i32
      %multiple_of3A_1778 = tpu.assume_multiple %mul3A_1777, 128 : i32
      %dma_start3A_1779 = arith.constant 288 : i32
      %dma_start3A_1780 = arith.constant 0 : i32
      %dma_start3A_1781 = tpu.memref_slice %arg11[%dma_start3A_1779, %dma_start3A_1780] : memref<384x128xf32, #tpu.memory_space<vmem>> -> memref<32x128xf32, #tpu.memory_space<vmem>>
      %dma_start3A_1782 = arith.constant 0 : i32
      %dma_start3A_1783 = tpu.memref_slice %arg4[%dma_start3A_1782, %multiple_of3A_1778] : memref<32x1000000xf32, #tpu.memory_space<hbm>> -> memref<32x128xf32, #tpu.memory_space<hbm>>
      %dma_start3A_1784 = arith.constant 288 : i32
      %dma_start3A_1785 = arith.constant 0 : i32
      %dma_start3A_1786 = tpu.memref_slice %arg11[%dma_start3A_1784, %dma_start3A_1785] : memref<384x128xf32, #tpu.memory_space<vmem>> -> memref<32x128xf32, #tpu.memory_space<vmem>>
      %dma_start3A_1787 = arith.constant 0 : i32
      %dma_start3A_1788 = tpu.memref_slice %arg4[%dma_start3A_1787, %multiple_of3A_1778] : memref<32x1000000xf32, #tpu.memory_space<hbm>> -> memref<32x128xf32, #tpu.memory_space<hbm>>
      tpu.enqueue_dma source(%dma_start3A_1788 : memref<32x128xf32, #tpu.memory_space<hbm>>) target(%dma_start3A_1786 : memref<32x128xf32, #tpu.memory_space<vmem>>) target_semaphore(%arg18 : memref<!tpu.dma_semaphore, #tpu.memory_space<semaphore_mem>>)
      %mul3A_1789 = arith.constant 128 : i32
      %mul3A_1790 = arith.muli %shift_right_arithmetic3A_1775, %mul3A_1789 : i32
      %multiple_of3A_1791 = tpu.assume_multiple %mul3A_1790, 128 : i32
      %dma_start3A_1792 = arith.constant 288 : i32
      %dma_start3A_1793 = arith.constant 0 : i32
      %dma_start3A_1794 = tpu.memref_slice %arg12[%dma_start3A_1792, %dma_start3A_1793] : memref<384x128xf32, #tpu.memory_space<vmem>> -> memref<32x128xf32, #tpu.memory_space<vmem>>
      %dma_start3A_1795 = arith.constant 0 : i32
      %dma_start3A_1796 = tpu.memref_slice %arg5[%dma_start3A_1795, %multiple_of3A_1791] : memref<32x1000000xf32, #tpu.memory_space<hbm>> -> memref<32x128xf32, #tpu.memory_space<hbm>>
      %dma_start3A_1797 = arith.constant 288 : i32
      %dma_start3A_1798 = arith.constant 0 : i32
      %dma_start3A_1799 = tpu.memref_slice %arg12[%dma_start3A_1797, %dma_start3A_1798] : memref<384x128xf32, #tpu.memory_space<vmem>> -> memref<32x128xf32, #tpu.memory_space<vmem>>
      %dma_start3A_1800 = arith.constant 0 : i32
      %dma_start3A_1801 = tpu.memref_slice %arg5[%dma_start3A_1800, %multiple_of3A_1791] : memref<32x1000000xf32, #tpu.memory_space<hbm>> -> memref<32x128xf32, #tpu.memory_space<hbm>>
      tpu.enqueue_dma source(%dma_start3A_1801 : memref<32x128xf32, #tpu.memory_space<hbm>>) target(%dma_start3A_1799 : memref<32x128xf32, #tpu.memory_space<vmem>>) target_semaphore(%arg19 : memref<!tpu.dma_semaphore, #tpu.memory_space<semaphore_mem>>)
      %slice3A_1802 = vector.extract_strided_slice %get3A_1728 {offsets = [2], sizes = [1], strides = [1]} : vector<16xi32> to vector<1xi32>
      %squeeze3A_1803 = vector.extract %slice3A_1802[0] : i32 from vector<1xi32>
      %shift_right_arithmetic3A_1804 = arith.constant 7 : i32
      %shift_right_arithmetic3A_1805 = arith.shrsi %squeeze3A_1803, %shift_right_arithmetic3A_1804 : i32
      %slice3A_1806 = vector.extract_strided_slice %get3A_1733 {offsets = [2], sizes = [1], strides = [1]} : vector<16xi32> to vector<1xi32>
      %squeeze3A_1807 = vector.extract %slice3A_1806[0] : i32 from vector<1xi32>
      %shift_right_arithmetic3A_1808 = arith.constant 7 : i32
      %shift_right_arithmetic3A_1809 = arith.shrsi %squeeze3A_1807, %shift_right_arithmetic3A_1808 : i32
      %mul3A_1810 = arith.constant 128 : i32
      %mul3A_1811 = arith.muli %shift_right_arithmetic3A_1805, %mul3A_1810 : i32
      %multiple_of3A_1812 = tpu.assume_multiple %mul3A_1811, 128 : i32
      %dma_start3A_1813 = arith.constant 320 : i32
      %dma_start3A_1814 = arith.constant 0 : i32
      %dma_start3A_1815 = tpu.memref_slice %arg11[%dma_start3A_1813, %dma_start3A_1814] : memref<384x128xf32, #tpu.memory_space<vmem>> -> memref<32x128xf32, #tpu.memory_space<vmem>>
      %dma_start3A_1816 = arith.constant 0 : i32
      %dma_start3A_1817 = tpu.memref_slice %arg4[%dma_start3A_1816, %multiple_of3A_1812] : memref<32x1000000xf32, #tpu.memory_space<hbm>> -> memref<32x128xf32, #tpu.memory_space<hbm>>
      %dma_start3A_1818 = arith.constant 320 : i32
      %dma_start3A_1819 = arith.constant 0 : i32
      %dma_start3A_1820 = tpu.memref_slice %arg11[%dma_start3A_1818, %dma_start3A_1819] : memref<384x128xf32, #tpu.memory_space<vmem>> -> memref<32x128xf32, #tpu.memory_space<vmem>>
      %dma_start3A_1821 = arith.constant 0 : i32
      %dma_start3A_1822 = tpu.memref_slice %arg4[%dma_start3A_1821, %multiple_of3A_1812] : memref<32x1000000xf32, #tpu.memory_space<hbm>> -> memref<32x128xf32, #tpu.memory_space<hbm>>
      tpu.enqueue_dma source(%dma_start3A_1822 : memref<32x128xf32, #tpu.memory_space<hbm>>) target(%dma_start3A_1820 : memref<32x128xf32, #tpu.memory_space<vmem>>) target_semaphore(%arg18 : memref<!tpu.dma_semaphore, #tpu.memory_space<semaphore_mem>>)
      %mul3A_1823 = arith.constant 128 : i32
      %mul3A_1824 = arith.muli %shift_right_arithmetic3A_1809, %mul3A_1823 : i32
      %multiple_of3A_1825 = tpu.assume_multiple %mul3A_1824, 128 : i32
      %dma_start3A_1826 = arith.constant 320 : i32
      %dma_start3A_1827 = arith.constant 0 : i32
      %dma_start3A_1828 = tpu.memref_slice %arg12[%dma_start3A_1826, %dma_start3A_1827] : memref<384x128xf32, #tpu.memory_space<vmem>> -> memref<32x128xf32, #tpu.memory_space<vmem>>
      %dma_start3A_1829 = arith.constant 0 : i32
      %dma_start3A_1830 = tpu.memref_slice %arg5[%dma_start3A_1829, %multiple_of3A_1825] : memref<32x1000000xf32, #tpu.memory_space<hbm>> -> memref<32x128xf32, #tpu.memory_space<hbm>>
      %dma_start3A_1831 = arith.constant 320 : i32
      %dma_start3A_1832 = arith.constant 0 : i32
      %dma_start3A_1833 = tpu.memref_slice %arg12[%dma_start3A_1831, %dma_start3A_1832] : memref<384x128xf32, #tpu.memory_space<vmem>> -> memref<32x128xf32, #tpu.memory_space<vmem>>
      %dma_start3A_1834 = arith.constant 0 : i32
      %dma_start3A_1835 = tpu.memref_slice %arg5[%dma_start3A_1834, %multiple_of3A_1825] : memref<32x1000000xf32, #tpu.memory_space<hbm>> -> memref<32x128xf32, #tpu.memory_space<hbm>>
      tpu.enqueue_dma source(%dma_start3A_1835 : memref<32x128xf32, #tpu.memory_space<hbm>>) target(%dma_start3A_1833 : memref<32x128xf32, #tpu.memory_space<vmem>>) target_semaphore(%arg19 : memref<!tpu.dma_semaphore, #tpu.memory_space<semaphore_mem>>)
      %slice3A_1836 = vector.extract_strided_slice %get3A_1728 {offsets = [3], sizes = [1], strides = [1]} : vector<16xi32> to vector<1xi32>
      %squeeze3A_1837 = vector.extract %slice3A_1836[0] : i32 from vector<1xi32>
      %shift_right_arithmetic3A_1838 = arith.constant 7 : i32
      %shift_right_arithmetic3A_1839 = arith.shrsi %squeeze3A_1837, %shift_right_arithmetic3A_1838 : i32
      %slice3A_1840 = vector.extract_strided_slice %get3A_1733 {offsets = [3], sizes = [1], strides = [1]} : vector<16xi32> to vector<1xi32>
      %squeeze3A_1841 = vector.extract %slice3A_1840[0] : i32 from vector<1xi32>
      %shift_right_arithmetic3A_1842 = arith.constant 7 : i32
      %shift_right_arithmetic3A_1843 = arith.shrsi %squeeze3A_1841, %shift_right_arithmetic3A_1842 : i32
      %mul3A_1844 = arith.constant 128 : i32
      %mul3A_1845 = arith.muli %shift_right_arithmetic3A_1839, %mul3A_1844 : i32
      %multiple_of3A_1846 = tpu.assume_multiple %mul3A_1845, 128 : i32
      %dma_start3A_1847 = arith.constant 352 : i32
      %dma_start3A_1848 = arith.constant 0 : i32
      %dma_start3A_1849 = tpu.memref_slice %arg11[%dma_start3A_1847, %dma_start3A_1848] : memref<384x128xf32, #tpu.memory_space<vmem>> -> memref<32x128xf32, #tpu.memory_space<vmem>>
      %dma_start3A_1850 = arith.constant 0 : i32
      %dma_start3A_1851 = tpu.memref_slice %arg4[%dma_start3A_1850, %multiple_of3A_1846] : memref<32x1000000xf32, #tpu.memory_space<hbm>> -> memref<32x128xf32, #tpu.memory_space<hbm>>
      %dma_start3A_1852 = arith.constant 352 : i32
      %dma_start3A_1853 = arith.constant 0 : i32
      %dma_start3A_1854 = tpu.memref_slice %arg11[%dma_start3A_1852, %dma_start3A_1853] : memref<384x128xf32, #tpu.memory_space<vmem>> -> memref<32x128xf32, #tpu.memory_space<vmem>>
      %dma_start3A_1855 = arith.constant 0 : i32
      %dma_start3A_1856 = tpu.memref_slice %arg4[%dma_start3A_1855, %multiple_of3A_1846] : memref<32x1000000xf32, #tpu.memory_space<hbm>> -> memref<32x128xf32, #tpu.memory_space<hbm>>
      tpu.enqueue_dma source(%dma_start3A_1856 : memref<32x128xf32, #tpu.memory_space<hbm>>) target(%dma_start3A_1854 : memref<32x128xf32, #tpu.memory_space<vmem>>) target_semaphore(%arg18 : memref<!tpu.dma_semaphore, #tpu.memory_space<semaphore_mem>>)
      %mul3A_1857 = arith.constant 128 : i32
      %mul3A_1858 = arith.muli %shift_right_arithmetic3A_1843, %mul3A_1857 : i32
      %multiple_of3A_1859 = tpu.assume_multiple %mul3A_1858, 128 : i32
      %dma_start3A_1860 = arith.constant 352 : i32
      %dma_start3A_1861 = arith.constant 0 : i32
      %dma_start3A_1862 = tpu.memref_slice %arg12[%dma_start3A_1860, %dma_start3A_1861] : memref<384x128xf32, #tpu.memory_space<vmem>> -> memref<32x128xf32, #tpu.memory_space<vmem>>
      %dma_start3A_1863 = arith.constant 0 : i32
      %dma_start3A_1864 = tpu.memref_slice %arg5[%dma_start3A_1863, %multiple_of3A_1859] : memref<32x1000000xf32, #tpu.memory_space<hbm>> -> memref<32x128xf32, #tpu.memory_space<hbm>>
      %dma_start3A_1865 = arith.constant 352 : i32
      %dma_start3A_1866 = arith.constant 0 : i32
      %dma_start3A_1867 = tpu.memref_slice %arg12[%dma_start3A_1865, %dma_start3A_1866] : memref<384x128xf32, #tpu.memory_space<vmem>> -> memref<32x128xf32, #tpu.memory_space<vmem>>
      %dma_start3A_1868 = arith.constant 0 : i32
      %dma_start3A_1869 = tpu.memref_slice %arg5[%dma_start3A_1868, %multiple_of3A_1859] : memref<32x1000000xf32, #tpu.memory_space<hbm>> -> memref<32x128xf32, #tpu.memory_space<hbm>>
      tpu.enqueue_dma source(%dma_start3A_1869 : memref<32x128xf32, #tpu.memory_space<hbm>>) target(%dma_start3A_1867 : memref<32x128xf32, #tpu.memory_space<vmem>>) target_semaphore(%arg19 : memref<!tpu.dma_semaphore, #tpu.memory_space<semaphore_mem>>)
      scf.yield %select_n3A_1714 : vector<16xf32>
    }
    %scan3A_466 = arith.constant 43 : i32
    %dma_wait3A = arith.constant 0 : i32
    %dma_wait3A_467 = arith.constant 0 : i32
    %dma_wait3A_468 = tpu.memref_slice %arg11[%dma_wait3A, %dma_wait3A_467] : memref<384x128xf32, #tpu.memory_space<vmem>> -> memref<32x128xf32, #tpu.memory_space<vmem>>
    %dma_wait3A_469 = arith.constant 0 : i32
    %dma_wait3A_470 = arith.constant 0 : i32
    %dma_wait3A_471 = tpu.memref_slice %arg4[%dma_wait3A_469, %dma_wait3A_470] : memref<32x1000000xf32, #tpu.memory_space<hbm>> -> memref<32x128xf32, #tpu.memory_space<hbm>>
    %dma_wait3A_472 = arith.constant 0 : i32
    %dma_wait3A_473 = arith.constant 0 : i32
    %dma_wait3A_474 = tpu.memref_slice %arg11[%dma_wait3A_472, %dma_wait3A_473] : memref<384x128xf32, #tpu.memory_space<vmem>> -> memref<32x128xf32, #tpu.memory_space<vmem>>
    %dma_wait3A_475 = arith.constant 0 : i32
    %dma_wait3A_476 = arith.constant 0 : i32
    %dma_wait3A_477 = tpu.memref_slice %arg4[%dma_wait3A_475, %dma_wait3A_476] : memref<32x1000000xf32, #tpu.memory_space<hbm>> -> memref<32x128xf32, #tpu.memory_space<hbm>>
    tpu.wait_dma2 semaphore(%arg14 : memref<!tpu.dma_semaphore, #tpu.memory_space<semaphore_mem>>) src(%dma_wait3A_477 : memref<32x128xf32, #tpu.memory_space<hbm>>) dst(%dma_wait3A_474 : memref<32x128xf32, #tpu.memory_space<vmem>>)
    %dma_wait3A_478 = arith.constant 0 : i32
    %dma_wait3A_479 = arith.constant 0 : i32
    %dma_wait3A_480 = tpu.memref_slice %arg12[%dma_wait3A_478, %dma_wait3A_479] : memref<384x128xf32, #tpu.memory_space<vmem>> -> memref<32x128xf32, #tpu.memory_space<vmem>>
    %dma_wait3A_481 = arith.constant 0 : i32
    %dma_wait3A_482 = arith.constant 0 : i32
    %dma_wait3A_483 = tpu.memref_slice %arg5[%dma_wait3A_481, %dma_wait3A_482] : memref<32x1000000xf32, #tpu.memory_space<hbm>> -> memref<32x128xf32, #tpu.memory_space<hbm>>
    %dma_wait3A_484 = arith.constant 0 : i32
    %dma_wait3A_485 = arith.constant 0 : i32
    %dma_wait3A_486 = tpu.memref_slice %arg12[%dma_wait3A_484, %dma_wait3A_485] : memref<384x128xf32, #tpu.memory_space<vmem>> -> memref<32x128xf32, #tpu.memory_space<vmem>>
    %dma_wait3A_487 = arith.constant 0 : i32
    %dma_wait3A_488 = arith.constant 0 : i32
    %dma_wait3A_489 = tpu.memref_slice %arg5[%dma_wait3A_487, %dma_wait3A_488] : memref<32x1000000xf32, #tpu.memory_space<hbm>> -> memref<32x128xf32, #tpu.memory_space<hbm>>
    tpu.wait_dma2 semaphore(%arg15 : memref<!tpu.dma_semaphore, #tpu.memory_space<semaphore_mem>>) src(%dma_wait3A_489 : memref<32x128xf32, #tpu.memory_space<hbm>>) dst(%dma_wait3A_486 : memref<32x128xf32, #tpu.memory_space<vmem>>)
    %dma_wait3A_490 = arith.constant 0 : i32
    %dma_wait3A_491 = arith.constant 0 : i32
    %dma_wait3A_492 = tpu.memref_slice %arg11[%dma_wait3A_490, %dma_wait3A_491] : memref<384x128xf32, #tpu.memory_space<vmem>> -> memref<32x128xf32, #tpu.memory_space<vmem>>
    %dma_wait3A_493 = arith.constant 0 : i32
    %dma_wait3A_494 = arith.constant 0 : i32
    %dma_wait3A_495 = tpu.memref_slice %arg4[%dma_wait3A_493, %dma_wait3A_494] : memref<32x1000000xf32, #tpu.memory_space<hbm>> -> memref<32x128xf32, #tpu.memory_space<hbm>>
    %dma_wait3A_496 = arith.constant 0 : i32
    %dma_wait3A_497 = arith.constant 0 : i32
    %dma_wait3A_498 = tpu.memref_slice %arg11[%dma_wait3A_496, %dma_wait3A_497] : memref<384x128xf32, #tpu.memory_space<vmem>> -> memref<32x128xf32, #tpu.memory_space<vmem>>
    %dma_wait3A_499 = arith.constant 0 : i32
    %dma_wait3A_500 = arith.constant 0 : i32
    %dma_wait3A_501 = tpu.memref_slice %arg4[%dma_wait3A_499, %dma_wait3A_500] : memref<32x1000000xf32, #tpu.memory_space<hbm>> -> memref<32x128xf32, #tpu.memory_space<hbm>>
    tpu.wait_dma2 semaphore(%arg14 : memref<!tpu.dma_semaphore, #tpu.memory_space<semaphore_mem>>) src(%dma_wait3A_501 : memref<32x128xf32, #tpu.memory_space<hbm>>) dst(%dma_wait3A_498 : memref<32x128xf32, #tpu.memory_space<vmem>>)
    %dma_wait3A_502 = arith.constant 0 : i32
    %dma_wait3A_503 = arith.constant 0 : i32
    %dma_wait3A_504 = tpu.memref_slice %arg12[%dma_wait3A_502, %dma_wait3A_503] : memref<384x128xf32, #tpu.memory_space<vmem>> -> memref<32x128xf32, #tpu.memory_space<vmem>>
    %dma_wait3A_505 = arith.constant 0 : i32
    %dma_wait3A_506 = arith.constant 0 : i32
    %dma_wait3A_507 = tpu.memref_slice %arg5[%dma_wait3A_505, %dma_wait3A_506] : memref<32x1000000xf32, #tpu.memory_space<hbm>> -> memref<32x128xf32, #tpu.memory_space<hbm>>
    %dma_wait3A_508 = arith.constant 0 : i32
    %dma_wait3A_509 = arith.constant 0 : i32
    %dma_wait3A_510 = tpu.memref_slice %arg12[%dma_wait3A_508, %dma_wait3A_509] : memref<384x128xf32, #tpu.memory_space<vmem>> -> memref<32x128xf32, #tpu.memory_space<vmem>>
    %dma_wait3A_511 = arith.constant 0 : i32
    %dma_wait3A_512 = arith.constant 0 : i32
    %dma_wait3A_513 = tpu.memref_slice %arg5[%dma_wait3A_511, %dma_wait3A_512] : memref<32x1000000xf32, #tpu.memory_space<hbm>> -> memref<32x128xf32, #tpu.memory_space<hbm>>
    tpu.wait_dma2 semaphore(%arg15 : memref<!tpu.dma_semaphore, #tpu.memory_space<semaphore_mem>>) src(%dma_wait3A_513 : memref<32x128xf32, #tpu.memory_space<hbm>>) dst(%dma_wait3A_510 : memref<32x128xf32, #tpu.memory_space<vmem>>)
    %dma_wait3A_514 = arith.constant 0 : i32
    %dma_wait3A_515 = arith.constant 0 : i32
    %dma_wait3A_516 = tpu.memref_slice %arg11[%dma_wait3A_514, %dma_wait3A_515] : memref<384x128xf32, #tpu.memory_space<vmem>> -> memref<32x128xf32, #tpu.memory_space<vmem>>
    %dma_wait3A_517 = arith.constant 0 : i32
    %dma_wait3A_518 = arith.constant 0 : i32
    %dma_wait3A_519 = tpu.memref_slice %arg4[%dma_wait3A_517, %dma_wait3A_518] : memref<32x1000000xf32, #tpu.memory_space<hbm>> -> memref<32x128xf32, #tpu.memory_space<hbm>>
    %dma_wait3A_520 = arith.constant 0 : i32
    %dma_wait3A_521 = arith.constant 0 : i32
    %dma_wait3A_522 = tpu.memref_slice %arg11[%dma_wait3A_520, %dma_wait3A_521] : memref<384x128xf32, #tpu.memory_space<vmem>> -> memref<32x128xf32, #tpu.memory_space<vmem>>
    %dma_wait3A_523 = arith.constant 0 : i32
    %dma_wait3A_524 = arith.constant 0 : i32
    %dma_wait3A_525 = tpu.memref_slice %arg4[%dma_wait3A_523, %dma_wait3A_524] : memref<32x1000000xf32, #tpu.memory_space<hbm>> -> memref<32x128xf32, #tpu.memory_space<hbm>>
    tpu.wait_dma2 semaphore(%arg14 : memref<!tpu.dma_semaphore, #tpu.memory_space<semaphore_mem>>) src(%dma_wait3A_525 : memref<32x128xf32, #tpu.memory_space<hbm>>) dst(%dma_wait3A_522 : memref<32x128xf32, #tpu.memory_space<vmem>>)
    %dma_wait3A_526 = arith.constant 0 : i32
    %dma_wait3A_527 = arith.constant 0 : i32
    %dma_wait3A_528 = tpu.memref_slice %arg12[%dma_wait3A_526, %dma_wait3A_527] : memref<384x128xf32, #tpu.memory_space<vmem>> -> memref<32x128xf32, #tpu.memory_space<vmem>>
    %dma_wait3A_529 = arith.constant 0 : i32
    %dma_wait3A_530 = arith.constant 0 : i32
    %dma_wait3A_531 = tpu.memref_slice %arg5[%dma_wait3A_529, %dma_wait3A_530] : memref<32x1000000xf32, #tpu.memory_space<hbm>> -> memref<32x128xf32, #tpu.memory_space<hbm>>
    %dma_wait3A_532 = arith.constant 0 : i32
    %dma_wait3A_533 = arith.constant 0 : i32
    %dma_wait3A_534 = tpu.memref_slice %arg12[%dma_wait3A_532, %dma_wait3A_533] : memref<384x128xf32, #tpu.memory_space<vmem>> -> memref<32x128xf32, #tpu.memory_space<vmem>>
    %dma_wait3A_535 = arith.constant 0 : i32
    %dma_wait3A_536 = arith.constant 0 : i32
    %dma_wait3A_537 = tpu.memref_slice %arg5[%dma_wait3A_535, %dma_wait3A_536] : memref<32x1000000xf32, #tpu.memory_space<hbm>> -> memref<32x128xf32, #tpu.memory_space<hbm>>
    tpu.wait_dma2 semaphore(%arg15 : memref<!tpu.dma_semaphore, #tpu.memory_space<semaphore_mem>>) src(%dma_wait3A_537 : memref<32x128xf32, #tpu.memory_space<hbm>>) dst(%dma_wait3A_534 : memref<32x128xf32, #tpu.memory_space<vmem>>)
    %dma_wait3A_538 = arith.constant 0 : i32
    %dma_wait3A_539 = arith.constant 0 : i32
    %dma_wait3A_540 = tpu.memref_slice %arg11[%dma_wait3A_538, %dma_wait3A_539] : memref<384x128xf32, #tpu.memory_space<vmem>> -> memref<32x128xf32, #tpu.memory_space<vmem>>
    %dma_wait3A_541 = arith.constant 0 : i32
    %dma_wait3A_542 = arith.constant 0 : i32
    %dma_wait3A_543 = tpu.memref_slice %arg4[%dma_wait3A_541, %dma_wait3A_542] : memref<32x1000000xf32, #tpu.memory_space<hbm>> -> memref<32x128xf32, #tpu.memory_space<hbm>>
    %dma_wait3A_544 = arith.constant 0 : i32
    %dma_wait3A_545 = arith.constant 0 : i32
    %dma_wait3A_546 = tpu.memref_slice %arg11[%dma_wait3A_544, %dma_wait3A_545] : memref<384x128xf32, #tpu.memory_space<vmem>> -> memref<32x128xf32, #tpu.memory_space<vmem>>
    %dma_wait3A_547 = arith.constant 0 : i32
    %dma_wait3A_548 = arith.constant 0 : i32
    %dma_wait3A_549 = tpu.memref_slice %arg4[%dma_wait3A_547, %dma_wait3A_548] : memref<32x1000000xf32, #tpu.memory_space<hbm>> -> memref<32x128xf32, #tpu.memory_space<hbm>>
    tpu.wait_dma2 semaphore(%arg14 : memref<!tpu.dma_semaphore, #tpu.memory_space<semaphore_mem>>) src(%dma_wait3A_549 : memref<32x128xf32, #tpu.memory_space<hbm>>) dst(%dma_wait3A_546 : memref<32x128xf32, #tpu.memory_space<vmem>>)
    %dma_wait3A_550 = arith.constant 0 : i32
    %dma_wait3A_551 = arith.constant 0 : i32
    %dma_wait3A_552 = tpu.memref_slice %arg12[%dma_wait3A_550, %dma_wait3A_551] : memref<384x128xf32, #tpu.memory_space<vmem>> -> memref<32x128xf32, #tpu.memory_space<vmem>>
    %dma_wait3A_553 = arith.constant 0 : i32
    %dma_wait3A_554 = arith.constant 0 : i32
    %dma_wait3A_555 = tpu.memref_slice %arg5[%dma_wait3A_553, %dma_wait3A_554] : memref<32x1000000xf32, #tpu.memory_space<hbm>> -> memref<32x128xf32, #tpu.memory_space<hbm>>
    %dma_wait3A_556 = arith.constant 0 : i32
    %dma_wait3A_557 = arith.constant 0 : i32
    %dma_wait3A_558 = tpu.memref_slice %arg12[%dma_wait3A_556, %dma_wait3A_557] : memref<384x128xf32, #tpu.memory_space<vmem>> -> memref<32x128xf32, #tpu.memory_space<vmem>>
    %dma_wait3A_559 = arith.constant 0 : i32
    %dma_wait3A_560 = arith.constant 0 : i32
    %dma_wait3A_561 = tpu.memref_slice %arg5[%dma_wait3A_559, %dma_wait3A_560] : memref<32x1000000xf32, #tpu.memory_space<hbm>> -> memref<32x128xf32, #tpu.memory_space<hbm>>
    tpu.wait_dma2 semaphore(%arg15 : memref<!tpu.dma_semaphore, #tpu.memory_space<semaphore_mem>>) src(%dma_wait3A_561 : memref<32x128xf32, #tpu.memory_space<hbm>>) dst(%dma_wait3A_558 : memref<32x128xf32, #tpu.memory_space<vmem>>)
    %dma_wait3A_562 = arith.constant 0 : i32
    %dma_wait3A_563 = arith.constant 0 : i32
    %dma_wait3A_564 = tpu.memref_slice %arg11[%dma_wait3A_562, %dma_wait3A_563] : memref<384x128xf32, #tpu.memory_space<vmem>> -> memref<32x128xf32, #tpu.memory_space<vmem>>
    %dma_wait3A_565 = arith.constant 0 : i32
    %dma_wait3A_566 = arith.constant 0 : i32
    %dma_wait3A_567 = tpu.memref_slice %arg4[%dma_wait3A_565, %dma_wait3A_566] : memref<32x1000000xf32, #tpu.memory_space<hbm>> -> memref<32x128xf32, #tpu.memory_space<hbm>>
    %dma_wait3A_568 = arith.constant 0 : i32
    %dma_wait3A_569 = arith.constant 0 : i32
    %dma_wait3A_570 = tpu.memref_slice %arg11[%dma_wait3A_568, %dma_wait3A_569] : memref<384x128xf32, #tpu.memory_space<vmem>> -> memref<32x128xf32, #tpu.memory_space<vmem>>
    %dma_wait3A_571 = arith.constant 0 : i32
    %dma_wait3A_572 = arith.constant 0 : i32
    %dma_wait3A_573 = tpu.memref_slice %arg4[%dma_wait3A_571, %dma_wait3A_572] : memref<32x1000000xf32, #tpu.memory_space<hbm>> -> memref<32x128xf32, #tpu.memory_space<hbm>>
    tpu.wait_dma2 semaphore(%arg16 : memref<!tpu.dma_semaphore, #tpu.memory_space<semaphore_mem>>) src(%dma_wait3A_573 : memref<32x128xf32, #tpu.memory_space<hbm>>) dst(%dma_wait3A_570 : memref<32x128xf32, #tpu.memory_space<vmem>>)
    %dma_wait3A_574 = arith.constant 0 : i32
    %dma_wait3A_575 = arith.constant 0 : i32
    %dma_wait3A_576 = tpu.memref_slice %arg12[%dma_wait3A_574, %dma_wait3A_575] : memref<384x128xf32, #tpu.memory_space<vmem>> -> memref<32x128xf32, #tpu.memory_space<vmem>>
    %dma_wait3A_577 = arith.constant 0 : i32
    %dma_wait3A_578 = arith.constant 0 : i32
    %dma_wait3A_579 = tpu.memref_slice %arg5[%dma_wait3A_577, %dma_wait3A_578] : memref<32x1000000xf32, #tpu.memory_space<hbm>> -> memref<32x128xf32, #tpu.memory_space<hbm>>
    %dma_wait3A_580 = arith.constant 0 : i32
    %dma_wait3A_581 = arith.constant 0 : i32
    %dma_wait3A_582 = tpu.memref_slice %arg12[%dma_wait3A_580, %dma_wait3A_581] : memref<384x128xf32, #tpu.memory_space<vmem>> -> memref<32x128xf32, #tpu.memory_space<vmem>>
    %dma_wait3A_583 = arith.constant 0 : i32
    %dma_wait3A_584 = arith.constant 0 : i32
    %dma_wait3A_585 = tpu.memref_slice %arg5[%dma_wait3A_583, %dma_wait3A_584] : memref<32x1000000xf32, #tpu.memory_space<hbm>> -> memref<32x128xf32, #tpu.memory_space<hbm>>
    tpu.wait_dma2 semaphore(%arg17 : memref<!tpu.dma_semaphore, #tpu.memory_space<semaphore_mem>>) src(%dma_wait3A_585 : memref<32x128xf32, #tpu.memory_space<hbm>>) dst(%dma_wait3A_582 : memref<32x128xf32, #tpu.memory_space<vmem>>)
    %dma_wait3A_586 = arith.constant 0 : i32
    %dma_wait3A_587 = arith.constant 0 : i32
    %dma_wait3A_588 = tpu.memref_slice %arg11[%dma_wait3A_586, %dma_wait3A_587] : memref<384x128xf32, #tpu.memory_space<vmem>> -> memref<32x128xf32, #tpu.memory_space<vmem>>
    %dma_wait3A_589 = arith.constant 0 : i32
    %dma_wait3A_590 = arith.constant 0 : i32
    %dma_wait3A_591 = tpu.memref_slice %arg4[%dma_wait3A_589, %dma_wait3A_590] : memref<32x1000000xf32, #tpu.memory_space<hbm>> -> memref<32x128xf32, #tpu.memory_space<hbm>>
    %dma_wait3A_592 = arith.constant 0 : i32
    %dma_wait3A_593 = arith.constant 0 : i32
    %dma_wait3A_594 = tpu.memref_slice %arg11[%dma_wait3A_592, %dma_wait3A_593] : memref<384x128xf32, #tpu.memory_space<vmem>> -> memref<32x128xf32, #tpu.memory_space<vmem>>
    %dma_wait3A_595 = arith.constant 0 : i32
    %dma_wait3A_596 = arith.constant 0 : i32
    %dma_wait3A_597 = tpu.memref_slice %arg4[%dma_wait3A_595, %dma_wait3A_596] : memref<32x1000000xf32, #tpu.memory_space<hbm>> -> memref<32x128xf32, #tpu.memory_space<hbm>>
    tpu.wait_dma2 semaphore(%arg16 : memref<!tpu.dma_semaphore, #tpu.memory_space<semaphore_mem>>) src(%dma_wait3A_597 : memref<32x128xf32, #tpu.memory_space<hbm>>) dst(%dma_wait3A_594 : memref<32x128xf32, #tpu.memory_space<vmem>>)
    %dma_wait3A_598 = arith.constant 0 : i32
    %dma_wait3A_599 = arith.constant 0 : i32
    %dma_wait3A_600 = tpu.memref_slice %arg12[%dma_wait3A_598, %dma_wait3A_599] : memref<384x128xf32, #tpu.memory_space<vmem>> -> memref<32x128xf32, #tpu.memory_space<vmem>>
    %dma_wait3A_601 = arith.constant 0 : i32
    %dma_wait3A_602 = arith.constant 0 : i32
    %dma_wait3A_603 = tpu.memref_slice %arg5[%dma_wait3A_601, %dma_wait3A_602] : memref<32x1000000xf32, #tpu.memory_space<hbm>> -> memref<32x128xf32, #tpu.memory_space<hbm>>
    %dma_wait3A_604 = arith.constant 0 : i32
    %dma_wait3A_605 = arith.constant 0 : i32
    %dma_wait3A_606 = tpu.memref_slice %arg12[%dma_wait3A_604, %dma_wait3A_605] : memref<384x128xf32, #tpu.memory_space<vmem>> -> memref<32x128xf32, #tpu.memory_space<vmem>>
    %dma_wait3A_607 = arith.constant 0 : i32
    %dma_wait3A_608 = arith.constant 0 : i32
    %dma_wait3A_609 = tpu.memref_slice %arg5[%dma_wait3A_607, %dma_wait3A_608] : memref<32x1000000xf32, #tpu.memory_space<hbm>> -> memref<32x128xf32, #tpu.memory_space<hbm>>
    tpu.wait_dma2 semaphore(%arg17 : memref<!tpu.dma_semaphore, #tpu.memory_space<semaphore_mem>>) src(%dma_wait3A_609 : memref<32x128xf32, #tpu.memory_space<hbm>>) dst(%dma_wait3A_606 : memref<32x128xf32, #tpu.memory_space<vmem>>)
    %dma_wait3A_610 = arith.constant 0 : i32
    %dma_wait3A_611 = arith.constant 0 : i32
    %dma_wait3A_612 = tpu.memref_slice %arg11[%dma_wait3A_610, %dma_wait3A_611] : memref<384x128xf32, #tpu.memory_space<vmem>> -> memref<32x128xf32, #tpu.memory_space<vmem>>
    %dma_wait3A_613 = arith.constant 0 : i32
    %dma_wait3A_614 = arith.constant 0 : i32
    %dma_wait3A_615 = tpu.memref_slice %arg4[%dma_wait3A_613, %dma_wait3A_614] : memref<32x1000000xf32, #tpu.memory_space<hbm>> -> memref<32x128xf32, #tpu.memory_space<hbm>>
    %dma_wait3A_616 = arith.constant 0 : i32
    %dma_wait3A_617 = arith.constant 0 : i32
    %dma_wait3A_618 = tpu.memref_slice %arg11[%dma_wait3A_616, %dma_wait3A_617] : memref<384x128xf32, #tpu.memory_space<vmem>> -> memref<32x128xf32, #tpu.memory_space<vmem>>
    %dma_wait3A_619 = arith.constant 0 : i32
    %dma_wait3A_620 = arith.constant 0 : i32
    %dma_wait3A_621 = tpu.memref_slice %arg4[%dma_wait3A_619, %dma_wait3A_620] : memref<32x1000000xf32, #tpu.memory_space<hbm>> -> memref<32x128xf32, #tpu.memory_space<hbm>>
    tpu.wait_dma2 semaphore(%arg16 : memref<!tpu.dma_semaphore, #tpu.memory_space<semaphore_mem>>) src(%dma_wait3A_621 : memref<32x128xf32, #tpu.memory_space<hbm>>) dst(%dma_wait3A_618 : memref<32x128xf32, #tpu.memory_space<vmem>>)
    %dma_wait3A_622 = arith.constant 0 : i32
    %dma_wait3A_623 = arith.constant 0 : i32
    %dma_wait3A_624 = tpu.memref_slice %arg12[%dma_wait3A_622, %dma_wait3A_623] : memref<384x128xf32, #tpu.memory_space<vmem>> -> memref<32x128xf32, #tpu.memory_space<vmem>>
    %dma_wait3A_625 = arith.constant 0 : i32
    %dma_wait3A_626 = arith.constant 0 : i32
    %dma_wait3A_627 = tpu.memref_slice %arg5[%dma_wait3A_625, %dma_wait3A_626] : memref<32x1000000xf32, #tpu.memory_space<hbm>> -> memref<32x128xf32, #tpu.memory_space<hbm>>
    %dma_wait3A_628 = arith.constant 0 : i32
    %dma_wait3A_629 = arith.constant 0 : i32
    %dma_wait3A_630 = tpu.memref_slice %arg12[%dma_wait3A_628, %dma_wait3A_629] : memref<384x128xf32, #tpu.memory_space<vmem>> -> memref<32x128xf32, #tpu.memory_space<vmem>>
    %dma_wait3A_631 = arith.constant 0 : i32
    %dma_wait3A_632 = arith.constant 0 : i32
    %dma_wait3A_633 = tpu.memref_slice %arg5[%dma_wait3A_631, %dma_wait3A_632] : memref<32x1000000xf32, #tpu.memory_space<hbm>> -> memref<32x128xf32, #tpu.memory_space<hbm>>
    tpu.wait_dma2 semaphore(%arg17 : memref<!tpu.dma_semaphore, #tpu.memory_space<semaphore_mem>>) src(%dma_wait3A_633 : memref<32x128xf32, #tpu.memory_space<hbm>>) dst(%dma_wait3A_630 : memref<32x128xf32, #tpu.memory_space<vmem>>)
    %dma_wait3A_634 = arith.constant 0 : i32
    %dma_wait3A_635 = arith.constant 0 : i32
    %dma_wait3A_636 = tpu.memref_slice %arg11[%dma_wait3A_634, %dma_wait3A_635] : memref<384x128xf32, #tpu.memory_space<vmem>> -> memref<32x128xf32, #tpu.memory_space<vmem>>
    %dma_wait3A_637 = arith.constant 0 : i32
    %dma_wait3A_638 = arith.constant 0 : i32
    %dma_wait3A_639 = tpu.memref_slice %arg4[%dma_wait3A_637, %dma_wait3A_638] : memref<32x1000000xf32, #tpu.memory_space<hbm>> -> memref<32x128xf32, #tpu.memory_space<hbm>>
    %dma_wait3A_640 = arith.constant 0 : i32
    %dma_wait3A_641 = arith.constant 0 : i32
    %dma_wait3A_642 = tpu.memref_slice %arg11[%dma_wait3A_640, %dma_wait3A_641] : memref<384x128xf32, #tpu.memory_space<vmem>> -> memref<32x128xf32, #tpu.memory_space<vmem>>
    %dma_wait3A_643 = arith.constant 0 : i32
    %dma_wait3A_644 = arith.constant 0 : i32
    %dma_wait3A_645 = tpu.memref_slice %arg4[%dma_wait3A_643, %dma_wait3A_644] : memref<32x1000000xf32, #tpu.memory_space<hbm>> -> memref<32x128xf32, #tpu.memory_space<hbm>>
    tpu.wait_dma2 semaphore(%arg16 : memref<!tpu.dma_semaphore, #tpu.memory_space<semaphore_mem>>) src(%dma_wait3A_645 : memref<32x128xf32, #tpu.memory_space<hbm>>) dst(%dma_wait3A_642 : memref<32x128xf32, #tpu.memory_space<vmem>>)
    %dma_wait3A_646 = arith.constant 0 : i32
    %dma_wait3A_647 = arith.constant 0 : i32
    %dma_wait3A_648 = tpu.memref_slice %arg12[%dma_wait3A_646, %dma_wait3A_647] : memref<384x128xf32, #tpu.memory_space<vmem>> -> memref<32x128xf32, #tpu.memory_space<vmem>>
    %dma_wait3A_649 = arith.constant 0 : i32
    %dma_wait3A_650 = arith.constant 0 : i32
    %dma_wait3A_651 = tpu.memref_slice %arg5[%dma_wait3A_649, %dma_wait3A_650] : memref<32x1000000xf32, #tpu.memory_space<hbm>> -> memref<32x128xf32, #tpu.memory_space<hbm>>
    %dma_wait3A_652 = arith.constant 0 : i32
    %dma_wait3A_653 = arith.constant 0 : i32
    %dma_wait3A_654 = tpu.memref_slice %arg12[%dma_wait3A_652, %dma_wait3A_653] : memref<384x128xf32, #tpu.memory_space<vmem>> -> memref<32x128xf32, #tpu.memory_space<vmem>>
    %dma_wait3A_655 = arith.constant 0 : i32
    %dma_wait3A_656 = arith.constant 0 : i32
    %dma_wait3A_657 = tpu.memref_slice %arg5[%dma_wait3A_655, %dma_wait3A_656] : memref<32x1000000xf32, #tpu.memory_space<hbm>> -> memref<32x128xf32, #tpu.memory_space<hbm>>
    tpu.wait_dma2 semaphore(%arg17 : memref<!tpu.dma_semaphore, #tpu.memory_space<semaphore_mem>>) src(%dma_wait3A_657 : memref<32x128xf32, #tpu.memory_space<hbm>>) dst(%dma_wait3A_654 : memref<32x128xf32, #tpu.memory_space<vmem>>)
    %dma_wait3A_658 = arith.constant 0 : i32
    %dma_wait3A_659 = arith.constant 0 : i32
    %dma_wait3A_660 = tpu.memref_slice %arg11[%dma_wait3A_658, %dma_wait3A_659] : memref<384x128xf32, #tpu.memory_space<vmem>> -> memref<32x128xf32, #tpu.memory_space<vmem>>
    %dma_wait3A_661 = arith.constant 0 : i32
    %dma_wait3A_662 = arith.constant 0 : i32
    %dma_wait3A_663 = tpu.memref_slice %arg4[%dma_wait3A_661, %dma_wait3A_662] : memref<32x1000000xf32, #tpu.memory_space<hbm>> -> memref<32x128xf32, #tpu.memory_space<hbm>>
    %dma_wait3A_664 = arith.constant 0 : i32
    %dma_wait3A_665 = arith.constant 0 : i32
    %dma_wait3A_666 = tpu.memref_slice %arg11[%dma_wait3A_664, %dma_wait3A_665] : memref<384x128xf32, #tpu.memory_space<vmem>> -> memref<32x128xf32, #tpu.memory_space<vmem>>
    %dma_wait3A_667 = arith.constant 0 : i32
    %dma_wait3A_668 = arith.constant 0 : i32
    %dma_wait3A_669 = tpu.memref_slice %arg4[%dma_wait3A_667, %dma_wait3A_668] : memref<32x1000000xf32, #tpu.memory_space<hbm>> -> memref<32x128xf32, #tpu.memory_space<hbm>>
    tpu.wait_dma2 semaphore(%arg18 : memref<!tpu.dma_semaphore, #tpu.memory_space<semaphore_mem>>) src(%dma_wait3A_669 : memref<32x128xf32, #tpu.memory_space<hbm>>) dst(%dma_wait3A_666 : memref<32x128xf32, #tpu.memory_space<vmem>>)
    %dma_wait3A_670 = arith.constant 0 : i32
    %dma_wait3A_671 = arith.constant 0 : i32
    %dma_wait3A_672 = tpu.memref_slice %arg12[%dma_wait3A_670, %dma_wait3A_671] : memref<384x128xf32, #tpu.memory_space<vmem>> -> memref<32x128xf32, #tpu.memory_space<vmem>>
    %dma_wait3A_673 = arith.constant 0 : i32
    %dma_wait3A_674 = arith.constant 0 : i32
    %dma_wait3A_675 = tpu.memref_slice %arg5[%dma_wait3A_673, %dma_wait3A_674] : memref<32x1000000xf32, #tpu.memory_space<hbm>> -> memref<32x128xf32, #tpu.memory_space<hbm>>
    %dma_wait3A_676 = arith.constant 0 : i32
    %dma_wait3A_677 = arith.constant 0 : i32
    %dma_wait3A_678 = tpu.memref_slice %arg12[%dma_wait3A_676, %dma_wait3A_677] : memref<384x128xf32, #tpu.memory_space<vmem>> -> memref<32x128xf32, #tpu.memory_space<vmem>>
    %dma_wait3A_679 = arith.constant 0 : i32
    %dma_wait3A_680 = arith.constant 0 : i32
    %dma_wait3A_681 = tpu.memref_slice %arg5[%dma_wait3A_679, %dma_wait3A_680] : memref<32x1000000xf32, #tpu.memory_space<hbm>> -> memref<32x128xf32, #tpu.memory_space<hbm>>
    tpu.wait_dma2 semaphore(%arg19 : memref<!tpu.dma_semaphore, #tpu.memory_space<semaphore_mem>>) src(%dma_wait3A_681 : memref<32x128xf32, #tpu.memory_space<hbm>>) dst(%dma_wait3A_678 : memref<32x128xf32, #tpu.memory_space<vmem>>)
    %dma_wait3A_682 = arith.constant 0 : i32
    %dma_wait3A_683 = arith.constant 0 : i32
    %dma_wait3A_684 = tpu.memref_slice %arg11[%dma_wait3A_682, %dma_wait3A_683] : memref<384x128xf32, #tpu.memory_space<vmem>> -> memref<32x128xf32, #tpu.memory_space<vmem>>
    %dma_wait3A_685 = arith.constant 0 : i32
    %dma_wait3A_686 = arith.constant 0 : i32
    %dma_wait3A_687 = tpu.memref_slice %arg4[%dma_wait3A_685, %dma_wait3A_686] : memref<32x1000000xf32, #tpu.memory_space<hbm>> -> memref<32x128xf32, #tpu.memory_space<hbm>>
    %dma_wait3A_688 = arith.constant 0 : i32
    %dma_wait3A_689 = arith.constant 0 : i32
    %dma_wait3A_690 = tpu.memref_slice %arg11[%dma_wait3A_688, %dma_wait3A_689] : memref<384x128xf32, #tpu.memory_space<vmem>> -> memref<32x128xf32, #tpu.memory_space<vmem>>
    %dma_wait3A_691 = arith.constant 0 : i32
    %dma_wait3A_692 = arith.constant 0 : i32
    %dma_wait3A_693 = tpu.memref_slice %arg4[%dma_wait3A_691, %dma_wait3A_692] : memref<32x1000000xf32, #tpu.memory_space<hbm>> -> memref<32x128xf32, #tpu.memory_space<hbm>>
    tpu.wait_dma2 semaphore(%arg18 : memref<!tpu.dma_semaphore, #tpu.memory_space<semaphore_mem>>) src(%dma_wait3A_693 : memref<32x128xf32, #tpu.memory_space<hbm>>) dst(%dma_wait3A_690 : memref<32x128xf32, #tpu.memory_space<vmem>>)
    %dma_wait3A_694 = arith.constant 0 : i32
    %dma_wait3A_695 = arith.constant 0 : i32
    %dma_wait3A_696 = tpu.memref_slice %arg12[%dma_wait3A_694, %dma_wait3A_695] : memref<384x128xf32, #tpu.memory_space<vmem>> -> memref<32x128xf32, #tpu.memory_space<vmem>>
    %dma_wait3A_697 = arith.constant 0 : i32
    %dma_wait3A_698 = arith.constant 0 : i32
    %dma_wait3A_699 = tpu.memref_slice %arg5[%dma_wait3A_697, %dma_wait3A_698] : memref<32x1000000xf32, #tpu.memory_space<hbm>> -> memref<32x128xf32, #tpu.memory_space<hbm>>
    %dma_wait3A_700 = arith.constant 0 : i32
    %dma_wait3A_701 = arith.constant 0 : i32
    %dma_wait3A_702 = tpu.memref_slice %arg12[%dma_wait3A_700, %dma_wait3A_701] : memref<384x128xf32, #tpu.memory_space<vmem>> -> memref<32x128xf32, #tpu.memory_space<vmem>>
    %dma_wait3A_703 = arith.constant 0 : i32
    %dma_wait3A_704 = arith.constant 0 : i32
    %dma_wait3A_705 = tpu.memref_slice %arg5[%dma_wait3A_703, %dma_wait3A_704] : memref<32x1000000xf32, #tpu.memory_space<hbm>> -> memref<32x128xf32, #tpu.memory_space<hbm>>
    tpu.wait_dma2 semaphore(%arg19 : memref<!tpu.dma_semaphore, #tpu.memory_space<semaphore_mem>>) src(%dma_wait3A_705 : memref<32x128xf32, #tpu.memory_space<hbm>>) dst(%dma_wait3A_702 : memref<32x128xf32, #tpu.memory_space<vmem>>)
    %dma_wait3A_706 = arith.constant 0 : i32
    %dma_wait3A_707 = arith.constant 0 : i32
    %dma_wait3A_708 = tpu.memref_slice %arg11[%dma_wait3A_706, %dma_wait3A_707] : memref<384x128xf32, #tpu.memory_space<vmem>> -> memref<32x128xf32, #tpu.memory_space<vmem>>
    %dma_wait3A_709 = arith.constant 0 : i32
    %dma_wait3A_710 = arith.constant 0 : i32
    %dma_wait3A_711 = tpu.memref_slice %arg4[%dma_wait3A_709, %dma_wait3A_710] : memref<32x1000000xf32, #tpu.memory_space<hbm>> -> memref<32x128xf32, #tpu.memory_space<hbm>>
    %dma_wait3A_712 = arith.constant 0 : i32
    %dma_wait3A_713 = arith.constant 0 : i32
    %dma_wait3A_714 = tpu.memref_slice %arg11[%dma_wait3A_712, %dma_wait3A_713] : memref<384x128xf32, #tpu.memory_space<vmem>> -> memref<32x128xf32, #tpu.memory_space<vmem>>
    %dma_wait3A_715 = arith.constant 0 : i32
    %dma_wait3A_716 = arith.constant 0 : i32
    %dma_wait3A_717 = tpu.memref_slice %arg4[%dma_wait3A_715, %dma_wait3A_716] : memref<32x1000000xf32, #tpu.memory_space<hbm>> -> memref<32x128xf32, #tpu.memory_space<hbm>>
    tpu.wait_dma2 semaphore(%arg18 : memref<!tpu.dma_semaphore, #tpu.memory_space<semaphore_mem>>) src(%dma_wait3A_717 : memref<32x128xf32, #tpu.memory_space<hbm>>) dst(%dma_wait3A_714 : memref<32x128xf32, #tpu.memory_space<vmem>>)
    %dma_wait3A_718 = arith.constant 0 : i32
    %dma_wait3A_719 = arith.constant 0 : i32
    %dma_wait3A_720 = tpu.memref_slice %arg12[%dma_wait3A_718, %dma_wait3A_719] : memref<384x128xf32, #tpu.memory_space<vmem>> -> memref<32x128xf32, #tpu.memory_space<vmem>>
    %dma_wait3A_721 = arith.constant 0 : i32
    %dma_wait3A_722 = arith.constant 0 : i32
    %dma_wait3A_723 = tpu.memref_slice %arg5[%dma_wait3A_721, %dma_wait3A_722] : memref<32x1000000xf32, #tpu.memory_space<hbm>> -> memref<32x128xf32, #tpu.memory_space<hbm>>
    %dma_wait3A_724 = arith.constant 0 : i32
    %dma_wait3A_725 = arith.constant 0 : i32
    %dma_wait3A_726 = tpu.memref_slice %arg12[%dma_wait3A_724, %dma_wait3A_725] : memref<384x128xf32, #tpu.memory_space<vmem>> -> memref<32x128xf32, #tpu.memory_space<vmem>>
    %dma_wait3A_727 = arith.constant 0 : i32
    %dma_wait3A_728 = arith.constant 0 : i32
    %dma_wait3A_729 = tpu.memref_slice %arg5[%dma_wait3A_727, %dma_wait3A_728] : memref<32x1000000xf32, #tpu.memory_space<hbm>> -> memref<32x128xf32, #tpu.memory_space<hbm>>
    tpu.wait_dma2 semaphore(%arg19 : memref<!tpu.dma_semaphore, #tpu.memory_space<semaphore_mem>>) src(%dma_wait3A_729 : memref<32x128xf32, #tpu.memory_space<hbm>>) dst(%dma_wait3A_726 : memref<32x128xf32, #tpu.memory_space<vmem>>)
    %dma_wait3A_730 = arith.constant 0 : i32
    %dma_wait3A_731 = arith.constant 0 : i32
    %dma_wait3A_732 = tpu.memref_slice %arg11[%dma_wait3A_730, %dma_wait3A_731] : memref<384x128xf32, #tpu.memory_space<vmem>> -> memref<32x128xf32, #tpu.memory_space<vmem>>
    %dma_wait3A_733 = arith.constant 0 : i32
    %dma_wait3A_734 = arith.constant 0 : i32
    %dma_wait3A_735 = tpu.memref_slice %arg4[%dma_wait3A_733, %dma_wait3A_734] : memref<32x1000000xf32, #tpu.memory_space<hbm>> -> memref<32x128xf32, #tpu.memory_space<hbm>>
    %dma_wait3A_736 = arith.constant 0 : i32
    %dma_wait3A_737 = arith.constant 0 : i32
    %dma_wait3A_738 = tpu.memref_slice %arg11[%dma_wait3A_736, %dma_wait3A_737] : memref<384x128xf32, #tpu.memory_space<vmem>> -> memref<32x128xf32, #tpu.memory_space<vmem>>
    %dma_wait3A_739 = arith.constant 0 : i32
    %dma_wait3A_740 = arith.constant 0 : i32
    %dma_wait3A_741 = tpu.memref_slice %arg4[%dma_wait3A_739, %dma_wait3A_740] : memref<32x1000000xf32, #tpu.memory_space<hbm>> -> memref<32x128xf32, #tpu.memory_space<hbm>>
    tpu.wait_dma2 semaphore(%arg18 : memref<!tpu.dma_semaphore, #tpu.memory_space<semaphore_mem>>) src(%dma_wait3A_741 : memref<32x128xf32, #tpu.memory_space<hbm>>) dst(%dma_wait3A_738 : memref<32x128xf32, #tpu.memory_space<vmem>>)
    %dma_wait3A_742 = arith.constant 0 : i32
    %dma_wait3A_743 = arith.constant 0 : i32
    %dma_wait3A_744 = tpu.memref_slice %arg12[%dma_wait3A_742, %dma_wait3A_743] : memref<384x128xf32, #tpu.memory_space<vmem>> -> memref<32x128xf32, #tpu.memory_space<vmem>>
    %dma_wait3A_745 = arith.constant 0 : i32
    %dma_wait3A_746 = arith.constant 0 : i32
    %dma_wait3A_747 = tpu.memref_slice %arg5[%dma_wait3A_745, %dma_wait3A_746] : memref<32x1000000xf32, #tpu.memory_space<hbm>> -> memref<32x128xf32, #tpu.memory_space<hbm>>
    %dma_wait3A_748 = arith.constant 0 : i32
    %dma_wait3A_749 = arith.constant 0 : i32
    %dma_wait3A_750 = tpu.memref_slice %arg12[%dma_wait3A_748, %dma_wait3A_749] : memref<384x128xf32, #tpu.memory_space<vmem>> -> memref<32x128xf32, #tpu.memory_space<vmem>>
    %dma_wait3A_751 = arith.constant 0 : i32
    %dma_wait3A_752 = arith.constant 0 : i32
    %dma_wait3A_753 = tpu.memref_slice %arg5[%dma_wait3A_751, %dma_wait3A_752] : memref<32x1000000xf32, #tpu.memory_space<hbm>> -> memref<32x128xf32, #tpu.memory_space<hbm>>
    tpu.wait_dma2 semaphore(%arg19 : memref<!tpu.dma_semaphore, #tpu.memory_space<semaphore_mem>>) src(%dma_wait3A_753 : memref<32x128xf32, #tpu.memory_space<hbm>>) dst(%dma_wait3A_750 : memref<32x128xf32, #tpu.memory_space<vmem>>)
    "tpu.region"() ({
      %run_scoped3A = tpu.sem_alloc : memref<!tpu.dma_semaphore, #tpu.memory_space<semaphore_mem>>
      %dma_start3A_754 = arith.constant 0 : i32
      %dma_start3A_755 = tpu.memref_slice %arg13[%dma_start3A_754] : memref<544xf32, #tpu.memory_space<vmem>> -> memref<512xf32, #tpu.memory_space<vmem>>
      %dma_start3A_756 = tpu.memref_slice %arg6[%mul3A_2] : memref<16384xf32, #tpu.memory_space<hbm>> -> memref<512xf32, #tpu.memory_space<hbm>>
      %dma_start3A_757 = tpu.memref_slice %arg6[%mul3A_2] : memref<16384xf32, #tpu.memory_space<hbm>> -> memref<512xf32, #tpu.memory_space<hbm>>
      %dma_start3A_758 = arith.constant 0 : i32
      %dma_start3A_759 = tpu.memref_slice %arg13[%dma_start3A_758] : memref<544xf32, #tpu.memory_space<vmem>> -> memref<512xf32, #tpu.memory_space<vmem>>
      tpu.enqueue_dma source(%dma_start3A_759 : memref<512xf32, #tpu.memory_space<vmem>>) target(%dma_start3A_757 : memref<512xf32, #tpu.memory_space<hbm>>) target_semaphore(%run_scoped3A : memref<!tpu.dma_semaphore, #tpu.memory_space<semaphore_mem>>)
      %dma_wait3A_760 = arith.constant 0 : i32
      %dma_wait3A_761 = tpu.memref_slice %arg13[%dma_wait3A_760] : memref<544xf32, #tpu.memory_space<vmem>> -> memref<512xf32, #tpu.memory_space<vmem>>
      %dma_wait3A_762 = tpu.memref_slice %arg6[%mul3A_2] : memref<16384xf32, #tpu.memory_space<hbm>> -> memref<512xf32, #tpu.memory_space<hbm>>
      %dma_wait3A_763 = tpu.memref_slice %arg6[%mul3A_2] : memref<16384xf32, #tpu.memory_space<hbm>> -> memref<512xf32, #tpu.memory_space<hbm>>
      %dma_wait3A_764 = arith.constant 0 : i32
      %dma_wait3A_765 = tpu.memref_slice %arg13[%dma_wait3A_764] : memref<544xf32, #tpu.memory_space<vmem>> -> memref<512xf32, #tpu.memory_space<vmem>>
      tpu.wait_dma2 semaphore(%run_scoped3A : memref<!tpu.dma_semaphore, #tpu.memory_space<semaphore_mem>>) src(%dma_wait3A_765 : memref<512xf32, #tpu.memory_space<vmem>>) dst(%dma_wait3A_763 : memref<512xf32, #tpu.memory_space<hbm>>)
      tpu.yield
    }) : () -> ()
    return
  }
}

</mosaic_0001>

<sc_bundles>
// kernel: kernel.3.cloned.1.call-start
scs
__scs_entry_jumppad:
0x0: {  	(pc) =	sbr.rel $0x88, $3  }
0x1: {  	(tag) =	ssettag $0x0;
	lr =	simm.s32 $0x1  }
0x2: {  	[smem:$0x3F9D] =	sst lr;
	_ =	strace $0xD0000000  }
0x3: {  	_ = 	snop  }
0x4: {  	_ = 	snop  }
0x5: {  	_ = 	snop  }
0x6: {  	_ = 	snop  }
0x7: {  	_ = 	snop  }
__scs_overlays_trampoline_lowered:
0x8: {  	[smem:$0x3FAC] =	sst s0  }
0x9: {  	[smem:$0x3FAD] =	sst s1  }
0xa: {  	[smem:$0x3FAE] =	sst s2  }
0xb: {  	[smem:$0x3FAF] =	sst s3  }
0xc: {  	[smem:$0x3FB0] =	sst s4  }
0xd: {  	[smem:$0x3FB1] =	sst s5  }
0xe: {  	[smem:$0x3FB2] =	sst s6  }
0xf: {  	[smem:$0x3FB3] =	sst s7  }
0x10: {  	[smem:$0x3FB4] =	sst s8  }
0x11: {  	[smem:$0x3FB5] =	sst s9;
	s0 =	simm.s32 @!p0 $0x0  }
0x12: {  	s1 =	sld [smem:$0x3F9B];
	s0 =	simm.s32 @p0 $0x1  }
0x13: {  	[smem:$0x3FB6] =	sst s0;
	s0 =	simm.s32 @!p1 $0x0  }
0x14: {  	s2 =	sld [smem:$0x3F9A];
	s0 =	simm.s32 @p1 $0x1  }
0x15: {  	[smem:$0x3FB7] =	sst s0;
	s0 =	simm.s32 @!p2 $0x0  }
0x16: {  	s3 =	sld [smem:$0x3FDB];
	s0 =	simm.s32 @p2 $0x1  }
0x17: {  	s4 =	simm.s32 $0x1BF5;
	[smem:$0x3FB9] =	sst s0  }
0x18: {  	s0 =	sld [smem:$0x3F9C];
	_ =	swait.ge [sflag:s4], $0x0  }
0x19: {  	s7 =	sld [smem:$0x3F9D]  }
0x1a: {  	s8 =	sadd.s32 $0xFFFFE003, lr  }
0x1b: {  	s9 =	sadd.s32 $0xFFFFFEF7, lr;
	s5 =	simm.s32 $0xFFFFFFFF;
	p2 =	slt.u32 s8, $0xFFFFF086  }
0x1c: {  	p1 =	slt.u32 s9, $0xF7A;
	s5 =	simm.s32 @!p2 $0x0  }
0x1d: {  	s5 =	simm.s32 @p1 $0x1;
	p0 =	seq.s32 s7, s2  }
0x1e: {  	s7 =	smul.u32 @!p0 $0xF7A, s2;
	p2 =	seq.s32 @!p0 s5, $0x0  }
0x1f: {  	s9 =	smul.u32 $0xF7A, s1;
	s8 =	simm.s32 @!p0 $0x1BF5;
	p2 =	por !p2, p0  }
0x20: {  	[sflag:s8] =	ssyncset.s32 @!p0 $0xFFFFF086;
	s6 =	sadd.s32 @!p0 s3, s7;
	s7 =	simm.s32 @!p0 $0x108  }
0x21: {  	s3 =	sadd.s32 s3, s9;
	s6 =	sadd.s32 @!p0 $0x88, s6;
	s7 =	simm.s32 @p2 $0x1082  }
0x22: {  	[simem:s7], [sflag:s8] =	dma.local @!p0 [hbm:s6], $0xF7A  }
0x23: {  	s9 =	sor.u32 $0xD0000000, s2;
	s6 =	simm.s32 $0x108;
	_ =	swait.ge @!p0 [sflag:s8], $0x0  }
0x24: {  	s3 =	sadd.s32 $0x88, s3;
	s6 =	simm.s32 @!p1 $0x1082;
	[sflag:s4] =	ssyncset.s32 $0xFFFFF086  }
0x25: {  	[simem:s6], [sflag:s4] =	dma.local [hbm:s3], $0xF7A  }
0x26: {  	[smem:$0x3F9D] =	sst s1;
	(tag) =	ssettag s2;
	_ =	strace s9  }
0x27: {  	s1 =	sld [smem:$0x3FAD]  }
0x28: {  	s2 =	sld [smem:$0x3FAE]  }
0x29: {  	s4 =	sld [smem:$0x3FB0]  }
0x2a: {  	p0 =	seq.s32 s5, $0x0;
	s5 =	sld [smem:$0x3FB1]  }
0x2b: {  	s6 =	sld [smem:$0x3FB2]  }
0x2c: {  	s7 =	sld [smem:$0x3FB3]  }
0x2d: {  	s3 =	simm.s32 $0x108;
	s8 =	sld [smem:$0x3FB4]  }
0x2e: {  	s3 =	simm.s32 @!p0 $0x1082;
	s9 =	sld [smem:$0x3FB5]  }
0x2f: {  	lr =	sadd.s32 s0, s3;
	s0 =	sld [smem:$0x3FAC]  }
0x30: {  	s3 =	sld [smem:$0x3FAF]  }
0x31: {  	[smem:$0x3FB8] =	sst s10  }
0x32: {  	s10 =	sld [smem:$0x3FB6];
	_ =	sdelay $0x3  }
0x33: {  	p0 =	seq.s32 s10, $0x1;
	s10 =	sld [smem:$0x3FB8];
	_ =	sdelay $0x3  }
0x34: {  	[smem:$0x3FB8] =	sst s10  }
0x35: {  	s10 =	sld [smem:$0x3FB7];
	_ =	sdelay $0x3  }
0x36: {  	p1 =	seq.s32 s10, $0x1;
	s10 =	sld [smem:$0x3FB8];
	_ =	sdelay $0x3  }
0x37: {  	[smem:$0x3FB8] =	sst s10  }
0x38: {  	s10 =	sld [smem:$0x3FB9]  }
0x39: {  	_ = 	snop;
	(pc) =	sbr.ind lr, $3  }
0x3a: {  	_ = 	snop  }
0x3b: {  	_ = 	snop  }
0x3c: {  	p2 =	seq.s32 s10, $0x1;
	s10 =	sld [smem:$0x3FB8]  }
0x3d: {  	_ =	shalt  }
0x3e: {  	_ =	shalt  }
0x3f: {  	_ =	shalt  }
0x40: {  	_ =	shalt  }
0x41: {  	_ =	shalt  }
0x42: {  	_ =	shalt  }
0x43: {  	_ =	shalt  }
0x44: {  	_ =	shalt  }
0x45: {  	_ =	shalt  }
0x46: {  	_ =	shalt  }
0x47: {  	_ =	shalt  }
0x48: {  	_ =	shalt  }
0x49: {  	_ =	shalt  }
0x4a: {  	_ =	shalt  }
0x4b: {  	_ =	shalt  }
0x4c: {  	_ =	shalt  }
0x4d: {  	_ =	shalt  }
0x4e: {  	_ =	shalt  }
0x4f: {  	_ =	shalt  }
0x50: {  	_ =	shalt  }
0x51: {  	_ =	shalt  }
0x52: {  	_ =	shalt  }
0x53: {  	_ =	shalt  }
0x54: {  	_ =	shalt  }
0x55: {  	_ =	shalt  }
0x56: {  	_ =	shalt  }
0x57: {  	_ =	shalt  }
0x58: {  	_ =	shalt  }
0x59: {  	_ =	shalt  }
0x5a: {  	_ =	shalt  }
0x5b: {  	_ =	shalt  }
0x5c: {  	_ =	shalt  }
0x5d: {  	_ =	shalt  }
0x5e: {  	_ =	shalt  }
0x5f: {  	_ =	shalt  }
0x60: {  	_ =	shalt  }
0x61: {  	_ =	shalt  }
0x62: {  	_ =	shalt  }
0x63: {  	_ =	shalt  }
0x64: {  	_ =	shalt  }
0x65: {  	_ =	shalt  }
0x66: {  	_ =	shalt  }
0x67: {  	_ =	shalt  }
0x68: {  	_ =	shalt  }
0x69: {  	_ =	shalt  }
0x6a: {  	_ =	shalt  }
0x6b: {  	_ =	shalt  }
0x6c: {  	_ =	shalt  }
0x6d: {  	_ =	shalt  }
0x6e: {  	_ =	shalt  }
0x6f: {  	_ =	shalt  }
0x70: {  	_ =	shalt  }
0x71: {  	_ =	shalt  }
0x72: {  	_ =	shalt  }
0x73: {  	_ =	shalt  }
0x74: {  	_ =	shalt  }
0x75: {  	_ =	shalt  }
0x76: {  	_ =	shalt  }
0x77: {  	_ =	shalt  }
0x78: {  	_ =	shalt  }
0x79: {  	_ =	shalt  }
0x7a: {  	_ =	shalt  }
0x7b: {  	_ =	shalt  }
0x7c: {  	_ =	shalt  }
0x7d: {  	_ =	shalt  }
0x7e: {  	_ =	shalt  }
0x7f: {  	_ =	shalt  }
0x80: {  	_ =	shalt  }
0x81: {  	_ =	shalt  }
0x82: {  	_ =	shalt  }
0x83: {  	_ =	shalt  }
0x84: {  	_ =	shalt  }
0x85: {  	_ =	shalt  }
0x86: {  	_ =	shalt  }
0x87: {  	_ =	shalt  }
.Lfunc_end0:
.L_simem_size_0:
called_computation_lowered:
.L_overlay_start_0:
0x88: {  	s2 =	sld [smem:$0x3FD9]  }
0x89: {  	s3 =	sld [smem:$0x3FFE];
	_ =	sdelay $0x1  }
0x8a: {  	s1 =	srdreg.scid  }
0x8b: {  	s0 =	sand.u32 $0x1, s1  }
0x8c: {  	s18 =	sshll.u32 s0, $0xA;
	s2 =	sadd.s32 s3, s2  }
0x8d: {  	s2 =	sadd.s32 s2, s18  }
0x8e: {  	[smem:$0x3FC4] =	sst s2  }
0x8f: {  	_ = 	snop  }
0x90: {  	s2 =	sld [smem:$0x3FC9]  }
0x91: {  	s19 =	sld [smem:$0x3FC8]  }
0x92: {  	s4 =	sld [smem:$0x3FC7]  }
0x93: {  	s5 =	sld [smem:$0x3FC6]  }
0x94: {  	s6 =	sld [smem:$0x3FD0];
	(tm) =	ssettm $0x1  }
0x95: {  	s7 =	sld [smem:$0x3FFB];
	_ =	sdelay $0x3  }
0x96: {  	_ =	strace s7  }
0x97: {  	s7 =	sld [smem:$0x3FFC];
	_ =	sdelay $0x3  }
0x98: {  	_ =	strace s7  }
0x99: {  	s7 =	sld [smem:$0x3FFD];
	_ =	sdelay $0x3  }
0x9a: {  	_ =	strace s7  }
0x9b: {  	_ =	strace $0x8FFFFFFF  }
0x9c: {  	s20 =	sld [smem:$0x3FDB];
	_ =	sdelay $0x1  }
0x9d: {  	s8 =	simm.s32 $_scs_section_size  }
0x9e: {  	s9 =	simm.s32 $_size__tile_overlayer_lowered;
	s10 =	simm.s32 $_tile_overlayer_lowered  }
0x9f: {  	s23 =	simm.s32 $0x1BFF;
	s22 =	sshll.u32 s10, $0x1;
	s7 =	sadd.s32 s8, s20  }
0xa0: {  	s11 =	simm.s32 $0x0;
	s21 =	sshll.u32 s9, $0x1;
	s9 =	sadd.s32 s22, s7  }
0xa1: {  	[timem:s11], [sflag:s23] =	dma.local [hbm:s9], s21  }
0xa2: {  	_ =	swait.ge [sflag:s23], s21  }
0xa3: {  	s8 =	ssub.s32 $0x0, s21;
	[sflag:s23] =	ssyncset.done $0x0  }
0xa4: {  	[sflag:s23] =	ssyncadd.s32 s8;
	_ =	sdelay $0x1  }
0xa5: {  	s24 =	simm.s32 $0x1B8B  }
0xa6: {  	_ =	swait.ge [sflag:s24], $0x1  }
0xa7: {  	[sflag:s24] =	ssyncset.done $0x0  }
0xa8: {  	s25 =	simm.s32 $0x1B8E;
	[sflag:s24] =	ssyncadd.s32 $0xFFFFFFFF  }
0xa9: {  	s26 =	simm.s32 $execute0_lowered;
	[smem:$0x3FD2] =	sst s25  }
0xaa: {  	s8 =	sshll.u32 s26, $0x1;
	_ =	strace $0x80000046;
	[dreg:$0x1] =	wrdreg $0xFFFFFFFF  }
0xab: {  	s28 =	simm.s32 $_size_execute0_lowered;
	s7 =	sadd.s32 s7, s8;
	[dreg:$0x0] =	wrdreg $0x0  }
0xac: {  	s8 =	sshll.u32 s28, $0x1;
	[dreg:$0x2] =	wrdreg s7  }
0xad: {  	[dreg:$0x3] =	wrdreg s8  }
0xae: {  	[dreg:$0x4] =	wrdreg $0xC0  }
0xaf: {  	_ =	task [dreg:s11], $0x5FFFF  }
0xb0: {  	[dreg:$0x1] =	wrdreg $0xFFFFFFFF  }
0xb1: {  	[dreg:$0x0] =	wrdreg $0x60  }
0xb2: {  	[dreg:$0x2] =	wrdreg s2  }
0xb3: {  	[dreg:$0x3] =	wrdreg s19  }
0xb4: {  	[dreg:$0x4] =	wrdreg s4  }
0xb5: {  	[dreg:$0x5] =	wrdreg s5  }
0xb6: {  	[dreg:$0x6] =	wrdreg s6  }
0xb7: {  	[dreg:$0x7] =	wrdreg $0x9  }
0xb8: {  	_ =	task.clear_ibuf [dreg:s11], $0x8FFFF;
	_ =	strace $0x90000046  }
0xb9: {  	s29 =	simm.s32 $0x9;
	_ =	strace $0x80000048  }
0xba: {  	_ =	swait.ge [sflag:s29], $0x1  }
0xbb: {  	[sflag:s29] =	ssyncadd.s32 $0xFFFFFFFF  }
0xbc: {  	_ =	strace $0x90000048  }
0xbd: {  	_ =	sfence  }
0xbe: {  	s30 =	sld [smem:$0x0];
	_ =	sdelay $0x2  }
0xbf: {  	s31 =	sshll.u32 s1, $0xD;
	s1 =	sshrl.u32 s1, $0x2  }
0xc0: {  	s3 =	sand.u32 $0x4000, s31;
	s1 =	sadd.s32 s1, s30  }
0xc1: {  	s0 =	sor.u32 s3, s0;
	s1 =	sshll.u32 s1, $0x11  }
0xc2: {  	s0 =	sor.u32 s1, s0  }
0xc3: {  	s0 =	sadd.s32 $0x8F2B, s0  }
0xc4: {  	[sflag:s0] =	ssyncadd.remote.s32 $0x1  }
0xc5: {  	_ =	sfence.sel $0xFFFF  }
0xc6: {  	[dreg:$0x0] =	wrdreg $0xFFFFFFFF;
	(pc) =	sbr.abs _section_cstart, $3  }
0xc7: {  	[dreg:$0x1] =	wrdreg $0xFFFFFFFF  }
0xc8: {  	_ =	task.clear_ibuf [dreg:s11], $0x2FFFF;
	_ =	strace $0x9FFFFFFF  }
0xc9: {  	(tm) =	ssettm $0x7FFFFFFF  }
tec
execute0_lowered:
.L_overlay_start_1:
0x0: {  	(tag) =	ssettag $0x1  }
0x1: {  	v1 =	vimm.s32 $0x3180;
	vm14 =	vcmask $0x300  }
0x2: {  	v0 =	vimm.s32 $0x0;
	vm13 =	vcmask $0x704;
	vm12 =	vcmask $0xB08  }
0x3: {  	vm11 =	vcmask $0xF0C;
	vm10 =	vcmask $0x1310;
	vm9 =	vcmask $0x1714  }
0x4: {  	vm8 =	vcmask $0x1B18;
	v6 =	vimm.s32 $0x3380;
	vm7 =	vcmask $0x1F1C  }
0x5: {  	vm6 =	vcmask $0x2320;
	vm5 =	vcmask $0x2724;
	vm4 =	vcmask $0x2B28  }
0x6: {  	vm3 =	vcmask $0x2F2C;
	vm0 =	vcmask $0x3330;
	v8 =	vimm.s32 $0x3580  }
0x7: {  	vm1 =	vcmask $0x3734;
	vm2 =	vcmask $0x3B38;
	v10 =	vimm.s32 $0x3980  }
0x8: {  	v11 =	vimm.s32 $0x3B80;
	v12 =	vimm.s32 $0x3D80;
	v13 =	vimm.s32 $0x3F80  }
0x9: {  	v14 =	vimm.s32 $0x7180;
	v15 =	vimm.s32 $0xFEDCBA98;
	v16 =	vimm.s32 $0x76543210  }
0xa: {  	v17 =	vimm.s32 $0x3210FEDC;
	v18 =	vimm.s32 $0xBA987654;
	v19 =	vimm.s32 $0x7580  }
0xb: {  	v20 =	vimm.s32 $0x7780;
	v21 =	vimm.s32 $0x7980;
	v22 =	vimm.s32 $0x7B80  }
0xc: {  	v23 =	vimm.s32 $0x7D80;
	v24 =	vimm.s32 $0x7F80;
	v25 =	vimm.s32 $0xB180  }
0xd: {  	v26 =	vimm.s32 $0xB380;
	v27 =	vimm.s32 $0xB580;
	v28 =	vimm.s32 $0xB780  }
0xe: {  	v29 =	vimm.s32 $0xB980;
	v30 =	vimm.s32 $0xBB80;
	v31 =	vimm.s32 $0xBD80  }
0xf: {  	v32 =	vimm.s32 $0xBF80;
	v2 =	vsel vm14, $0x0, v1;
	v1 =	vlaneseq.u32  }
0x10: {  	v6 =	vsel vm14, $0x200, v6;
	v8 =	vsel vm14, $0x400, v8;
	v10 =	vsel vm14, $0x800, v10  }
0x11: {  	v11 =	vsel vm14, $0xA00, v11;
	v12 =	vsel vm14, $0xC00, v12;
	v13 =	vsel vm14, $0xE00, v13  }
0x12: {  	v14 =	vsel vm14, $0x4000, v14;
	v15 =	vunpack.c.l.s4.s8 v15;
	v17 =	vunpack.c.l.s4.s8 v17  }
0x13: {  	v18 =	vunpack.c.l.s4.s8 v18;
	v16 =	vunpack.c.l.s4.s8 v16;
	v19 =	vsel vm14, $0x4400, v19  }
0x14: {  	v20 =	vsel vm14, $0x4600, v20;
	v21 =	vsel vm14, $0x4800, v21;
	v22 =	vsel vm14, $0x4A00, v22  }
0x15: {  	v23 =	vsel vm14, $0x4C00, v23;
	v24 =	vsel vm14, $0x4E00, v24;
	v25 =	vsel vm14, $0x8000, v25  }
0x16: {  	v26 =	vsel vm14, $0x8200, v26;
	v27 =	vsel vm14, $0x8400, v27;
	v28 =	vsel vm14, $0x8600, v28  }
0x17: {  	v29 =	vsel vm14, $0x8800, v29;
	v30 =	vsel vm14, $0x8A00, v30;
	v31 =	vsel vm14, $0x8C00, v31  }
0x18: {  	v32 =	vsel vm14, $0x8E00, v32;
	v3 =	vsel vm13, $0x1000, v2;
	v2 =	vand.u32 $0x3, v1  }
0x19: {  	v6 =	vsel vm13, $0x1200, v6;
	v8 =	vsel vm13, $0x1400, v8;
	v10 =	vsel vm13, $0x1800, v10  }
0x1a: {  	v11 =	vsel vm13, $0x1A00, v11;
	v12 =	vsel vm13, $0x1C00, v12;
	v13 =	vsel vm13, $0x1E00, v13  }
0x1b: {  	v14 =	vsel vm13, $0x5000, v14;
	v19 =	vsel vm13, $0x5400, v19;
	v20 =	vsel vm13, $0x5600, v20  }
0x1c: {  	v21 =	vsel vm13, $0x5800, v21;
	v22 =	vsel vm13, $0x5A00, v22;
	v23 =	vsel vm13, $0x5C00, v23  }
0x1d: {  	v24 =	vsel vm13, $0x5E00, v24;
	v25 =	vsel vm13, $0x9000, v25;
	v26 =	vsel vm13, $0x9200, v26  }
0x1e: {  	v27 =	vsel vm13, $0x9400, v27;
	v28 =	vsel vm13, $0x9600, v28;
	v29 =	vsel vm13, $0x9800, v29  }
0x1f: {  	v30 =	vsel vm13, $0x9A00, v30;
	v31 =	vsel vm13, $0x9C00, v31;
	v32 =	vsel vm13, $0x9E00, v32  }
0x20: {  	v4 =	vsel vm12, $0x2000, v3;
	v3 =	vor.u32 $0x4, v2;
	v6 =	vsel vm12, $0x2200, v6  }
0x21: {  	v8 =	vsel vm12, $0x2400, v8;
	v10 =	vsel vm12, $0x2800, v10;
	v11 =	vsel vm12, $0x2A00, v11  }
0x22: {  	v12 =	vsel vm12, $0x2C00, v12;
	v13 =	vsel vm12, $0x2E00, v13;
	v14 =	vsel vm12, $0x6000, v14  }
0x23: {  	v15 =	vunpack.c.0.s8.s32 v15;
	v17 =	vunpack.c.0.s8.s32 v17;
	v18 =	vunpack.c.0.s8.s32 v18  }
0x24: {  	v16 =	vunpack.c.0.s8.s32 v16;
	v19 =	vsel vm12, $0x6400, v19;
	v20 =	vsel vm12, $0x6600, v20  }
0x25: {  	v21 =	vsel vm12, $0x6800, v21;
	v22 =	vsel vm12, $0x6A00, v22;
	v23 =	vsel vm12, $0x6C00, v23  }
0x26: {  	v24 =	vsel vm12, $0x6E00, v24;
	v25 =	vsel vm12, $0xA000, v25;
	v26 =	vsel vm12, $0xA200, v26  }
0x27: {  	v27 =	vsel vm12, $0xA400, v27;
	v28 =	vsel vm12, $0xA600, v28;
	v29 =	vsel vm12, $0xA800, v29  }
0x28: {  	v30 =	vsel vm12, $0xAA00, v30;
	v31 =	vsel vm12, $0xAC00, v31;
	v32 =	vsel vm12, $0xAE00, v32  }
0x29: {  	v5 =	vsel vm11, $0x3000, v4;
	v4 =	vor.u32 $0x8, v2;
	v6 =	vsel vm11, $0x3200, v6  }
0x2a: {  	v8 =	vsel vm11, $0x3400, v8;
	v10 =	vsel vm11, $0x3800, v10;
	v11 =	vsel vm11, $0x3A00, v11  }
0x2b: {  	v12 =	vsel vm11, $0x3C00, v12;
	v13 =	vsel vm11, $0x3E00, v13;
	v14 =	vsel vm11, $0x7000, v14  }
0x2c: {  	v19 =	vsel vm11, $0x7400, v19;
	v20 =	vsel vm11, $0x7600, v20;
	v21 =	vsel vm11, $0x7800, v21  }
0x2d: {  	v22 =	vsel vm11, $0x7A00, v22;
	v23 =	vsel vm11, $0x7C00, v23;
	v24 =	vsel vm11, $0x7E00, v24  }
0x2e: {  	v25 =	vsel vm11, $0xB000, v25;
	v26 =	vsel vm11, $0xB200, v26;
	v27 =	vsel vm11, $0xB400, v27  }
0x2f: {  	v28 =	vsel vm11, $0xB600, v28;
	v29 =	vsel vm11, $0xB800, v29;
	v30 =	vsel vm11, $0xBA00, v30  }
0x30: {  	v31 =	vsel vm11, $0xBC00, v31;
	v32 =	vsel vm11, $0xBE00, v32;
	v5 =	vsel vm10, $0x80, v5  }
0x31: {  	v6 =	vsel vm10, $0x280, v6;
	v8 =	vsel vm10, $0x480, v8;
	v10 =	vsel vm10, $0x880, v10  }
0x32: {  	v11 =	vsel vm10, $0xA80, v11;
	v12 =	vsel vm10, $0xC80, v12;
	v13 =	vsel vm10, $0xE80, v13  }
0x33: {  	v14 =	vsel vm10, $0x4080, v14;
	v15 =	vand.u32 $0xF, v15;
	v17 =	vcombine.low v18, v17  }
0x34: {  	v19 =	vsel vm10, $0x4480, v19;
	v20 =	vsel vm10, $0x4680, v20;
	v21 =	vsel vm10, $0x4880, v21  }
0x35: {  	v22 =	vsel vm10, $0x4A80, v22;
	v23 =	vsel vm10, $0x4C80, v23;
	v24 =	vsel vm10, $0x4E80, v24  }
0x36: {  	v25 =	vsel vm10, $0x8080, v25;
	v26 =	vsel vm10, $0x8280, v26;
	v27 =	vsel vm10, $0x8480, v27  }
0x37: {  	v28 =	vsel vm10, $0x8680, v28;
	v29 =	vsel vm10, $0x8880, v29;
	v30 =	vsel vm10, $0x8A80, v30  }
0x38: {  	v31 =	vsel vm10, $0x8C80, v31;
	v32 =	vsel vm10, $0x8E80, v32;
	v5 =	vsel vm9, $0x1080, v5  }
0x39: {  	v6 =	vsel vm9, $0x1280, v6;
	v8 =	vsel vm9, $0x1480, v8;
	v10 =	vsel vm9, $0x1880, v10  }
0x3a: {  	v11 =	vsel vm9, $0x1A80, v11;
	v12 =	vsel vm9, $0x1C80, v12;
	v13 =	vsel vm9, $0x1E80, v13  }
0x3b: {  	v14 =	vsel vm9, $0x5080, v14;
	v19 =	vsel vm9, $0x5480, v19;
	v20 =	vsel vm9, $0x5680, v20  }
0x3c: {  	v21 =	vsel vm9, $0x5880, v21;
	v22 =	vsel vm9, $0x5A80, v22;
	v23 =	vsel vm9, $0x5C80, v23  }
0x3d: {  	v24 =	vsel vm9, $0x5E80, v24;
	v25 =	vsel vm9, $0x9080, v25;
	v26 =	vsel vm9, $0x9280, v26  }
0x3e: {  	v27 =	vsel vm9, $0x9480, v27;
	v28 =	vsel vm9, $0x9680, v28;
	v29 =	vsel vm9, $0x9880, v29  }
0x3f: {  	v30 =	vsel vm9, $0x9A80, v30;
	v31 =	vsel vm9, $0x9C80, v31;
	v32 =	vsel vm9, $0x9E80, v32  }
0x40: {  	v5 =	vsel vm8, $0x2080, v5;
	v6 =	vsel vm8, $0x2280, v6;
	v8 =	vsel vm8, $0x2480, v8  }
0x41: {  	v10 =	vsel vm8, $0x2880, v10;
	v11 =	vsel vm8, $0x2A80, v11;
	v12 =	vsel vm8, $0x2C80, v12  }
0x42: {  	v13 =	vsel vm8, $0x2E80, v13;
	v14 =	vsel vm8, $0x6080, v14;
	v19 =	vsel vm8, $0x6480, v19  }
0x43: {  	v20 =	vsel vm8, $0x6680, v20;
	v21 =	vsel vm8, $0x6880, v21;
	v22 =	vsel vm8, $0x6A80, v22  }
0x44: {  	v23 =	vsel vm8, $0x6C80, v23;
	v24 =	vsel vm8, $0x6E80, v24;
	v25 =	vsel vm8, $0xA080, v25  }
0x45: {  	v26 =	vsel vm8, $0xA280, v26;
	v27 =	vsel vm8, $0xA480, v27;
	v28 =	vsel vm8, $0xA680, v28  }
0x46: {  	v29 =	vsel vm8, $0xA880, v29;
	v30 =	vsel vm8, $0xAA80, v30;
	v31 =	vsel vm8, $0xAC80, v31  }
0x47: {  	v32 =	vsel vm8, $0xAE80, v32;
	v5 =	vsel vm7, $0x3080, v5;
	v6 =	vsel vm7, $0x3280, v6  }
0x48: {  	v8 =	vsel vm7, $0x3480, v8;
	v10 =	vsel vm7, $0x3880, v10;
	v11 =	vsel vm7, $0x3A80, v11  }
0x49: {  	v12 =	vsel vm7, $0x3C80, v12;
	v13 =	vsel vm7, $0x3E80, v13;
	v14 =	vsel vm7, $0x7080, v14  }
0x4a: {  	v19 =	vsel vm7, $0x7480, v19;
	v20 =	vsel vm7, $0x7680, v20;
	v21 =	vsel vm7, $0x7880, v21  }
0x4b: {  	v22 =	vsel vm7, $0x7A80, v22;
	v23 =	vsel vm7, $0x7C80, v23;
	v24 =	vsel vm7, $0x7E80, v24  }
0x4c: {  	v25 =	vsel vm7, $0xB080, v25;
	v26 =	vsel vm7, $0xB280, v26;
	v27 =	vsel vm7, $0xB480, v27  }
0x4d: {  	v28 =	vsel vm7, $0xB680, v28;
	v29 =	vsel vm7, $0xB880, v29;
	v30 =	vsel vm7, $0xBA80, v30  }
0x4e: {  	v31 =	vsel vm7, $0xBC80, v31;
	v32 =	vsel vm7, $0xBE80, v32;
	v5 =	vsel vm6, $0x100, v5  }
0x4f: {  	v6 =	vsel vm6, $0x300, v6;
	v8 =	vsel vm6, $0x500, v8;
	v10 =	vsel vm6, $0x900, v10  }
0x50: {  	v11 =	vsel vm6, $0xB00, v11;
	v12 =	vsel vm6, $0xD00, v12;
	v13 =	vsel vm6, $0xF00, v13  }
0x51: {  	v14 =	vsel vm6, $0x4100, v14;
	v19 =	vsel vm6, $0x4500, v19;
	v20 =	vsel vm6, $0x4700, v20  }
0x52: {  	v21 =	vsel vm6, $0x4900, v21;
	v22 =	vsel vm6, $0x4B00, v22;
	v23 =	vsel vm6, $0x4D00, v23  }
0x53: {  	v24 =	vsel vm6, $0x4F00, v24;
	v25 =	vsel vm6, $0x8100, v25;
	v26 =	vsel vm6, $0x8300, v26  }
0x54: {  	v27 =	vsel vm6, $0x8500, v27;
	v28 =	vsel vm6, $0x8700, v28;
	v29 =	vsel vm6, $0x8900, v29  }
0x55: {  	v30 =	vsel vm6, $0x8B00, v30;
	v31 =	vsel vm6, $0x8D00, v31;
	v32 =	vsel vm6, $0x8F00, v32  }
0x56: {  	v5 =	vsel vm5, $0x1100, v5;
	v6 =	vsel vm5, $0x1300, v6;
	v8 =	vsel vm5, $0x1500, v8  }
0x57: {  	v10 =	vsel vm5, $0x1900, v10;
	v11 =	vsel vm5, $0x1B00, v11;
	v12 =	vsel vm5, $0x1D00, v12  }
0x58: {  	v13 =	vsel vm5, $0x1F00, v13;
	v14 =	vsel vm5, $0x5100, v14;
	v19 =	vsel vm5, $0x5500, v19  }
0x59: {  	v20 =	vsel vm5, $0x5700, v20;
	v21 =	vsel vm5, $0x5900, v21;
	v22 =	vsel vm5, $0x5B00, v22  }
0x5a: {  	v23 =	vsel vm5, $0x5D00, v23;
	v24 =	vsel vm5, $0x5F00, v24;
	v25 =	vsel vm5, $0x9100, v25  }
0x5b: {  	v26 =	vsel vm5, $0x9300, v26;
	v27 =	vsel vm5, $0x9500, v27;
	v28 =	vsel vm5, $0x9700, v28  }
0x5c: {  	v29 =	vsel vm5, $0x9900, v29;
	v30 =	vsel vm5, $0x9B00, v30;
	v31 =	vsel vm5, $0x9D00, v31  }
0x5d: {  	v32 =	vsel vm5, $0x9F00, v32;
	v7 =	vsel vm4, $0x2100, v5;
	v5 =	vor.u32 $0xC, v1  }
0x5e: {  	v9 =	vsel vm4, $0x2300, v6;
	v8 =	vsel vm4, $0x2500, v8;
	v10 =	vsel vm4, $0x2900, v10  }
0x5f: {  	v11 =	vsel vm4, $0x2B00, v11;
	v12 =	vsel vm4, $0x2D00, v12;
	v13 =	vsel vm4, $0x2F00, v13  }
0x60: {  	v14 =	vsel vm4, $0x6100, v14;
	v19 =	vsel vm4, $0x6500, v19;
	v20 =	vsel vm4, $0x6700, v20  }
0x61: {  	v21 =	vsel vm4, $0x6900, v21;
	v22 =	vsel vm4, $0x6B00, v22;
	v23 =	vsel vm4, $0x6D00, v23  }
0x62: {  	v24 =	vsel vm4, $0x6F00, v24;
	v25 =	vsel vm4, $0xA100, v25;
	v26 =	vsel vm4, $0xA300, v26  }
0x63: {  	v27 =	vsel vm4, $0xA500, v27;
	v28 =	vsel vm4, $0xA700, v28;
	v29 =	vsel vm4, $0xA900, v29  }
0x64: {  	v30 =	vsel vm4, $0xAB00, v30;
	v31 =	vsel vm4, $0xAD00, v31;
	v32 =	vsel vm4, $0xAF00, v32  }
0x65: {  	v7 =	vsel vm3, $0x3100, v7;
	v8 =	vsel vm3, $0x3500, v8;
	v10 =	vsel vm3, $0x3900, v10  }
0x66: {  	v11 =	vsel vm3, $0x3B00, v11;
	v12 =	vsel vm3, $0x3D00, v12;
	v13 =	vsel vm3, $0x3F00, v13  }
0x67: {  	v14 =	vsel vm3, $0x7100, v14;
	v19 =	vsel vm3, $0x7500, v19;
	v20 =	vsel vm3, $0x7700, v20  }
0x68: {  	v21 =	vsel vm3, $0x7900, v21;
	v22 =	vsel vm3, $0x7B00, v22;
	v23 =	vsel vm3, $0x7D00, v23  }
0x69: {  	v24 =	vsel vm3, $0x7F00, v24;
	v25 =	vsel vm3, $0xB100, v25;
	v26 =	vsel vm3, $0xB300, v26  }
0x6a: {  	v27 =	vsel vm3, $0xB500, v27;
	v28 =	vsel vm3, $0xB700, v28;
	v29 =	vsel vm3, $0xB900, v29  }
0x6b: {  	v30 =	vsel vm3, $0xBB00, v30;
	v31 =	vsel vm3, $0xBD00, v31;
	v32 =	vsel vm3, $0xBF00, v32  }
0x6c: {  	v7 =	vsel vm0, $0x180, v7;
	v8 =	vsel vm0, $0x580, v8;
	v10 =	vsel vm0, $0x980, v10  }
0x6d: {  	v11 =	vsel vm0, $0xB80, v11;
	v12 =	vsel vm0, $0xD80, v12;
	v13 =	vsel vm0, $0xF80, v13  }
0x6e: {  	v18 =	vsel vm0, $0x4180, v14;
	v14 =	vcombine.low v15, v16;
	v15 =	vand.u32 $0xF, v17  }
0x6f: {  	v16 =	vshrl.u32 v1, $0x2;
	v19 =	vsel vm0, $0x4580, v19;
	v20 =	vsel vm0, $0x4780, v20  }
0x70: {  	v21 =	vsel vm0, $0x4980, v21;
	v22 =	vsel vm0, $0x4B80, v22;
	v23 =	vsel vm0, $0x4D80, v23  }
0x71: {  	v24 =	vsel vm0, $0x4F80, v24;
	v25 =	vsel vm0, $0x8180, v25;
	v26 =	vsel vm0, $0x8380, v26  }
0x72: {  	v27 =	vsel vm0, $0x8580, v27;
	v28 =	vsel vm0, $0x8780, v28;
	v29 =	vsel vm0, $0x8980, v29  }
0x73: {  	v30 =	vsel vm0, $0x8B80, v30;
	v31 =	vsel vm0, $0x8D80, v31;
	v32 =	vsel vm0, $0x8F80, v32  }
0x74: {  	v7 =	vsel vm1, $0x1180, v7;
	v8 =	vsel vm1, $0x1580, v8;
	v10 =	vsel vm1, $0x1980, v10  }
0x75: {  	v11 =	vsel vm1, $0x1B80, v11;
	v12 =	vsel vm1, $0x1D80, v12;
	v13 =	vsel vm1, $0x1F80, v13  }
0x76: {  	v18 =	vsel vm1, $0x5180, v18;
	v19 =	vsel vm1, $0x5580, v19;
	v20 =	vsel vm1, $0x5780, v20  }
0x77: {  	v21 =	vsel vm1, $0x5980, v21;
	v22 =	vsel vm1, $0x5B80, v22;
	v23 =	vsel vm1, $0x5D80, v23  }
0x78: {  	v24 =	vsel vm1, $0x5F80, v24;
	v25 =	vsel vm1, $0x9180, v25;
	v26 =	vsel vm1, $0x9380, v26  }
0x79: {  	v27 =	vsel vm1, $0x9580, v27;
	v28 =	vsel vm1, $0x9780, v28;
	v29 =	vsel vm1, $0x9980, v29  }
0x7a: {  	v30 =	vsel vm1, $0x9B80, v30;
	v31 =	vsel vm1, $0x9D80, v31;
	v32 =	vsel vm1, $0x9F80, v32  }
0x7b: {  	s2 =	rddreg [dreg:$0x0];
	v6 =	vsel vm2, $0x2180, v7;
	v7 =	vsel vm3, $0x3300, v9;
	v9 =	vimm.s32 $0x3780  }
0x7c: {  	s3 =	rddreg [dreg:$0x1];
	v8 =	vsel vm2, $0x2580, v8;
	v10 =	vsel vm2, $0x2980, v10;
	v11 =	vsel vm2, $0x2B80, v11  }
0x7d: {  	s0 =	rddreg [dreg:$0x2];
	v12 =	vsel vm2, $0x2D80, v12;
	v13 =	vsel vm2, $0x2F80, v13;
	v17 =	vsel vm2, $0x6180, v18  }
0x7e: {  	s1 =	rddreg [dreg:$0x3];
	v18 =	vimm.s32 $0x7380;
	v19 =	vsel vm2, $0x6580, v19;
	v20 =	vsel vm2, $0x6780, v20  }
0x7f: {  	s4 =	rddreg [dreg:$0x4];
	v21 =	vsel vm2, $0x6980, v21;
	v9 =	vsel vm14, $0x600, v9;
	v18 =	vsel vm14, $0x4200, v18  }
0x80: {  	s5 =	srdreg.scid;
	s18 =	simm.s32 $0x0;
	s7 =	stileid.u32;
	v22 =	vsel vm2, $0x6B80, v22;
	v9 =	vsel vm13, $0x1600, v9;
	v18 =	vsel vm13, $0x5200, v18  }
0x81: {  	s20 =	simm.s32 $0x7;
	s11 =	simm.s32 $0x7A1400;
	s12 =	simm.s32 $0x400;
	v23 =	vsel vm2, $0x6D80, v23;
	v9 =	vsel vm12, $0x2600, v9;
	v18 =	vsel vm12, $0x6200, v18  }
0x82: {  	s13 =	simm.s32 $0x1500;
	s14 =	simm.s32 $0xD500;
	s9 =	simm.s32 $0x3;
	v24 =	vsel vm2, $0x6F80, v24;
	v9 =	vsel vm11, $0x3600, v9;
	v18 =	vsel vm11, $0x7200, v18  }
0x83: {  	s15 =	simm.s32 $0x4;
	s16 =	simm.s32 $0x5;
	s17 =	simm.s32 $0x6;
	v25 =	vsel vm2, $0xA180, v25;
	v9 =	vsel vm10, $0x680, v9;
	v18 =	vsel vm10, $0x4280, v18  }
0x84: {  	s10 =	simm.s32 $0x7500;
	s28 =	simm.s32 $0x16500;
	s29 =	simm.s32 $0xB500;
	v26 =	vsel vm2, $0xA380, v26;
	v9 =	vsel vm9, $0x1680, v9;
	v18 =	vsel vm9, $0x5280, v18  }
0x85: {  	s30 =	simm.s32 $0x17500;
	s5 =	sand.u32 $0x1, s5;
	s7 =	sshll.u32 s7, $0x7;
	v27 =	vsel vm2, $0xA580, v27;
	v9 =	vsel vm8, $0x2680, v9;
	v18 =	vsel vm8, $0x6280, v18  }
0x86: {  	[smem:$0x7FF] =	sst s18;
	s6 =	ssub.s32 $0x2, s5;
	s5 =	sshll.u32 s5, $0x6;
	v28 =	vsel vm2, $0xA780, v28;
	v9 =	vsel vm7, $0x3680, v9;
	v18 =	vsel vm7, $0x7280, v18  }
0x87: {  	s31 =	simm.s32 $0xC500;
	_ =	strace $0x80000047;
	s5 =	sor.u32 s5, s7;
	v29 =	vsel vm2, $0xA980, v29;
	v9 =	vsel vm6, $0x700, v9;
	v18 =	vsel vm6, $0x4300, v18  }
0x88: {  	s8 =	sshrl.u32 s6, $0x1;
	s7 =	simm.s32 $0x14500;
	s2 =	sadd.s32 s2, s5;
	v30 =	vsel vm2, $0xAB80, v30;
	v9 =	vsel vm5, $0x1700, v9;
	v18 =	vsel vm5, $0x5300, v18  }
0x89: {  	s6 =	ssub.s32 s6, s8;
	s24 =	sadd.s32 s3, s5;
	[dreg:$0x6] =	wrdreg s2;
	v31 =	vsel vm2, $0xAD80, v31;
	v9 =	vsel vm4, $0x2700, v9;
	v18 =	vsel vm4, $0x6300, v18  }
0x8a: {  	s25 =	sadd.s32 s4, s5;
	s8 =	simm.s32 $0x1;
	[dreg:$0x7] =	wrdreg s24;
	v32 =	vsel vm2, $0xAF80, v32;
	v9 =	vsel vm3, $0x3700, v9;
	v18 =	vsel vm3, $0x7300, v18  }
0x8b: {  	s4 =	simm.s32 $0x2;
	s5 =	simm.s32 $0x13500;
	[dreg:$0x8] =	wrdreg s25;
	v7 =	vsel vm0, $0x380, v7;
	v9 =	vsel vm0, $0x780, v9;
	v18 =	vsel vm0, $0x4380, v18  }
0x8c: {  	s26 =	smax.u32 s6, $0x1;
	s2 =	simm.s32 $0x0;
	s6 =	simm.s32 $0x8500;
	v7 =	vsel vm1, $0x1380, v7;
	v9 =	vsel vm1, $0x1780, v9;
	v18 =	vsel vm1, $0x5380, v18  }
0x8d: {  	s25 =	simm.s32 $0x15500;
	[dreg:$0x9] =	wrdreg s26;
	s26 =	simm.s32 $0xA500;
	v7 =	vsel vm2, $0x2380, v7;
	v9 =	vsel vm2, $0x2780, v9;
	v18 =	vsel vm2, $0x6380, v18  }
.LBB2_1:
0x8e: {  	[dreg:$0xa] =	wrdreg s2  }
0x8f: {  	s19 =	rddreg [dreg:$0x6]  }
0x90: {  	[tilespmem:s18], [sflag:$0x7] =	stream.linear.gather [hbm4b:s19+s18], $0x200, $0x38;
	[tilespmem:$0x19780] =	vst v63  }
0x91: {  	_ =	swait.ge [sflag:s20], $0x200  }
0x92: {  	[sflag:s20] =	ssyncset.done $0x0  }
0x93: {  	s21 =	simm.s32 $0x200;
	s23 =	rddreg [dreg:$0x7];
	[sflag:s20] =	ssyncadd.s32 $0xFFFFFE00  }
0x94: {  	[tilespmem:s21], [sflag:$0x7] =	stream.linear.gather [hbm4b:s23+s18], $0x200, $0x38;
	[tilespmem:$0x19780] =	vst v63  }
0x95: {  	_ =	swait.ge [sflag:s20], $0x200  }
0x96: {  	[sflag:s20] =	ssyncset.done $0x0  }
0x97: {  	[sflag:s20] =	ssyncadd.s32 $0xFFFFFE00  }
0x98: {  	[tilespmem:$0xC00] =	vst v0  }
0x99: {  	[tilespmem:$0x1480] =	vst v0  }
0x9a: {  	[tilespmem:$0xC10] =	vst v0  }
0x9b: {  	[tilespmem:$0x1490] =	vst v0  }
0x9c: {  	[tilespmem:$0xC20] =	vst v0  }
0x9d: {  	[tilespmem:$0x14A0] =	vst v0  }
0x9e: {  	[tilespmem:$0xC30] =	vst v0  }
0x9f: {  	s24 =	simm.s32 $0x0;
	[tilespmem:$0x14B0] =	vst v0  }
0xa0: {  	v33 =	vld [tilespmem:s24+$0x0]  }
0xa1: {  	v34 =	vld [tilespmem:s24+$0x200];
	_ =	sdelay $0x3  }
0xa2: {  	v35 =	vperm.xlane v33, v2  }
0xa3: {  	s18 =	simm.s32 $0x420;
	v36 =	vperm.xlane v34, v2  }
0xa4: {  	s20 =	simm.s32 $0xCA0;
	v59 =	vperm.xlane v33, v3;
	[tilespmem:s18+$0xFFFFFFE0] =	vst v35  }
0xa5: {  	v60 =	vperm.xlane v34, v3;
	[tilespmem:s20+$0xFFFFFFE0] =	vst v36  }
0xa6: {  	v61 =	vperm.xlane v33, v4;
	[tilespmem:s18+$0xFFFFFFF0] =	vst v59  }
0xa7: {  	v62 =	vperm.xlane v34, v4;
	[tilespmem:s20+$0xFFFFFFF0] =	vst v60  }
0xa8: {  	v63 =	vperm.xlane v33, v5;
	[tilespmem:s18+$0x0] =	vst v61  }
0xa9: {  	[tilespmem:s20+$0x0] =	vst v62  }
0xaa: {  	s22 =	simm.s32 $0x80;
	s19 =	simm.s32 $0xCE0;
	s21 =	simm.s32 $0x40;
	v33 =	vperm.xlane v34, v5;
	[tilespmem:s18+$0x10] =	vst v63  }
.LBB2_2:
0xab: {  	s23 =	sshra.s32 s21, $0x2;
	s18 =	sadd.s32 $0x40, s18  }
0xac: {  	[tilespmem:s20+$0x10] =	vst v33;
	s21 =	smov.u32 s22;
	s24 =	sadd.s32 $0x40, s22;
	s20 =	smov.u32 s19  }
0xad: {  	p0 =	sne.s32 s22, $0x7C0;
	v33 =	vld [tilespmem:s23+$0x0]  }
0xae: {  	v34 =	vld [tilespmem:s23+$0x200];
	_ =	sdelay $0x3  }
0xaf: {  	v35 =	vperm.xlane v33, v2  }
0xb0: {  	v36 =	vperm.xlane v34, v2  }
0xb1: {  	[tilespmem:s18+$0xFFFFFFE0] =	vst v35;
	v35 =	vperm.xlane v33, v3  }
0xb2: {  	[tilespmem:s19+$0xFFFFFFE0] =	vst v36;
	v36 =	vperm.xlane v34, v3  }
.Ltmp0:
0xb3: {  	[tilespmem:s18+$0xFFFFFFF0] =	vst v35;
	v35 =	vperm.xlane v33, v4;
	(pc) =	sbr.rel @p0 .LBB2_2-.Ltmp0, $4  }
0xb4: {  	[tilespmem:s19+$0xFFFFFFF0] =	vst v36;
	v36 =	vperm.xlane v34, v4  }
0xb5: {  	[tilespmem:s18+$0x0] =	vst v35;
	v35 =	vperm.xlane v33, v5  }
0xb6: {  	v33 =	vperm.xlane v34, v5;
	[tilespmem:s19+$0x0] =	vst v36  }
0xb7: {  	s22 =	smov.u32 s24;
	s19 =	sadd.s32 $0x40, s19;
	[tilespmem:s18+$0x10] =	vst v35  }
0xb8: {  	s21 =	sshra.s32 s21, $0x2;
	[tilespmem:s20+$0x10] =	vst v33  }
0xb9: {  	v33 =	vld [tilespmem:s21+$0x0]  }
0xba: {  	v34 =	vld [tilespmem:s21+$0x200];
	_ =	sdelay $0x3  }
0xbb: {  	v35 =	vperm.xlane v33, v2  }
0xbc: {  	s18 =	sadd.s32 $0x40, s18;
	v36 =	vperm.xlane v34, v2  }
0xbd: {  	v56 =	vperm.xlane v33, v3;
	[tilespmem:s18+$0xFFFFFFE0] =	vst v35  }
0xbe: {  	v57 =	vperm.xlane v34, v3;
	[tilespmem:s19+$0xFFFFFFE0] =	vst v36  }
0xbf: {  	v58 =	vperm.xlane v33, v4;
	[tilespmem:s18+$0xFFFFFFF0] =	vst v56  }
0xc0: {  	v59 =	vperm.xlane v34, v4;
	[tilespmem:s19+$0xFFFFFFF0] =	vst v57  }
0xc1: {  	v33 =	vperm.xlane v33, v5;
	[tilespmem:s18+$0x0] =	vst v58  }
0xc2: {  	v34 =	vperm.xlane v34, v5;
	[tilespmem:s19+$0x0] =	vst v59  }
0xc3: {  	[tilespmem:s18+$0x10] =	vst v33  }
0xc4: {  	[tilespmem:s19+$0x10] =	vst v34  }
0xc5: {  	v33 =	vld [tilespmem:$0x400];
	_ =	sdelay $0x1  }
0xc6: {  	v34 =	vld [tilespmem:$0xC80];
	_ =	sdelay $0x2  }
0xc7: {  	(v2sf) =	vpush v33, $0x0;
	_ =	sdelay $0x1  }
0xc8: {  	(v2sf) =	vpush v34, $0x0;
	_ =	sdelay $0x1  }
0xc9: {  	(v2sf) =	vpush v33, $0x1;
	_ =	sdelay $0x5  }
0xca: {  	(v2sf) =	vpush v34, $0x1;
	_ =	sdelay $0x4  }
0xcb: {  	s24 =	spop (v2sf);
	(v2sf) =	vpush v33, $0x2;
	_ =	sdelay $0x1  }
0xcc: {  	s2 =	spop (v2sf);
	(v2sf) =	vpush v34, $0x2  }
0xcd: {  	s18 =	sand.u32 $0xFFFFF80, s24  }
0xce: {  	s18 =	sadd.s32 s0, s18;
	s3 =	spop (v2sf)  }
0xcf: {  	(v2sf) =	vpush v33, $0x3;
	[tilespmem:s13], [sflag:$0x1] =	stream.strided.gather [hbm4b:s18+s12], $0x1000, s11, s12, $0x38;
	[tilespmem:$0x19780] =	vst v63  }
0xd0: {  	s18 =	sand.u32 $0xFFFFF80, s2  }
0xd1: {  	s18 =	sadd.s32 s1, s18  }
0xd2: {  	(v2sf) =	vpush v34, $0x3;
	[tilespmem:s14], [sflag:$0x2] =	stream.strided.gather [hbm4b:s18+s12], $0x1000, s11, s12, $0x38;
	[tilespmem:$0x19780] =	vst v63  }
0xd3: {  	s18 =	sand.u32 $0xFFFFF80, s3  }
0xd4: {  	s2 =	simm.s32 $0x2500;
	s19 =	spop (v2sf);
	s18 =	sadd.s32 s0, s18  }
0xd5: {  	[tilespmem:s2], [sflag:$0x1] =	stream.strided.gather [hbm4b:s18+s12], $0x1000, s11, s12, $0x38;
	[tilespmem:$0x19780] =	vst v63  }
0xd6: {  	s18 =	sand.u32 $0xFFFFF80, s19  }
0xd7: {  	s23 =	simm.s32 $0xE500;
	s18 =	sadd.s32 s1, s18  }
0xd8: {  	[tilespmem:s23], [sflag:$0x2] =	stream.strided.gather [hbm4b:s18+s12], $0x1000, s11, s12, $0x38;
	[tilespmem:$0x19780] =	vst v63  }
0xd9: {  	s20 =	spop (v2sf)  }
0xda: {  	s18 =	sand.u32 $0xFFFFF80, s20  }
0xdb: {  	s21 =	simm.s32 $0x3500;
	s22 =	spop (v2sf);
	s18 =	sadd.s32 s0, s18  }
0xdc: {  	[tilespmem:s21], [sflag:$0x1] =	stream.strided.gather [hbm4b:s18+s12], $0x1000, s11, s12, $0x38;
	[tilespmem:$0x19780] =	vst v63  }
0xdd: {  	s18 =	sand.u32 $0xFFFFF80, s22  }
0xde: {  	s24 =	simm.s32 $0xF500;
	s3 =	spop (v2sf);
	s18 =	sadd.s32 s1, s18  }
0xdf: {  	[tilespmem:s24], [sflag:$0x2] =	stream.strided.gather [hbm4b:s18+s12], $0x1000, s11, s12, $0x38;
	[tilespmem:$0x19780] =	vst v63  }
0xe0: {  	s18 =	sand.u32 $0xFFFFF80, s3  }
0xe1: {  	s19 =	simm.s32 $0x4500;
	s20 =	spop (v2sf);
	s18 =	sadd.s32 s0, s18  }
0xe2: {  	[tilespmem:s19], [sflag:$0x1] =	stream.strided.gather [hbm4b:s18+s12], $0x1000, s11, s12, $0x38;
	[tilespmem:$0x19780] =	vst v63  }
0xe3: {  	s18 =	sand.u32 $0xFFFFF80, s20  }
0xe4: {  	s21 =	simm.s32 $0x10500;
	s18 =	sadd.s32 s1, s18  }
0xe5: {  	[tilespmem:s21], [sflag:$0x2] =	stream.strided.gather [hbm4b:s18+s12], $0x1000, s11, s12, $0x38;
	[tilespmem:$0x19780] =	vst v63  }
0xe6: {  	v60 =	vld [tilespmem:$0x410];
	_ =	sdelay $0x1  }
0xe7: {  	v61 =	vld [tilespmem:$0xC90];
	_ =	sdelay $0x2  }
0xe8: {  	(v2sf) =	vpush v60, $0x0;
	_ =	sdelay $0x1  }
0xe9: {  	(v2sf) =	vpush v61, $0x0;
	_ =	sdelay $0x1  }
0xea: {  	(v2sf) =	vpush v60, $0x1  }
0xeb: {  	(v2sf) =	vpush v61, $0x1;
	_ =	sdelay $0x5  }
0xec: {  	(v2sf) =	vpush v60, $0x2;
	_ =	sdelay $0x3  }
0xed: {  	s22 =	spop (v2sf)  }
0xee: {  	(v2sf) =	vpush v61, $0x2;
	s18 =	sand.u32 $0xFFFFF80, s22  }
0xef: {  	s24 =	simm.s32 $0x5500;
	s3 =	spop (v2sf);
	s18 =	sadd.s32 s0, s18  }
0xf0: {  	(v2sf) =	vpush v60, $0x3;
	[tilespmem:s24], [sflag:$0x3] =	stream.strided.gather [hbm4b:s18+s12], $0x1000, s11, s12, $0x38;
	[tilespmem:$0x19780] =	vst v63  }
0xf1: {  	s20 =	spop (v2sf);
	s18 =	sand.u32 $0xFFFFF80, s3  }
0xf2: {  	s19 =	simm.s32 $0x11500;
	s22 =	spop (v2sf);
	s18 =	sadd.s32 s1, s18  }
0xf3: {  	(v2sf) =	vpush v61, $0x3;
	[tilespmem:s19], [sflag:$0x4] =	stream.strided.gather [hbm4b:s18+s12], $0x1000, s11, s12, $0x38;
	[tilespmem:$0x19780] =	vst v63  }
0xf4: {  	s18 =	sand.u32 $0xFFFFF80, s20  }
0xf5: {  	s21 =	simm.s32 $0x6500;
	s18 =	sadd.s32 s0, s18  }
0xf6: {  	[tilespmem:s21], [sflag:$0x3] =	stream.strided.gather [hbm4b:s18+s12], $0x1000, s11, s12, $0x38;
	[tilespmem:$0x19780] =	vst v63  }
0xf7: {  	s18 =	sand.u32 $0xFFFFF80, s22  }
0xf8: {  	s24 =	simm.s32 $0x12500;
	s2 =	spop (v2sf);
	s18 =	sadd.s32 s1, s18  }
0xf9: {  	[tilespmem:s24], [sflag:$0x4] =	stream.strided.gather [hbm4b:s18+s12], $0x1000, s11, s12, $0x38;
	[tilespmem:$0x19780] =	vst v63  }
0xfa: {  	s18 =	sand.u32 $0xFFFFF80, s2  }
0xfb: {  	s18 =	sadd.s32 s0, s18  }
0xfc: {  	[tilespmem:s10], [sflag:$0x3] =	stream.strided.gather [hbm4b:s18+s12], $0x1000, s11, s12, $0x38;
	[tilespmem:$0x19780] =	vst v63  }
0xfd: {  	s3 =	spop (v2sf)  }
0xfe: {  	s18 =	sand.u32 $0xFFFFF80, s3  }
0xff: {  	s19 =	spop (v2sf);
	s18 =	sadd.s32 s1, s18  }
0x100: {  	[tilespmem:s5], [sflag:$0x4] =	stream.strided.gather [hbm4b:s18+s12], $0x1000, s11, s12, $0x38;
	[tilespmem:$0x19780] =	vst v63  }
0x101: {  	s18 =	sand.u32 $0xFFFFF80, s19  }
0x102: {  	s20 =	spop (v2sf);
	s18 =	sadd.s32 s0, s18  }
0x103: {  	[tilespmem:s6], [sflag:$0x3] =	stream.strided.gather [hbm4b:s18+s12], $0x1000, s11, s12, $0x38;
	[tilespmem:$0x19780] =	vst v63  }
0x104: {  	s18 =	sand.u32 $0xFFFFF80, s20  }
0x105: {  	s18 =	sadd.s32 s1, s18  }
0x106: {  	[tilespmem:s7], [sflag:$0x4] =	stream.strided.gather [hbm4b:s18+s12], $0x1000, s11, s12, $0x38;
	[tilespmem:$0x19780] =	vst v63  }
0x107: {  	v62 =	vld [tilespmem:$0x420]  }
0x108: {  	v63 =	vld [tilespmem:$0xCA0];
	_ =	sdelay $0x3  }
0x109: {  	(v2sf) =	vpush v62, $0x0  }
0x10a: {  	(v2sf) =	vpush v63, $0x0;
	_ =	sdelay $0x1  }
0x10b: {  	(v2sf) =	vpush v62, $0x1;
	_ =	sdelay $0x4  }
0x10c: {  	(v2sf) =	vpush v63, $0x1  }
0x10d: {  	(v2sf) =	vpush v62, $0x2;
	_ =	sdelay $0x5  }
0x10e: {  	s21 =	spop (v2sf);
	(v2sf) =	vpush v63, $0x2  }
0x10f: {  	s22 =	spop (v2sf);
	(v2sf) =	vpush v62, $0x3  }
0x110: {  	s18 =	sand.u32 $0xFFFFF80, s21  }
0x111: {  	s24 =	simm.s32 $0x9500;
	s18 =	sadd.s32 s0, s18;
	s2 =	spop (v2sf)  }
0x112: {  	(v2sf) =	vpush v63, $0x3;
	[tilespmem:s24], [sflag:$0x5] =	stream.strided.gather [hbm4b:s18+s12], $0x1000, s11, s12, $0x38;
	[tilespmem:$0x19780] =	vst v63  }
0x113: {  	s18 =	sand.u32 $0xFFFFF80, s22  }
0x114: {  	s18 =	sadd.s32 s1, s18  }
0x115: {  	[tilespmem:s25], [sflag:$0x6] =	stream.strided.gather [hbm4b:s18+s12], $0x1000, s11, s12, $0x38;
	[tilespmem:$0x19780] =	vst v63  }
0x116: {  	s3 =	spop (v2sf);
	s18 =	sand.u32 $0xFFFFF80, s2  }
0x117: {  	s19 =	sand.u32 $0xFFFFF80, s3;
	s20 =	spop (v2sf);
	s18 =	sadd.s32 s0, s18  }
0x118: {  	[tilespmem:s26], [sflag:$0x5] =	stream.strided.gather [hbm4b:s18+s12], $0x1000, s11, s12, $0x38;
	[tilespmem:$0x19780] =	vst v63  }
0x119: {  	s21 =	sand.u32 $0xFFFFF80, s20;
	s18 =	sadd.s32 s1, s19  }
0x11a: {  	[tilespmem:s28], [sflag:$0x6] =	stream.strided.gather [hbm4b:s18+s12], $0x1000, s11, s12, $0x38;
	[tilespmem:$0x19780] =	vst v63  }
0x11b: {  	s18 =	sadd.s32 s0, s21  }
0x11c: {  	[tilespmem:s29], [sflag:$0x5] =	stream.strided.gather [hbm4b:s18+s12], $0x1000, s11, s12, $0x38;
	[tilespmem:$0x19780] =	vst v63  }
0x11d: {  	s22 =	spop (v2sf)  }
0x11e: {  	s2 =	sand.u32 $0xFFFFF80, s22;
	s3 =	spop (v2sf)  }
0x11f: {  	s18 =	sadd.s32 s1, s2;
	s20 =	sand.u32 $0xFFFFF80, s3  }
0x120: {  	[tilespmem:s30], [sflag:$0x6] =	stream.strided.gather [hbm4b:s18+s12], $0x1000, s11, s12, $0x38;
	[tilespmem:$0x19780] =	vst v63  }
0x121: {  	s21 =	spop (v2sf);
	s18 =	sadd.s32 s0, s20  }
0x122: {  	[tilespmem:s31], [sflag:$0x5] =	stream.strided.gather [hbm4b:s18+s12], $0x1000, s11, s12, $0x38;
	[tilespmem:$0x19780] =	vst v63  }
0x123: {  	s18 =	sand.u32 $0xFFFFF80, s21  }
0x124: {  	s19 =	simm.s32 $0xCB0;
	s22 =	simm.s32 $0x18500;
	s18 =	sadd.s32 s1, s18  }
0x125: {  	[tilespmem:s22], [sflag:$0x6] =	stream.strided.gather [hbm4b:s18+s12], $0x1000, s11, s12, $0x38;
	[tilespmem:$0x19780] =	vst v63  }
0x126: {  	v33 =	vimm.f32 $0.0e+00;
	s20 =	simm.s32 $0x430;
	s21 =	simm.s32 $0x0;
	s18 =	simm.s32 $0x0  }
.LBB2_4:
0x127: {  	_ =	swait.ge [sflag:s8], $0x1000  }
0x128: {  	[sflag:s8] =	ssyncset.done $0x0  }
0x129: {  	[sflag:s8] =	ssyncadd.s32 $0xFFFFF000  }
0x12a: {  	_ =	swait.ge [sflag:s4], $0x1000  }
0x12b: {  	[sflag:s4] =	ssyncset.done $0x0  }
0x12c: {  	[sflag:s4] =	ssyncadd.s32 $0xFFFFF000  }
0x12d: {  	_ =	swait.ge [sflag:s8], $0x1000  }
0x12e: {  	[sflag:s8] =	ssyncset.done $0x0  }
0x12f: {  	[sflag:s8] =	ssyncadd.s32 $0xFFFFF000  }
0x130: {  	_ =	swait.ge [sflag:s4], $0x1000  }
0x131: {  	[sflag:s4] =	ssyncset.done $0x0  }
0x132: {  	[sflag:s4] =	ssyncadd.s32 $0xFFFFF000  }
0x133: {  	_ =	swait.ge [sflag:s8], $0x1000  }
0x134: {  	[sflag:s8] =	ssyncset.done $0x0  }
0x135: {  	[sflag:s8] =	ssyncadd.s32 $0xFFFFF000  }
0x136: {  	_ =	swait.ge [sflag:s4], $0x1000  }
0x137: {  	[sflag:s4] =	ssyncset.done $0x0  }
0x138: {  	[sflag:s4] =	ssyncadd.s32 $0xFFFFF000  }
0x139: {  	_ =	swait.ge [sflag:s8], $0x1000  }
0x13a: {  	[sflag:s8] =	ssyncset.done $0x0  }
0x13b: {  	[sflag:s8] =	ssyncadd.s32 $0xFFFFF000  }
0x13c: {  	_ =	swait.ge [sflag:s4], $0x1000  }
0x13d: {  	[sflag:s4] =	ssyncset.done $0x0  }
0x13e: {  	[sflag:s4] =	ssyncadd.s32 $0xFFFFF000  }
0x13f: {  	v34 =	vld [tilespmem:s20+$0xFFFFFFD0]  }
0x140: {  	v35 =	vld [tilespmem:s19+$0xFFFFFFD0];
	_ =	sdelay $0x3  }
0x141: {  	v34 =	vperm.xlane v34, v2  }
0x142: {  	v35 =	vperm.xlane v35, v2  }
0x143: {  	v34 =	vand.u32 $0x7F, v34  }
0x144: {  	v35 =	vand.u32 $0x7F, v35;
	v36 =	vor.u32 v6, v34  }
0x145: {  	v37 =	vor.u32 v6, v35  }
0x146: {  	v38 =	vor.u32 v7, v34  }
0x147: {  	v39 =	vor.u32 v7, v35  }
0x148: {  	v40 =	vor.u32 v8, v34  }
0x149: {  	v41 =	vor.u32 v8, v35;
	v36 =	vld.idx.msk [tilespmem:v36+s13+$0x0], $0xffff  }
0x14a: {  	v42 =	vor.u32 v9, v34;
	v37 =	vld.idx.msk [tilespmem:v37+s14+$0x0], $0xffff  }
0x14b: {  	v43 =	vor.u32 v9, v35;
	v38 =	vld.idx.msk [tilespmem:v38+s13+$0x0], $0xffff  }
0x14c: {  	v44 =	vor.u32 v10, v34;
	v39 =	vld.idx.msk [tilespmem:v39+s14+$0x0], $0xffff  }
0x14d: {  	v45 =	vor.u32 v10, v35;
	v40 =	vld.idx.msk [tilespmem:v40+s13+$0x0], $0xffff  }
0x14e: {  	v46 =	vor.u32 v11, v34;
	v41 =	vld.idx.msk [tilespmem:v41+s14+$0x0], $0xffff  }
0x14f: {  	v58 =	vor.u32 v11, v35;
	v57 =	vld.idx.msk [tilespmem:v42+s13+$0x0], $0xffff;
	v36 =	vmul.f32 v37, v36  }
0x150: {  	v47 =	vor.u32 v12, v34;
	v43 =	vld.idx.msk [tilespmem:v43+s14+$0x0], $0xffff  }
0x151: {  	v60 =	vor.u32 v12, v35;
	v59 =	vld.idx.msk [tilespmem:v44+s13+$0x0], $0xffff;
	v38 =	vmul.f32 v39, v38;
	v36 =	vadd.f32 $0.0e+00, v36  }
0x152: {  	v34 =	vor.u32 v13, v34;
	v45 =	vld.idx.msk [tilespmem:v45+s14+$0x0], $0xffff  }
0x153: {  	v35 =	vor.u32 v13, v35;
	v62 =	vld.idx.msk [tilespmem:v46+s13+$0x0], $0xffff;
	v61 =	vmul.f32 v41, v40;
	v36 =	vadd.f32 v38, v36  }
0x154: {  	v63 =	vld.idx.msk [tilespmem:v58+s14+$0x0], $0xffff  }
0x155: {  	v46 =	vld.idx.msk [tilespmem:v47+s13+$0x0], $0xffff;
	v37 =	vmul.f32 v43, v57;
	v36 =	vadd.f32 v61, v36  }
0x156: {  	v47 =	vld.idx.msk [tilespmem:v60+s14+$0x0], $0xffff  }
0x157: {  	v34 =	vld.idx.msk [tilespmem:v34+s13+$0x0], $0xffff;
	v48 =	vmul.f32 v45, v59;
	v36 =	vadd.f32 v37, v36  }
0x158: {  	v35 =	vld.idx.msk [tilespmem:v35+s14+$0x0], $0xffff  }
0x159: {  	v49 =	vmul.f32 v63, v62;
	v36 =	vadd.f32 v48, v36;
	_ =	sdelay $0x1  }
0x15a: {  	v50 =	vmul.f32 v47, v46;
	v36 =	vadd.f32 v49, v36;
	_ =	sdelay $0x1  }
0x15b: {  	v34 =	vmul.f32 v35, v34;
	v36 =	vadd.f32 v50, v36;
	_ =	sdelay $0x1  }
0x15c: {  	v34 =	vadd.f32 v34, v36;
	_ =	sdelay $0x1  }
0x15d: {  	v51 =	vperm.xlane v34, v14;
	_ =	sdelay $0x1  }
0x15e: {  	v34 =	vadd.f32 v34, v51;
	_ =	sdelay $0x1  }
0x15f: {  	v35 =	vperm.xlane v34, v15  }
0x160: {  	s22 =	sshll.u32 s18, $0x2  }
0x161: {  	v52 =	vmov s22;
	v34 =	vadd.f32 v34, v35  }
0x162: {  	s3 =	sand.u32 $0x3, s18;
	v35 =	vsub.s32 v1, v52  }
0x163: {  	v53 =	vmov s3;
	v34 =	vperm.xlane v34, v35  }
0x164: {  	vm0 =	veq.s32 v53, v16  }
0x165: {  	s3 =	sand.u32 $0x3F0, s21;
	v33 =	vsel vm0, v34, v33  }
0x166: {  	[tilespmem:s3+$0x19500] =	vst v33  }
0x167: {  	v54 =	vld [tilespmem:s20+$0x0];
	_ =	sdelay $0x1  }
0x168: {  	v55 =	vld [tilespmem:s19+$0x0];
	_ =	sdelay $0x2  }
0x169: {  	(v2sf) =	vpush v54, $0x0;
	_ =	sdelay $0x1  }
0x16a: {  	(v2sf) =	vpush v55, $0x0;
	_ =	sdelay $0x2  }
0x16b: {  	(v2sf) =	vpush v54, $0x1;
	_ =	sdelay $0x4  }
0x16c: {  	(v2sf) =	vpush v55, $0x1;
	_ =	sdelay $0x4  }
0x16d: {  	s3 =	spop (v2sf);
	(v2sf) =	vpush v54, $0x2  }
0x16e: {  	s22 =	sand.u32 $0xFFFFF80, s3  }
0x16f: {  	s3 =	spop (v2sf);
	(v2sf) =	vpush v55, $0x2;
	s22 =	sadd.s32 s0, s22  }
0x170: {  	[tilespmem:s13], [sflag:$0x1] =	stream.strided.gather [hbm4b:s22+s12], $0x1000, s11, s12, $0x38;
	[tilespmem:$0x19780] =	vst v63  }
0x171: {  	s22 =	sand.u32 $0xFFFFF80, s3  }
0x172: {  	s3 =	spop (v2sf);
	(v2sf) =	vpush v54, $0x3;
	s22 =	sadd.s32 s1, s22  }
0x173: {  	[tilespmem:s14], [sflag:$0x2] =	stream.strided.gather [hbm4b:s22+s12], $0x1000, s11, s12, $0x38;
	[tilespmem:$0x19780] =	vst v63  }
0x174: {  	s22 =	sand.u32 $0xFFFFF80, s3  }
0x175: {  	s3 =	simm.s32 $0x2500;
	s22 =	sadd.s32 s0, s22  }
0x176: {  	[tilespmem:s3], [sflag:$0x1] =	stream.strided.gather [hbm4b:s22+s12], $0x1000, s11, s12, $0x38;
	[tilespmem:$0x19780] =	vst v63  }
0x177: {  	s3 =	spop (v2sf);
	(v2sf) =	vpush v55, $0x3;
	_ =	sdelay $0x1  }
0x178: {  	s22 =	sand.u32 $0xFFFFF80, s3  }
0x179: {  	s22 =	sadd.s32 s1, s22  }
0x17a: {  	[tilespmem:s23], [sflag:$0x2] =	stream.strided.gather [hbm4b:s22+s12], $0x1000, s11, s12, $0x38;
	[tilespmem:$0x19780] =	vst v63  }
0x17b: {  	s3 =	spop (v2sf)  }
0x17c: {  	s22 =	sand.u32 $0xFFFFF80, s3  }
0x17d: {  	s23 =	simm.s32 $0x3500;
	s3 =	spop (v2sf);
	s22 =	sadd.s32 s0, s22  }
0x17e: {  	[tilespmem:s23], [sflag:$0x1] =	stream.strided.gather [hbm4b:s22+s12], $0x1000, s11, s12, $0x38;
	[tilespmem:$0x19780] =	vst v63  }
0x17f: {  	s22 =	sand.u32 $0xFFFFF80, s3  }
0x180: {  	s23 =	simm.s32 $0xF500;
	s3 =	spop (v2sf);
	s22 =	sadd.s32 s1, s22  }
0x181: {  	[tilespmem:s23], [sflag:$0x2] =	stream.strided.gather [hbm4b:s22+s12], $0x1000, s11, s12, $0x38;
	[tilespmem:$0x19780] =	vst v63  }
0x182: {  	s22 =	sand.u32 $0xFFFFF80, s3  }
0x183: {  	s23 =	simm.s32 $0x4500;
	s22 =	sadd.s32 s0, s22  }
0x184: {  	[tilespmem:s23], [sflag:$0x1] =	stream.strided.gather [hbm4b:s22+s12], $0x1000, s11, s12, $0x38;
	[tilespmem:$0x19780] =	vst v63  }
0x185: {  	s3 =	spop (v2sf)  }
0x186: {  	s22 =	sand.u32 $0xFFFFF80, s3  }
0x187: {  	s23 =	simm.s32 $0x10500;
	s22 =	sadd.s32 s1, s22  }
0x188: {  	[tilespmem:s23], [sflag:$0x2] =	stream.strided.gather [hbm4b:s22+s12], $0x1000, s11, s12, $0x38;
	[tilespmem:$0x19780] =	vst v63  }
0x189: {  	_ =	swait.ge [sflag:s9], $0x1000  }
0x18a: {  	[sflag:s9] =	ssyncset.done $0x0  }
0x18b: {  	[sflag:s9] =	ssyncadd.s32 $0xFFFFF000  }
0x18c: {  	_ =	swait.ge [sflag:s15], $0x1000  }
0x18d: {  	[sflag:s15] =	ssyncset.done $0x0  }
0x18e: {  	[sflag:s15] =	ssyncadd.s32 $0xFFFFF000  }
0x18f: {  	_ =	swait.ge [sflag:s9], $0x1000  }
0x190: {  	[sflag:s9] =	ssyncset.done $0x0  }
0x191: {  	[sflag:s9] =	ssyncadd.s32 $0xFFFFF000  }
0x192: {  	_ =	swait.ge [sflag:s15], $0x1000  }
0x193: {  	[sflag:s15] =	ssyncset.done $0x0  }
0x194: {  	[sflag:s15] =	ssyncadd.s32 $0xFFFFF000  }
0x195: {  	_ =	swait.ge [sflag:s9], $0x1000  }
0x196: {  	[sflag:s9] =	ssyncset.done $0x0  }
0x197: {  	[sflag:s9] =	ssyncadd.s32 $0xFFFFF000  }
0x198: {  	_ =	swait.ge [sflag:s15], $0x1000  }
0x199: {  	[sflag:s15] =	ssyncset.done $0x0  }
0x19a: {  	[sflag:s15] =	ssyncadd.s32 $0xFFFFF000  }
0x19b: {  	_ =	swait.ge [sflag:s9], $0x1000  }
0x19c: {  	[sflag:s9] =	ssyncset.done $0x0  }
0x19d: {  	[sflag:s9] =	ssyncadd.s32 $0xFFFFF000  }
0x19e: {  	_ =	swait.ge [sflag:s15], $0x1000  }
0x19f: {  	[sflag:s15] =	ssyncset.done $0x0  }
0x1a0: {  	[sflag:s15] =	ssyncadd.s32 $0xFFFFF000  }
0x1a1: {  	v56 =	vld [tilespmem:s20+$0xFFFFFFE0]  }
0x1a2: {  	v57 =	vld [tilespmem:s19+$0xFFFFFFE0];
	_ =	sdelay $0x3  }
0x1a3: {  	v34 =	vperm.xlane v56, v2  }
0x1a4: {  	v35 =	vperm.xlane v57, v2  }
0x1a5: {  	v34 =	vand.u32 $0x7F, v34  }
0x1a6: {  	v35 =	vand.u32 $0x7F, v35;
	v58 =	vor.u32 v17, v34  }
0x1a7: {  	v59 =	vor.u32 v17, v35  }
0x1a8: {  	v60 =	vor.u32 v18, v34  }
0x1a9: {  	v61 =	vor.u32 v18, v35  }
0x1aa: {  	v62 =	vor.u32 v19, v34  }
0x1ab: {  	v63 =	vor.u32 v19, v35;
	v36 =	vld.idx.msk [tilespmem:v58+s13+$0x0], $0xffff  }
0x1ac: {  	v48 =	vor.u32 v20, v34;
	v37 =	vld.idx.msk [tilespmem:v59+s14+$0x0], $0xffff  }
0x1ad: {  	v49 =	vor.u32 v20, v35;
	v38 =	vld.idx.msk [tilespmem:v60+s13+$0x0], $0xffff  }
0x1ae: {  	v50 =	vor.u32 v21, v34;
	v39 =	vld.idx.msk [tilespmem:v61+s14+$0x0], $0xffff  }
0x1af: {  	v51 =	vor.u32 v21, v35;
	v40 =	vld.idx.msk [tilespmem:v62+s13+$0x0], $0xffff  }
0x1b0: {  	v52 =	vor.u32 v22, v34;
	v41 =	vld.idx.msk [tilespmem:v63+s14+$0x0], $0xffff  }
0x1b1: {  	v54 =	vor.u32 v22, v35;
	v53 =	vld.idx.msk [tilespmem:v48+s13+$0x0], $0xffff;
	v36 =	vmul.f32 v37, v36  }
0x1b2: {  	v55 =	vor.u32 v23, v34;
	v43 =	vld.idx.msk [tilespmem:v49+s14+$0x0], $0xffff  }
0x1b3: {  	v57 =	vor.u32 v23, v35;
	v56 =	vld.idx.msk [tilespmem:v50+s13+$0x0], $0xffff;
	v38 =	vmul.f32 v39, v38;
	v36 =	vadd.f32 $0.0e+00, v36  }
0x1b4: {  	v34 =	vor.u32 v24, v34;
	v45 =	vld.idx.msk [tilespmem:v51+s14+$0x0], $0xffff  }
0x1b5: {  	v35 =	vor.u32 v24, v35;
	v59 =	vld.idx.msk [tilespmem:v52+s13+$0x0], $0xffff;
	v58 =	vmul.f32 v41, v40;
	v36 =	vadd.f32 v38, v36  }
0x1b6: {  	v60 =	vld.idx.msk [tilespmem:v54+s14+$0x0], $0xffff  }
0x1b7: {  	v61 =	vld.idx.msk [tilespmem:v55+s13+$0x0], $0xffff;
	v37 =	vmul.f32 v43, v53;
	v36 =	vadd.f32 v58, v36  }
0x1b8: {  	v62 =	vld.idx.msk [tilespmem:v57+s14+$0x0], $0xffff  }
0x1b9: {  	v34 =	vld.idx.msk [tilespmem:v34+s13+$0x0], $0xffff;
	v63 =	vmul.f32 v45, v56;
	v36 =	vadd.f32 v37, v36  }
0x1ba: {  	v35 =	vld.idx.msk [tilespmem:v35+s14+$0x0], $0xffff  }
0x1bb: {  	v41 =	vmul.f32 v60, v59;
	v36 =	vadd.f32 v63, v36;
	_ =	sdelay $0x1  }
0x1bc: {  	v42 =	vmul.f32 v62, v61;
	v36 =	vadd.f32 v41, v36;
	_ =	sdelay $0x1  }
0x1bd: {  	v34 =	vmul.f32 v35, v34;
	v36 =	vadd.f32 v42, v36;
	_ =	sdelay $0x1  }
0x1be: {  	v34 =	vadd.f32 v34, v36;
	_ =	sdelay $0x1  }
0x1bf: {  	v43 =	vperm.xlane v34, v14;
	_ =	sdelay $0x1  }
0x1c0: {  	v34 =	vadd.f32 v34, v43;
	_ =	sdelay $0x1  }
0x1c1: {  	s22 =	sadd.s32 $0x1, s18;
	v35 =	vperm.xlane v34, v15  }
0x1c2: {  	s3 =	sshll.u32 s22, $0x2  }
0x1c3: {  	v44 =	vmov s3;
	v34 =	vadd.f32 v34, v35  }
0x1c4: {  	s22 =	sand.u32 $0x3, s22;
	v35 =	vsub.s32 v1, v44  }
0x1c5: {  	v45 =	vmov s22;
	v34 =	vperm.xlane v34, v35  }
0x1c6: {  	s23 =	sadd.s32 $0x4, s21;
	vm14 =	veq.s32 v45, v16  }
0x1c7: {  	s22 =	sand.u32 $0x7F0, s23;
	v33 =	vsel vm14, v34, v33  }
0x1c8: {  	[tilespmem:s22+$0x19500] =	vst v33  }
0x1c9: {  	v46 =	vld [tilespmem:s20+$0x10];
	_ =	sdelay $0x1  }
0x1ca: {  	v47 =	vld [tilespmem:s19+$0x10];
	_ =	sdelay $0x2  }
0x1cb: {  	(v2sf) =	vpush v46, $0x0;
	_ =	sdelay $0x1  }
0x1cc: {  	(v2sf) =	vpush v47, $0x0;
	_ =	sdelay $0x2  }
0x1cd: {  	(v2sf) =	vpush v46, $0x1;
	_ =	sdelay $0x2  }
0x1ce: {  	(v2sf) =	vpush v47, $0x1;
	_ =	sdelay $0x6  }
0x1cf: {  	s3 =	spop (v2sf);
	(v2sf) =	vpush v46, $0x2;
	_ =	sdelay $0x1  }
0x1d0: {  	s22 =	sand.u32 $0xFFFFF80, s3;
	s3 =	spop (v2sf);
	(v2sf) =	vpush v47, $0x2  }
0x1d1: {  	s23 =	simm.s32 $0x5500;
	s22 =	sadd.s32 s0, s22  }
0x1d2: {  	[tilespmem:s23], [sflag:$0x3] =	stream.strided.gather [hbm4b:s22+s12], $0x1000, s11, s12, $0x38;
	[tilespmem:$0x19780] =	vst v63  }
0x1d3: {  	s22 =	sand.u32 $0xFFFFF80, s3;
	s3 =	spop (v2sf);
	(v2sf) =	vpush v46, $0x3  }
0x1d4: {  	s23 =	simm.s32 $0x11500;
	s22 =	sadd.s32 s1, s22  }
0x1d5: {  	[tilespmem:s23], [sflag:$0x4] =	stream.strided.gather [hbm4b:s22+s12], $0x1000, s11, s12, $0x38;
	[tilespmem:$0x19780] =	vst v63  }
0x1d6: {  	s22 =	sand.u32 $0xFFFFF80, s3;
	s3 =	spop (v2sf);
	(v2sf) =	vpush v47, $0x3;
	_ =	sdelay $0x1  }
0x1d7: {  	s23 =	simm.s32 $0x6500;
	s22 =	sadd.s32 s0, s22  }
0x1d8: {  	[tilespmem:s23], [sflag:$0x3] =	stream.strided.gather [hbm4b:s22+s12], $0x1000, s11, s12, $0x38;
	[tilespmem:$0x19780] =	vst v63  }
0x1d9: {  	s22 =	sand.u32 $0xFFFFF80, s3  }
0x1da: {  	s23 =	simm.s32 $0x12500;
	s22 =	sadd.s32 s1, s22  }
0x1db: {  	[tilespmem:s23], [sflag:$0x4] =	stream.strided.gather [hbm4b:s22+s12], $0x1000, s11, s12, $0x38;
	[tilespmem:$0x19780] =	vst v63  }
0x1dc: {  	s3 =	spop (v2sf)  }
0x1dd: {  	s22 =	sand.u32 $0xFFFFF80, s3  }
0x1de: {  	s23 =	spop (v2sf);
	s22 =	sadd.s32 s0, s22  }
0x1df: {  	[tilespmem:s10], [sflag:$0x3] =	stream.strided.gather [hbm4b:s22+s12], $0x1000, s11, s12, $0x38;
	[tilespmem:$0x19780] =	vst v63  }
0x1e0: {  	s22 =	sand.u32 $0xFFFFF80, s23  }
0x1e1: {  	s3 =	spop (v2sf);
	s22 =	sadd.s32 s1, s22  }
0x1e2: {  	[tilespmem:s5], [sflag:$0x4] =	stream.strided.gather [hbm4b:s22+s12], $0x1000, s11, s12, $0x38;
	[tilespmem:$0x19780] =	vst v63  }
0x1e3: {  	s22 =	sand.u32 $0xFFFFF80, s3  }
0x1e4: {  	s23 =	spop (v2sf);
	s22 =	sadd.s32 s0, s22  }
0x1e5: {  	[tilespmem:s6], [sflag:$0x3] =	stream.strided.gather [hbm4b:s22+s12], $0x1000, s11, s12, $0x38;
	[tilespmem:$0x19780] =	vst v63  }
0x1e6: {  	s22 =	sand.u32 $0xFFFFF80, s23  }
0x1e7: {  	s22 =	sadd.s32 s1, s22  }
0x1e8: {  	[tilespmem:s7], [sflag:$0x4] =	stream.strided.gather [hbm4b:s22+s12], $0x1000, s11, s12, $0x38;
	[tilespmem:$0x19780] =	vst v63  }
0x1e9: {  	_ =	swait.ge [sflag:s16], $0x1000  }
0x1ea: {  	[sflag:s16] =	ssyncset.done $0x0  }
0x1eb: {  	[sflag:s16] =	ssyncadd.s32 $0xFFFFF000  }
0x1ec: {  	_ =	swait.ge [sflag:s17], $0x1000  }
0x1ed: {  	[sflag:s17] =	ssyncset.done $0x0  }
0x1ee: {  	[sflag:s17] =	ssyncadd.s32 $0xFFFFF000  }
0x1ef: {  	_ =	swait.ge [sflag:s16], $0x1000  }
0x1f0: {  	[sflag:s16] =	ssyncset.done $0x0  }
0x1f1: {  	[sflag:s16] =	ssyncadd.s32 $0xFFFFF000  }
0x1f2: {  	_ =	swait.ge [sflag:s17], $0x1000  }
0x1f3: {  	[sflag:s17] =	ssyncset.done $0x0  }
0x1f4: {  	[sflag:s17] =	ssyncadd.s32 $0xFFFFF000  }
0x1f5: {  	_ =	swait.ge [sflag:s16], $0x1000  }
0x1f6: {  	[sflag:s16] =	ssyncset.done $0x0  }
0x1f7: {  	[sflag:s16] =	ssyncadd.s32 $0xFFFFF000  }
0x1f8: {  	_ =	swait.ge [sflag:s17], $0x1000  }
0x1f9: {  	[sflag:s17] =	ssyncset.done $0x0  }
0x1fa: {  	[sflag:s17] =	ssyncadd.s32 $0xFFFFF000  }
0x1fb: {  	_ =	swait.ge [sflag:s16], $0x1000  }
0x1fc: {  	[sflag:s16] =	ssyncset.done $0x0  }
0x1fd: {  	[sflag:s16] =	ssyncadd.s32 $0xFFFFF000  }
0x1fe: {  	_ =	swait.ge [sflag:s17], $0x1000  }
0x1ff: {  	[sflag:s17] =	ssyncset.done $0x0  }
0x200: {  	[sflag:s17] =	ssyncadd.s32 $0xFFFFF000  }
0x201: {  	v48 =	vld [tilespmem:s20+$0xFFFFFFF0]  }
0x202: {  	v49 =	vld [tilespmem:s19+$0xFFFFFFF0];
	_ =	sdelay $0x3  }
0x203: {  	v34 =	vperm.xlane v48, v2  }
0x204: {  	v35 =	vperm.xlane v49, v2  }
0x205: {  	v34 =	vand.u32 $0x7F, v34  }
0x206: {  	v35 =	vand.u32 $0x7F, v35;
	v50 =	vor.u32 v25, v34  }
0x207: {  	v51 =	vor.u32 v25, v35  }
0x208: {  	v52 =	vor.u32 v26, v34  }
0x209: {  	v53 =	vor.u32 v26, v35  }
0x20a: {  	v54 =	vor.u32 v27, v34  }
0x20b: {  	v55 =	vor.u32 v27, v35;
	v36 =	vld.idx.msk [tilespmem:v50+s13+$0x0], $0xffff  }
0x20c: {  	v56 =	vor.u32 v28, v34;
	v37 =	vld.idx.msk [tilespmem:v51+s14+$0x0], $0xffff  }
0x20d: {  	v57 =	vor.u32 v28, v35;
	v38 =	vld.idx.msk [tilespmem:v52+s13+$0x0], $0xffff  }
0x20e: {  	v58 =	vor.u32 v29, v34;
	v39 =	vld.idx.msk [tilespmem:v53+s14+$0x0], $0xffff  }
0x20f: {  	v59 =	vor.u32 v29, v35;
	v40 =	vld.idx.msk [tilespmem:v54+s13+$0x0], $0xffff  }
0x210: {  	v60 =	vor.u32 v30, v34;
	v41 =	vld.idx.msk [tilespmem:v55+s14+$0x0], $0xffff  }
0x211: {  	v62 =	vor.u32 v30, v35;
	v61 =	vld.idx.msk [tilespmem:v56+s13+$0x0], $0xffff;
	v36 =	vmul.f32 v37, v36  }
0x212: {  	v63 =	vor.u32 v31, v34;
	v43 =	vld.idx.msk [tilespmem:v57+s14+$0x0], $0xffff  }
0x213: {  	v49 =	vor.u32 v31, v35;
	v48 =	vld.idx.msk [tilespmem:v58+s13+$0x0], $0xffff;
	v38 =	vmul.f32 v39, v38;
	v36 =	vadd.f32 $0.0e+00, v36  }
0x214: {  	v34 =	vor.u32 v32, v34;
	v45 =	vld.idx.msk [tilespmem:v59+s14+$0x0], $0xffff  }
0x215: {  	v35 =	vor.u32 v32, v35;
	v51 =	vld.idx.msk [tilespmem:v60+s13+$0x0], $0xffff;
	v50 =	vmul.f32 v41, v40;
	v36 =	vadd.f32 v38, v36  }
0x216: {  	v52 =	vld.idx.msk [tilespmem:v62+s14+$0x0], $0xffff  }
0x217: {  	v53 =	vld.idx.msk [tilespmem:v63+s13+$0x0], $0xffff;
	v37 =	vmul.f32 v43, v61;
	v36 =	vadd.f32 v50, v36  }
0x218: {  	v54 =	vld.idx.msk [tilespmem:v49+s14+$0x0], $0xffff  }
0x219: {  	v34 =	vld.idx.msk [tilespmem:v34+s13+$0x0], $0xffff;
	v55 =	vmul.f32 v45, v48;
	v36 =	vadd.f32 v37, v36  }
0x21a: {  	v35 =	vld.idx.msk [tilespmem:v35+s14+$0x0], $0xffff  }
0x21b: {  	v56 =	vmul.f32 v52, v51;
	v36 =	vadd.f32 v55, v36;
	_ =	sdelay $0x1  }
0x21c: {  	v57 =	vmul.f32 v54, v53;
	v36 =	vadd.f32 v56, v36;
	_ =	sdelay $0x1  }
0x21d: {  	v34 =	vmul.f32 v35, v34;
	v36 =	vadd.f32 v57, v36;
	_ =	sdelay $0x1  }
0x21e: {  	v34 =	vadd.f32 v34, v36;
	_ =	sdelay $0x1  }
0x21f: {  	v58 =	vperm.xlane v34, v14;
	_ =	sdelay $0x1  }
0x220: {  	v34 =	vadd.f32 v34, v58;
	_ =	sdelay $0x1  }
0x221: {  	s22 =	sadd.s32 $0x2, s18;
	v35 =	vperm.xlane v34, v15  }
0x222: {  	s3 =	sshll.u32 s22, $0x2  }
0x223: {  	v59 =	vmov s3;
	v34 =	vadd.f32 v34, v35  }
0x224: {  	s22 =	sand.u32 $0x3, s22;
	v60 =	vsub.s32 v1, v59  }
0x225: {  	v61 =	vmov s22;
	v34 =	vperm.xlane v34, v60  }
0x226: {  	s3 =	sadd.s32 $0x8, s21;
	vm15 =	veq.s32 v61, v16  }
0x227: {  	s22 =	sand.u32 $0x7F0, s3;
	v33 =	vsel vm15, v34, v33  }
0x228: {  	[tilespmem:s22+$0x19500] =	vst v33  }
0x229: {  	v62 =	vld [tilespmem:s20+$0x20];
	_ =	sdelay $0x1  }
0x22a: {  	v63 =	vld [tilespmem:s19+$0x20];
	_ =	sdelay $0x2  }
0x22b: {  	(v2sf) =	vpush v62, $0x0;
	_ =	sdelay $0x1  }
0x22c: {  	(v2sf) =	vpush v63, $0x0;
	_ =	sdelay $0x2  }
0x22d: {  	(v2sf) =	vpush v62, $0x1;
	_ =	sdelay $0x2  }
0x22e: {  	(v2sf) =	vpush v63, $0x1;
	_ =	sdelay $0x6  }
0x22f: {  	s3 =	spop (v2sf);
	(v2sf) =	vpush v62, $0x2;
	_ =	sdelay $0x1  }
0x230: {  	s22 =	sand.u32 $0xFFFFF80, s3;
	s3 =	spop (v2sf);
	(v2sf) =	vpush v63, $0x2  }
0x231: {  	s22 =	sadd.s32 s0, s22  }
0x232: {  	[tilespmem:s24], [sflag:$0x5] =	stream.strided.gather [hbm4b:s22+s12], $0x1000, s11, s12, $0x38;
	[tilespmem:$0x19780] =	vst v63  }
0x233: {  	s22 =	sand.u32 $0xFFFFF80, s3;
	s3 =	spop (v2sf);
	(v2sf) =	vpush v62, $0x3  }
0x234: {  	s22 =	sadd.s32 s1, s22  }
0x235: {  	[tilespmem:s25], [sflag:$0x6] =	stream.strided.gather [hbm4b:s22+s12], $0x1000, s11, s12, $0x38;
	[tilespmem:$0x19780] =	vst v63  }
0x236: {  	s22 =	sand.u32 $0xFFFFF80, s3;
	s3 =	spop (v2sf);
	(v2sf) =	vpush v63, $0x3;
	_ =	sdelay $0x1  }
0x237: {  	s22 =	sadd.s32 s0, s22  }
0x238: {  	[tilespmem:s26], [sflag:$0x5] =	stream.strided.gather [hbm4b:s22+s12], $0x1000, s11, s12, $0x38;
	[tilespmem:$0x19780] =	vst v63  }
0x239: {  	s22 =	sand.u32 $0xFFFFF80, s3  }
0x23a: {  	s22 =	sadd.s32 s1, s22  }
0x23b: {  	[tilespmem:s28], [sflag:$0x6] =	stream.strided.gather [hbm4b:s22+s12], $0x1000, s11, s12, $0x38;
	[tilespmem:$0x19780] =	vst v63  }
0x23c: {  	s3 =	spop (v2sf)  }
0x23d: {  	s22 =	sand.u32 $0xFFFFF80, s3  }
0x23e: {  	s3 =	spop (v2sf);
	s22 =	sadd.s32 s0, s22  }
0x23f: {  	[tilespmem:s29], [sflag:$0x5] =	stream.strided.gather [hbm4b:s22+s12], $0x1000, s11, s12, $0x38;
	[tilespmem:$0x19780] =	vst v63  }
0x240: {  	s22 =	sand.u32 $0xFFFFF80, s3  }
0x241: {  	s2 =	simm.s32 $0x18500;
	s3 =	spop (v2sf);
	s22 =	sadd.s32 s1, s22  }
0x242: {  	[tilespmem:s30], [sflag:$0x6] =	stream.strided.gather [hbm4b:s22+s12], $0x1000, s11, s12, $0x38;
	[tilespmem:$0x19780] =	vst v63  }
0x243: {  	p0 =	sne.s32 s21, $0x1F8;
	s23 =	simm.s32 $0xE500;
	s22 =	sand.u32 $0xFFFFF80, s3  }
.Ltmp1:
0x244: {  	s3 =	spop (v2sf);
	s22 =	sadd.s32 s0, s22;
	(pc) =	sbr.rel @p0 .LBB2_4-.Ltmp1, $4  }
0x245: {  	[tilespmem:s31], [sflag:$0x5] =	stream.strided.gather [hbm4b:s22+s12], $0x1000, s11, s12, $0x38;
	[tilespmem:$0x19780] =	vst v63  }
0x246: {  	s18 =	sadd.s32 $0x3, s18;
	s21 =	sadd.s32 $0xC, s21;
	s22 =	sand.u32 $0xFFFFF80, s3  }
0x247: {  	s19 =	sadd.s32 $0x30, s19;
	s20 =	sadd.s32 $0x30, s20;
	s22 =	sadd.s32 s1, s22  }
0x248: {  	[tilespmem:s2], [sflag:$0x6] =	stream.strided.gather [hbm4b:s22+s12], $0x1000, s11, s12, $0x38;
	[tilespmem:$0x19780] =	vst v63  }
0x249: {  	_ =	swait.ge [sflag:s8], $0x1000  }
0x24a: {  	[sflag:s8] =	ssyncset.done $0x0  }
0x24b: {  	[sflag:s8] =	ssyncadd.s32 $0xFFFFF000  }
0x24c: {  	_ =	swait.ge [sflag:s4], $0x1000  }
0x24d: {  	[sflag:s4] =	ssyncset.done $0x0  }
0x24e: {  	[sflag:s4] =	ssyncadd.s32 $0xFFFFF000  }
0x24f: {  	_ =	swait.ge [sflag:s8], $0x1000  }
0x250: {  	[sflag:s8] =	ssyncset.done $0x0  }
0x251: {  	[sflag:s8] =	ssyncadd.s32 $0xFFFFF000  }
0x252: {  	_ =	swait.ge [sflag:s4], $0x1000  }
0x253: {  	[sflag:s4] =	ssyncset.done $0x0  }
0x254: {  	[sflag:s4] =	ssyncadd.s32 $0xFFFFF000  }
0x255: {  	_ =	swait.ge [sflag:s8], $0x1000  }
0x256: {  	[sflag:s8] =	ssyncset.done $0x0  }
0x257: {  	[sflag:s8] =	ssyncadd.s32 $0xFFFFF000  }
0x258: {  	_ =	swait.ge [sflag:s4], $0x1000  }
0x259: {  	[sflag:s4] =	ssyncset.done $0x0  }
0x25a: {  	[sflag:s4] =	ssyncadd.s32 $0xFFFFF000  }
0x25b: {  	_ =	swait.ge [sflag:s8], $0x1000  }
0x25c: {  	[sflag:s8] =	ssyncset.done $0x0  }
0x25d: {  	[sflag:s8] =	ssyncadd.s32 $0xFFFFF000  }
0x25e: {  	_ =	swait.ge [sflag:s4], $0x1000  }
0x25f: {  	[sflag:s4] =	ssyncset.done $0x0  }
0x260: {  	[sflag:s4] =	ssyncadd.s32 $0xFFFFF000  }
0x261: {  	_ =	swait.ge [sflag:s9], $0x1000  }
0x262: {  	[sflag:s9] =	ssyncset.done $0x0  }
0x263: {  	[sflag:s9] =	ssyncadd.s32 $0xFFFFF000  }
0x264: {  	_ =	swait.ge [sflag:s15], $0x1000  }
0x265: {  	[sflag:s15] =	ssyncset.done $0x0  }
0x266: {  	[sflag:s15] =	ssyncadd.s32 $0xFFFFF000  }
0x267: {  	_ =	swait.ge [sflag:s9], $0x1000  }
0x268: {  	[sflag:s9] =	ssyncset.done $0x0  }
0x269: {  	[sflag:s9] =	ssyncadd.s32 $0xFFFFF000  }
0x26a: {  	_ =	swait.ge [sflag:s15], $0x1000  }
0x26b: {  	[sflag:s15] =	ssyncset.done $0x0  }
0x26c: {  	[sflag:s15] =	ssyncadd.s32 $0xFFFFF000  }
0x26d: {  	_ =	swait.ge [sflag:s9], $0x1000  }
0x26e: {  	[sflag:s9] =	ssyncset.done $0x0  }
0x26f: {  	[sflag:s9] =	ssyncadd.s32 $0xFFFFF000  }
0x270: {  	_ =	swait.ge [sflag:s15], $0x1000  }
0x271: {  	[sflag:s15] =	ssyncset.done $0x0  }
0x272: {  	[sflag:s15] =	ssyncadd.s32 $0xFFFFF000  }
0x273: {  	_ =	swait.ge [sflag:s9], $0x1000  }
0x274: {  	[sflag:s9] =	ssyncset.done $0x0  }
0x275: {  	[sflag:s9] =	ssyncadd.s32 $0xFFFFF000  }
0x276: {  	_ =	swait.ge [sflag:s15], $0x1000  }
0x277: {  	[sflag:s15] =	ssyncset.done $0x0  }
0x278: {  	[sflag:s15] =	ssyncadd.s32 $0xFFFFF000  }
0x279: {  	_ =	swait.ge [sflag:s16], $0x1000  }
0x27a: {  	[sflag:s16] =	ssyncset.done $0x0  }
0x27b: {  	[sflag:s16] =	ssyncadd.s32 $0xFFFFF000  }
0x27c: {  	_ =	swait.ge [sflag:s17], $0x1000  }
0x27d: {  	[sflag:s17] =	ssyncset.done $0x0  }
0x27e: {  	[sflag:s17] =	ssyncadd.s32 $0xFFFFF000  }
0x27f: {  	_ =	swait.ge [sflag:s16], $0x1000  }
0x280: {  	[sflag:s16] =	ssyncset.done $0x0  }
0x281: {  	[sflag:s16] =	ssyncadd.s32 $0xFFFFF000  }
0x282: {  	_ =	swait.ge [sflag:s17], $0x1000  }
0x283: {  	[sflag:s17] =	ssyncset.done $0x0  }
0x284: {  	[sflag:s17] =	ssyncadd.s32 $0xFFFFF000  }
0x285: {  	_ =	swait.ge [sflag:s16], $0x1000  }
0x286: {  	[sflag:s16] =	ssyncset.done $0x0  }
0x287: {  	[sflag:s16] =	ssyncadd.s32 $0xFFFFF000  }
0x288: {  	_ =	swait.ge [sflag:s17], $0x1000  }
0x289: {  	[sflag:s17] =	ssyncset.done $0x0  }
0x28a: {  	[sflag:s17] =	ssyncadd.s32 $0xFFFFF000  }
0x28b: {  	_ =	swait.ge [sflag:s16], $0x1000  }
0x28c: {  	[sflag:s16] =	ssyncset.done $0x0  }
0x28d: {  	[sflag:s16] =	ssyncadd.s32 $0xFFFFF000  }
0x28e: {  	_ =	swait.ge [sflag:s17], $0x1000  }
0x28f: {  	s18 =	simm.s32 $0x0;
	s2 =	simm.s32 $0x19500;
	[sflag:s17] =	ssyncset.done $0x0  }
0x290: {  	s20 =	simm.s32 $0x7;
	s19 =	rddreg [dreg:$0x8];
	[sflag:s17] =	ssyncadd.s32 $0xFFFFF000  }
0x291: {  	[hbm4b:s19+s18] =	stream.linear.scatter [tilespmem:s2], [sflag:$0x7], $0x200, $0x38;
	[tilespmem:$0x19780] =	vst v63  }
0x292: {  	_ =	swait.ge [sflag:s20], $0x200  }
0x293: {  	s23 =	rddreg [dreg:$0xa]  }
0x294: {  	s24 =	rddreg [dreg:$0x9];
	s2 =	sadd.s32 $0x1, s23  }
0x295: {  	p0 =	sne.s32 s2, s24  }
.Ltmp2:
0x296: {  	_ = 	snop;
	(pc) =	sbr.rel @p0 .LBB2_1-.Ltmp2, $3  }
0x297: {  	_ =	sdelay $0x1  }
0x298: {  	[sflag:s20] =	ssyncset.done $0x0  }
0x299: {  	[sflag:s20] =	ssyncadd.s32 $0xFFFFFE00  }
0x29a: {  	_ =	sfence.sel $0x180000  }
0x29b: {  	[bflag:$0x0] =	sbarrier.arrive $0xFFFF  }
0x29c: {  	_ =	strace $0x90000047  }
0x29d: {  	s0 =	stileid.u32;
	[bflag:$0x2] =	sbarrier.arrive $0xFFFF  }
0x29e: {  	p0 =	sne.s32 s0, $0x0;
	s0 =	rddreg [dreg:$0x5]  }
0x29f: {  	s0 =	sadd.s32 @!p0 $0x100000, s0  }
0x2a0: {  	[sflag:s0] =	ssyncadd.tile.s32 @!p0 $0x1;
	_ =	shalt  }
.Lfunc_end2:
_tile_overlayer_lowered:
.L_overlay_start_2:
0x2a1: {  	(tag) =	ssettag $0x2  }
0x2a2: {  	s0 =	rddreg [dreg:$0x0];
	s2 =	stileid.u32  }
0x2a3: {  	s1 =	rddreg [dreg:$0x1];
	p0 =	sne.s32 s2, $0x0  }
0x2a4: {  	s3 =	rddreg [dreg:$0x2];
	[bflag:$0x3] =	sbarrier.arrive $0xFFFF;
	s2 =	simm.s32 @!p0 $0x1C07  }
0x2a5: {  	[timem:s3], [sflag:s2] =	dma.local @!p0 [hbm:s0], s1  }
0x2a6: {  	s0 =	simm.s32 @!p0 $0x7  }
0x2a7: {  	_ =	swait.ge @!p0 [sflag:s0], s1  }
0x2a8: {  	s1 =	ssub.s32 @!p0 $0x0, s1;
	[sflag:s0] =	ssyncset.done @!p0 $0x0  }
0x2a9: {  	[sflag:s0] =	ssyncadd.s32 @!p0 s1  }
0x2aa: {  	[bflag:$0x3] =	sbarrier.arrive $0xFFFF  }
0x2ab: {  	_ =	shalt  }

</sc_bundles>
